<compile_context>
chip_gen: v7x
topology: tpu7x:2x2x1
jax: 0.10.2.dev20260603
libtpu: 0.0.44.dev20260713+nightly
codegen_flags: <defaults>
</compile_context>

<pallas_src>
import jax
import jax.numpy as jnp
from jax import lax
from jax.experimental import pallas as pl
from jax.experimental.pallas import tpu as pltpu
from jax.experimental.pallas import tpu_sc as plsc

VOCAB = 1000000
DIM = 64
B = 4096
S = 200
MAXS = 2048

NC = 2
NS = 16
NW = NC * NS
LANES = 16
BC = 256
NBCH = B // BC
NCHUNK = S * NBCH
CPW = NCHUNK // NW


def _body(ids_hbm, embed_hbm, pos_hbm, out_hbm,
          iv0, iv1, r0, r1, t0, t1, pos_v,
          si0, si1, sg0, sg1, so0, so1):
    iv = [iv0, iv1]
    rows = [r0, r1]
    tr = [t0, t1]
    si = [si0, si1]
    sg = [sg0, sg1]
    so = [so0, so1]

    wid = lax.axis_index("s") * NC + lax.axis_index("c")
    g0 = wid * CPW
    iota = lax.iota(jnp.int32, LANES)
    fhi = [(iota + LANES * fb) >> 3 for fb in range(DIM // LANES)]
    flo = [(iota + LANES * fb) & 7 for fb in range(DIM // LANES)]

    for k in range(2):
        pltpu.sync_copy(pos_hbm.at[:, k], pos_v.at[:, k])

    def idesc(t, p):
        g = g0 + t
        s = g >> 4
        s_hi, s_lo, b_hi = s >> 3, s & 7, g & (NBCH - 1)
        b2 = b_hi << 1
        return (
            pltpu.make_async_copy(
                ids_hbm.at[s_hi, b2, s_lo], iv[p].at[pl.ds(0, 128)], si[p]),
            pltpu.make_async_copy(
                ids_hbm.at[s_hi, b2 + 1, s_lo], iv[p].at[pl.ds(128, 128)],
                si[p]),
        )

    def gdesc(t, p):
        return (
            pltpu.make_async_copy(
                embed_hbm.at[iv[p].at[pl.ds(0, 128)]],
                rows[p].at[pl.ds(0, 128)], sg[p]),
            pltpu.make_async_copy(
                embed_hbm.at[iv[p].at[pl.ds(128, 128)]],
                rows[p].at[pl.ds(128, 128)], sg[p]),
        )

    def odesc(t, p):
        g = g0 + t
        s = g >> 4
        b2 = (g & (NBCH - 1)) << 1
        return (
            pltpu.make_async_copy(
                tr[p].at[:, 0, :, pl.ds(0, 128)],
                out_hbm.at[s, :, b2, :, :], so[p]),
            pltpu.make_async_copy(
                tr[p].at[:, 1, :, pl.ds(0, 128)],
                out_hbm.at[s, :, b2 + 1, :, :], so[p]),
        )

    for x in idesc(0, 0):
        x.start()
    for x in idesc(1, 1):
        x.start()
    for x in idesc(0, 0):
        x.wait()
    for x in gdesc(0, 0):
        x.start()

    def chunk_iter(tt, carry):
        for p in range(2):
            t = 2 * tt + p
            for x in gdesc(t, p):
                x.wait()

            @pl.when(t + 2 < CPW)
            def _():
                for x in idesc(t + 2, p):
                    x.start()

            @pl.when(t + 1 < CPW)
            def _():
                for x in idesc(t + 1, 1 - p):
                    x.wait()
                for x in gdesc(t + 1, 1 - p):
                    x.start()

            @pl.when(t >= 2)
            def _():
                for x in odesc(t - 2, p):
                    x.wait()

            s = (g0 + t) >> 4
            shi_sp = jnp.full((LANES,), s >> 7, jnp.int32)
            slo_sp = jnp.full((LANES,), s & 127, jnp.int32)
            posv = [plsc.load_gather(pos_v, [fhi[fb], shi_sp, flo[fb], slo_sp])
                    for fb in range(DIM // LANES)]

            def jbody(j4, c2, p=p, posv=posv):
                for ju in range(4):
                    j = 4 * j4 + ju
                    bh_sp = jnp.full((LANES,), j >> 7, jnp.int32)
                    bl_sp = jnp.full((LANES,), j & 127, jnp.int32)
                    for fb in range(DIM // LANES):
                        v = rows[p][j, pl.ds(LANES * fb, LANES)]
                        plsc.store_scatter(
                            tr[p], [fhi[fb], bh_sp, flo[fb], bl_sp],
                            v + posv[fb])
                return c2

            lax.fori_loop(0, BC // 4, jbody, 0)
            for x in odesc(t, p):
                x.start()
        return carry

    lax.fori_loop(0, CPW // 2, chunk_iter, 0)

    for x in odesc(CPW - 2, 0):
        x.wait()
    for x in odesc(CPW - 1, 1):
        x.wait()


@jax.jit
def _run(ids4, embed, pos4):
    mesh = plsc.VectorSubcoreMesh(core_axis_name="c", subcore_axis_name="s")
    f = pl.kernel(
        _body,
        out_type=jax.ShapeDtypeStruct((S, 8, B // 128, 8, 128), jnp.float32),
        mesh=mesh,
        scratch_types=[
            pltpu.VMEM((2 * 128,), jnp.int32),
            pltpu.VMEM((2 * 128,), jnp.int32),
            pltpu.VMEM((BC, DIM), jnp.float32),
            pltpu.VMEM((BC, DIM), jnp.float32),
            pltpu.VMEM((8, 2, 8, 129), jnp.float32),
            pltpu.VMEM((8, 2, 8, 129), jnp.float32),
            pltpu.VMEM((8, 2, 8, 128), jnp.float32),
        ] + [pltpu.SemaphoreType.DMA] * 6,
        compiler_params=pltpu.CompilerParams(
            use_tc_tiling_on_sc=False, needs_layout_passes=False),
    )
    return f(ids4, embed, pos4)


def kernel(input_ids, embed, pos):
    ids4 = (input_ids.astype(jnp.int32).T
            .reshape(S // 8, 8, B // 128, 128).transpose(0, 2, 1, 3))
    pos4 = pos[0].T.reshape(8, 8, MAXS // 128, 128).transpose(0, 2, 1, 3)
    out5 = _run(ids4, embed, pos4)
    return out5.transpose(2, 4, 0, 1, 3).reshape(B, S, DIM)

# --- scband reference (transcript-rebuilt; emitter-appended) ---
"""Pipeline reference for scband-unified-embedding-90486370992358 (READ-ONLY COPY).

The authoritative reference and input builder live on the scoring server;
editing this copy changes nothing except your own understanding.
"""

import jax, jax.numpy as jnp
import numpy as np

VOCAB = 1000000
DIM = 64
MAX_SEQ_LEN = 2048
B = 4096
S = 200


def setup_inputs(seed: int = 0) -> dict:
    key = jax.random.key(seed)
    k1, k2, k3 = jax.random.split(key, 3)
    input_ids = jax.random.randint(k1, (B, S), 0, VOCAB, dtype=jnp.int64 if jax.config.jax_enable_x64 else jnp.int32)
    embed = jax.random.normal(k2, (VOCAB, DIM), dtype=jnp.float32) * 0.02
    # nn.Embedding with padding_idx=0 zeros that row at init
    embed = embed.at[0].set(0.0)
    pos = jax.random.normal(k3, (1, MAX_SEQ_LEN, DIM), dtype=jnp.float32) * 0.02
    return {"input_ids": input_ids, "embed": embed, "pos": pos}


def reference(input_ids, embed, pos):
    b, s = input_ids.shape
    x = jnp.take(embed, input_ids, axis=0)
    x = x + pos[:, :s]
    return x

if __name__ == "__main__":
    import jax
    _d = setup_inputs()
    print(jax.jit(kernel)(*tuple(_d.values())))

</pallas_src>

<mosaic_0001>
#map = affine_map<(d0, d1) -> (0, 0, 0, 0)>
#map1 = affine_map<(d0, d1) -> (0, 0)>
#map2 = affine_map<(d0, d1) -> (0, 0, 0, 0, 0)>
module attributes {stable_mosaic.version = 14 : i64} {
  func.func @_body(%arg0: i32, %arg1: i32, %arg2: memref<25x32x8x128xi32, #tpu.memory_space<hbm>>, %arg3: memref<1000000x64xf32, #tpu.memory_space<hbm>>, %arg4: memref<8x16x8x128xf32, #tpu.memory_space<hbm>>, %arg5: memref<200x8x32x8x128xf32, #tpu.memory_space<hbm>>, %arg6: memref<256xi32, #tpu.memory_space<vmem>>, %arg7: memref<256xi32, #tpu.memory_space<vmem>>, %arg8: memref<256x64xf32, #tpu.memory_space<vmem>>, %arg9: memref<256x64xf32, #tpu.memory_space<vmem>>, %arg10: memref<8x2x8x129xf32, #tpu.memory_space<vmem>>, %arg11: memref<8x2x8x129xf32, #tpu.memory_space<vmem>>, %arg12: memref<8x2x8x128xf32, #tpu.memory_space<vmem>>, %arg13: memref<!tpu.dma_semaphore, #tpu.memory_space<semaphore_mem>>, %arg14: memref<!tpu.dma_semaphore, #tpu.memory_space<semaphore_mem>>, %arg15: memref<!tpu.dma_semaphore, #tpu.memory_space<semaphore_mem>>, %arg16: memref<!tpu.dma_semaphore, #tpu.memory_space<semaphore_mem>>, %arg17: memref<!tpu.dma_semaphore, #tpu.memory_space<semaphore_mem>>, %arg18: memref<!tpu.dma_semaphore, #tpu.memory_space<semaphore_mem>>) attributes {dimension_semantics = [#tpu.dimension_semantics<core_parallel>, #tpu.dimension_semantics<subcore_parallel>], iteration_bounds = array<i64: 2, 16>, scalar_prefetch = 0 : i64, scratch_operands = 13 : i64, tpu.core_type = #tpu.core_type<sc_vector_subcore>, window_params = [{transform_indices = #map}, {transform_indices = #map1}, {transform_indices = #map}, {transform_indices = #map2}]} {
    %mul3A = arith.constant 2 : i32
    %mul3A_0 = arith.muli %arg1, %mul3A : i32
    %add3A = arith.addi %mul3A_0, %arg0 : i32
    %mul3A_1 = arith.constant 100 : i32
    %mul3A_2 = arith.muli %add3A, %mul3A_1 : i32
    %iota3A = tpu.iota {dimensions = array<i32: 0>} : vector<16xi32>
    %add3A_3 = arith.constant 0 : i32
    %add3A_4 = vector.broadcast %add3A_3 : i32 to vector<16xi32>
    %add3A_5 = arith.addi %iota3A, %add3A_4 : vector<16xi32>
    %shift_right_arithmetic3A = arith.constant 3 : i32
    %shift_right_arithmetic3A_6 = vector.broadcast %shift_right_arithmetic3A : i32 to vector<16xi32>
    %shift_right_arithmetic3A_7 = arith.shrsi %add3A_5, %shift_right_arithmetic3A_6 : vector<16xi32>
    %add3A_8 = arith.constant 16 : i32
    %add3A_9 = vector.broadcast %add3A_8 : i32 to vector<16xi32>
    %add3A_10 = arith.addi %iota3A, %add3A_9 : vector<16xi32>
    %shift_right_arithmetic3A_11 = arith.constant 3 : i32
    %shift_right_arithmetic3A_12 = vector.broadcast %shift_right_arithmetic3A_11 : i32 to vector<16xi32>
    %shift_right_arithmetic3A_13 = arith.shrsi %add3A_10, %shift_right_arithmetic3A_12 : vector<16xi32>
    %add3A_14 = arith.constant 32 : i32
    %add3A_15 = vector.broadcast %add3A_14 : i32 to vector<16xi32>
    %add3A_16 = arith.addi %iota3A, %add3A_15 : vector<16xi32>
    %shift_right_arithmetic3A_17 = arith.constant 3 : i32
    %shift_right_arithmetic3A_18 = vector.broadcast %shift_right_arithmetic3A_17 : i32 to vector<16xi32>
    %shift_right_arithmetic3A_19 = arith.shrsi %add3A_16, %shift_right_arithmetic3A_18 : vector<16xi32>
    %add3A_20 = arith.constant 48 : i32
    %add3A_21 = vector.broadcast %add3A_20 : i32 to vector<16xi32>
    %add3A_22 = arith.addi %iota3A, %add3A_21 : vector<16xi32>
    %shift_right_arithmetic3A_23 = arith.constant 3 : i32
    %shift_right_arithmetic3A_24 = vector.broadcast %shift_right_arithmetic3A_23 : i32 to vector<16xi32>
    %shift_right_arithmetic3A_25 = arith.shrsi %add3A_22, %shift_right_arithmetic3A_24 : vector<16xi32>
    %add3A_26 = arith.constant 0 : i32
    %add3A_27 = vector.broadcast %add3A_26 : i32 to vector<16xi32>
    %add3A_28 = arith.addi %iota3A, %add3A_27 : vector<16xi32>
    %and3A = arith.constant 7 : i32
    %and3A_29 = vector.broadcast %and3A : i32 to vector<16xi32>
    %and3A_30 = arith.andi %add3A_28, %and3A_29 : vector<16xi32>
    %add3A_31 = arith.constant 16 : i32
    %add3A_32 = vector.broadcast %add3A_31 : i32 to vector<16xi32>
    %add3A_33 = arith.addi %iota3A, %add3A_32 : vector<16xi32>
    %and3A_34 = arith.constant 7 : i32
    %and3A_35 = vector.broadcast %and3A_34 : i32 to vector<16xi32>
    %and3A_36 = arith.andi %add3A_33, %and3A_35 : vector<16xi32>
    %add3A_37 = arith.constant 32 : i32
    %add3A_38 = vector.broadcast %add3A_37 : i32 to vector<16xi32>
    %add3A_39 = arith.addi %iota3A, %add3A_38 : vector<16xi32>
    %and3A_40 = arith.constant 7 : i32
    %and3A_41 = vector.broadcast %and3A_40 : i32 to vector<16xi32>
    %and3A_42 = arith.andi %add3A_39, %and3A_41 : vector<16xi32>
    %add3A_43 = arith.constant 48 : i32
    %add3A_44 = vector.broadcast %add3A_43 : i32 to vector<16xi32>
    %add3A_45 = arith.addi %iota3A, %add3A_44 : vector<16xi32>
    %and3A_46 = arith.constant 7 : i32
    %and3A_47 = vector.broadcast %and3A_46 : i32 to vector<16xi32>
    %and3A_48 = arith.andi %add3A_45, %and3A_47 : vector<16xi32>
    %run_scoped3A = arith.constant 0 : i32
    %run_scoped3A_49 = arith.constant 0 : i32
    "tpu.region"() ({
      %run_scoped3A_276 = tpu.sem_alloc : memref<!tpu.dma_semaphore, #tpu.memory_space<semaphore_mem>>
      %dma_start3A_277 = arith.constant 0 : i32
      %dma_start3A_278 = arith.constant 0 : i32
      %dma_start3A_279 = arith.constant 0 : i32
      %dma_start3A_280 = tpu.memref_slice %arg12[%dma_start3A_277, %run_scoped3A_49, %dma_start3A_278, %dma_start3A_279] : memref<8x2x8x128xf32, #tpu.memory_space<vmem>> -> memref<8x1x8x128xf32, #tpu.memory_space<vmem>>
      %dma_start3A_281 = tpu.memref_squeeze %dma_start3A_280 : memref<8x1x8x128xf32, #tpu.memory_space<vmem>> -> memref<8x8x128xf32, #tpu.memory_space<vmem>>
      %dma_start3A_282 = arith.constant 0 : i32
      %dma_start3A_283 = arith.constant 0 : i32
      %dma_start3A_284 = arith.constant 0 : i32
      %dma_start3A_285 = tpu.memref_slice %arg4[%dma_start3A_282, %run_scoped3A, %dma_start3A_283, %dma_start3A_284] : memref<8x16x8x128xf32, #tpu.memory_space<hbm>> -> memref<8x1x8x128xf32, #tpu.memory_space<hbm>>
      %dma_start3A_286 = tpu.memref_squeeze %dma_start3A_285 : memref<8x1x8x128xf32, #tpu.memory_space<hbm>> -> memref<8x8x128xf32, #tpu.memory_space<hbm>>
      %dma_start3A_287 = arith.constant 0 : i32
      %dma_start3A_288 = arith.constant 0 : i32
      %dma_start3A_289 = arith.constant 0 : i32
      %dma_start3A_290 = tpu.memref_slice %arg12[%dma_start3A_287, %run_scoped3A_49, %dma_start3A_288, %dma_start3A_289] : memref<8x2x8x128xf32, #tpu.memory_space<vmem>> -> memref<8x1x8x128xf32, #tpu.memory_space<vmem>>
      %dma_start3A_291 = tpu.memref_squeeze %dma_start3A_290 : memref<8x1x8x128xf32, #tpu.memory_space<vmem>> -> memref<8x8x128xf32, #tpu.memory_space<vmem>>
      %dma_start3A_292 = arith.constant 0 : i32
      %dma_start3A_293 = arith.constant 0 : i32
      %dma_start3A_294 = arith.constant 0 : i32
      %dma_start3A_295 = tpu.memref_slice %arg4[%dma_start3A_292, %run_scoped3A, %dma_start3A_293, %dma_start3A_294] : memref<8x16x8x128xf32, #tpu.memory_space<hbm>> -> memref<8x1x8x128xf32, #tpu.memory_space<hbm>>
      %dma_start3A_296 = tpu.memref_squeeze %dma_start3A_295 : memref<8x1x8x128xf32, #tpu.memory_space<hbm>> -> memref<8x8x128xf32, #tpu.memory_space<hbm>>
      tpu.enqueue_dma source(%dma_start3A_296 : memref<8x8x128xf32, #tpu.memory_space<hbm>>) target(%dma_start3A_291 : memref<8x8x128xf32, #tpu.memory_space<vmem>>) target_semaphore(%run_scoped3A_276 : memref<!tpu.dma_semaphore, #tpu.memory_space<semaphore_mem>>)
      %dma_wait3A_297 = arith.constant 0 : i32
      %dma_wait3A_298 = arith.constant 0 : i32
      %dma_wait3A_299 = arith.constant 0 : i32
      %dma_wait3A_300 = tpu.memref_slice %arg12[%dma_wait3A_297, %run_scoped3A_49, %dma_wait3A_298, %dma_wait3A_299] : memref<8x2x8x128xf32, #tpu.memory_space<vmem>> -> memref<8x1x8x128xf32, #tpu.memory_space<vmem>>
      %dma_wait3A_301 = tpu.memref_squeeze %dma_wait3A_300 : memref<8x1x8x128xf32, #tpu.memory_space<vmem>> -> memref<8x8x128xf32, #tpu.memory_space<vmem>>
      %dma_wait3A_302 = arith.constant 0 : i32
      %dma_wait3A_303 = arith.constant 0 : i32
      %dma_wait3A_304 = arith.constant 0 : i32
      %dma_wait3A_305 = tpu.memref_slice %arg4[%dma_wait3A_302, %run_scoped3A, %dma_wait3A_303, %dma_wait3A_304] : memref<8x16x8x128xf32, #tpu.memory_space<hbm>> -> memref<8x1x8x128xf32, #tpu.memory_space<hbm>>
      %dma_wait3A_306 = tpu.memref_squeeze %dma_wait3A_305 : memref<8x1x8x128xf32, #tpu.memory_space<hbm>> -> memref<8x8x128xf32, #tpu.memory_space<hbm>>
      %dma_wait3A_307 = arith.constant 0 : i32
      %dma_wait3A_308 = arith.constant 0 : i32
      %dma_wait3A_309 = arith.constant 0 : i32
      %dma_wait3A_310 = tpu.memref_slice %arg12[%dma_wait3A_307, %run_scoped3A_49, %dma_wait3A_308, %dma_wait3A_309] : memref<8x2x8x128xf32, #tpu.memory_space<vmem>> -> memref<8x1x8x128xf32, #tpu.memory_space<vmem>>
      %dma_wait3A_311 = tpu.memref_squeeze %dma_wait3A_310 : memref<8x1x8x128xf32, #tpu.memory_space<vmem>> -> memref<8x8x128xf32, #tpu.memory_space<vmem>>
      %dma_wait3A_312 = arith.constant 0 : i32
      %dma_wait3A_313 = arith.constant 0 : i32
      %dma_wait3A_314 = arith.constant 0 : i32
      %dma_wait3A_315 = tpu.memref_slice %arg4[%dma_wait3A_312, %run_scoped3A, %dma_wait3A_313, %dma_wait3A_314] : memref<8x16x8x128xf32, #tpu.memory_space<hbm>> -> memref<8x1x8x128xf32, #tpu.memory_space<hbm>>
      %dma_wait3A_316 = tpu.memref_squeeze %dma_wait3A_315 : memref<8x1x8x128xf32, #tpu.memory_space<hbm>> -> memref<8x8x128xf32, #tpu.memory_space<hbm>>
      tpu.wait_dma2 semaphore(%run_scoped3A_276 : memref<!tpu.dma_semaphore, #tpu.memory_space<semaphore_mem>>) src(%dma_wait3A_316 : memref<8x8x128xf32, #tpu.memory_space<hbm>>) dst(%dma_wait3A_311 : memref<8x8x128xf32, #tpu.memory_space<vmem>>)
      tpu.yield
    }) : () -> ()
    %run_scoped3A_50 = arith.constant 1 : i32
    %run_scoped3A_51 = arith.constant 1 : i32
    "tpu.region"() ({
      %run_scoped3A_276 = tpu.sem_alloc : memref<!tpu.dma_semaphore, #tpu.memory_space<semaphore_mem>>
      %dma_start3A_277 = arith.constant 0 : i32
      %dma_start3A_278 = arith.constant 0 : i32
      %dma_start3A_279 = arith.constant 0 : i32
      %dma_start3A_280 = tpu.memref_slice %arg12[%dma_start3A_277, %run_scoped3A_51, %dma_start3A_278, %dma_start3A_279] : memref<8x2x8x128xf32, #tpu.memory_space<vmem>> -> memref<8x1x8x128xf32, #tpu.memory_space<vmem>>
      %dma_start3A_281 = tpu.memref_squeeze %dma_start3A_280 : memref<8x1x8x128xf32, #tpu.memory_space<vmem>> -> memref<8x8x128xf32, #tpu.memory_space<vmem>>
      %dma_start3A_282 = arith.constant 0 : i32
      %dma_start3A_283 = arith.constant 0 : i32
      %dma_start3A_284 = arith.constant 0 : i32
      %dma_start3A_285 = tpu.memref_slice %arg4[%dma_start3A_282, %run_scoped3A_50, %dma_start3A_283, %dma_start3A_284] : memref<8x16x8x128xf32, #tpu.memory_space<hbm>> -> memref<8x1x8x128xf32, #tpu.memory_space<hbm>>
      %dma_start3A_286 = tpu.memref_squeeze %dma_start3A_285 : memref<8x1x8x128xf32, #tpu.memory_space<hbm>> -> memref<8x8x128xf32, #tpu.memory_space<hbm>>
      %dma_start3A_287 = arith.constant 0 : i32
      %dma_start3A_288 = arith.constant 0 : i32
      %dma_start3A_289 = arith.constant 0 : i32
      %dma_start3A_290 = tpu.memref_slice %arg12[%dma_start3A_287, %run_scoped3A_51, %dma_start3A_288, %dma_start3A_289] : memref<8x2x8x128xf32, #tpu.memory_space<vmem>> -> memref<8x1x8x128xf32, #tpu.memory_space<vmem>>
      %dma_start3A_291 = tpu.memref_squeeze %dma_start3A_290 : memref<8x1x8x128xf32, #tpu.memory_space<vmem>> -> memref<8x8x128xf32, #tpu.memory_space<vmem>>
      %dma_start3A_292 = arith.constant 0 : i32
      %dma_start3A_293 = arith.constant 0 : i32
      %dma_start3A_294 = arith.constant 0 : i32
      %dma_start3A_295 = tpu.memref_slice %arg4[%dma_start3A_292, %run_scoped3A_50, %dma_start3A_293, %dma_start3A_294] : memref<8x16x8x128xf32, #tpu.memory_space<hbm>> -> memref<8x1x8x128xf32, #tpu.memory_space<hbm>>
      %dma_start3A_296 = tpu.memref_squeeze %dma_start3A_295 : memref<8x1x8x128xf32, #tpu.memory_space<hbm>> -> memref<8x8x128xf32, #tpu.memory_space<hbm>>
      tpu.enqueue_dma source(%dma_start3A_296 : memref<8x8x128xf32, #tpu.memory_space<hbm>>) target(%dma_start3A_291 : memref<8x8x128xf32, #tpu.memory_space<vmem>>) target_semaphore(%run_scoped3A_276 : memref<!tpu.dma_semaphore, #tpu.memory_space<semaphore_mem>>)
      %dma_wait3A_297 = arith.constant 0 : i32
      %dma_wait3A_298 = arith.constant 0 : i32
      %dma_wait3A_299 = arith.constant 0 : i32
      %dma_wait3A_300 = tpu.memref_slice %arg12[%dma_wait3A_297, %run_scoped3A_51, %dma_wait3A_298, %dma_wait3A_299] : memref<8x2x8x128xf32, #tpu.memory_space<vmem>> -> memref<8x1x8x128xf32, #tpu.memory_space<vmem>>
      %dma_wait3A_301 = tpu.memref_squeeze %dma_wait3A_300 : memref<8x1x8x128xf32, #tpu.memory_space<vmem>> -> memref<8x8x128xf32, #tpu.memory_space<vmem>>
      %dma_wait3A_302 = arith.constant 0 : i32
      %dma_wait3A_303 = arith.constant 0 : i32
      %dma_wait3A_304 = arith.constant 0 : i32
      %dma_wait3A_305 = tpu.memref_slice %arg4[%dma_wait3A_302, %run_scoped3A_50, %dma_wait3A_303, %dma_wait3A_304] : memref<8x16x8x128xf32, #tpu.memory_space<hbm>> -> memref<8x1x8x128xf32, #tpu.memory_space<hbm>>
      %dma_wait3A_306 = tpu.memref_squeeze %dma_wait3A_305 : memref<8x1x8x128xf32, #tpu.memory_space<hbm>> -> memref<8x8x128xf32, #tpu.memory_space<hbm>>
      %dma_wait3A_307 = arith.constant 0 : i32
      %dma_wait3A_308 = arith.constant 0 : i32
      %dma_wait3A_309 = arith.constant 0 : i32
      %dma_wait3A_310 = tpu.memref_slice %arg12[%dma_wait3A_307, %run_scoped3A_51, %dma_wait3A_308, %dma_wait3A_309] : memref<8x2x8x128xf32, #tpu.memory_space<vmem>> -> memref<8x1x8x128xf32, #tpu.memory_space<vmem>>
      %dma_wait3A_311 = tpu.memref_squeeze %dma_wait3A_310 : memref<8x1x8x128xf32, #tpu.memory_space<vmem>> -> memref<8x8x128xf32, #tpu.memory_space<vmem>>
      %dma_wait3A_312 = arith.constant 0 : i32
      %dma_wait3A_313 = arith.constant 0 : i32
      %dma_wait3A_314 = arith.constant 0 : i32
      %dma_wait3A_315 = tpu.memref_slice %arg4[%dma_wait3A_312, %run_scoped3A_50, %dma_wait3A_313, %dma_wait3A_314] : memref<8x16x8x128xf32, #tpu.memory_space<hbm>> -> memref<8x1x8x128xf32, #tpu.memory_space<hbm>>
      %dma_wait3A_316 = tpu.memref_squeeze %dma_wait3A_315 : memref<8x1x8x128xf32, #tpu.memory_space<hbm>> -> memref<8x8x128xf32, #tpu.memory_space<hbm>>
      tpu.wait_dma2 semaphore(%run_scoped3A_276 : memref<!tpu.dma_semaphore, #tpu.memory_space<semaphore_mem>>) src(%dma_wait3A_316 : memref<8x8x128xf32, #tpu.memory_space<hbm>>) dst(%dma_wait3A_311 : memref<8x8x128xf32, #tpu.memory_space<vmem>>)
      tpu.yield
    }) : () -> ()
    %add3A_52 = arith.constant 0 : i32
    %add3A_53 = arith.addi %mul3A_2, %add3A_52 : i32
    %shift_right_arithmetic3A_54 = arith.constant 4 : i32
    %shift_right_arithmetic3A_55 = arith.shrsi %add3A_53, %shift_right_arithmetic3A_54 : i32
    %shift_right_arithmetic3A_56 = arith.constant 3 : i32
    %shift_right_arithmetic3A_57 = arith.shrsi %shift_right_arithmetic3A_55, %shift_right_arithmetic3A_56 : i32
    %and3A_58 = arith.constant 7 : i32
    %and3A_59 = arith.andi %shift_right_arithmetic3A_55, %and3A_58 : i32
    %and3A_60 = arith.constant 15 : i32
    %and3A_61 = arith.andi %add3A_53, %and3A_60 : i32
    %shift_left3A = arith.constant 1 : i32
    %shift_left3A_62 = arith.shli %and3A_61, %shift_left3A : i32
    %add3A_63 = arith.constant 1 : i32
    %add3A_64 = arith.addi %shift_left3A_62, %add3A_63 : i32
    %dma_start3A = arith.constant 0 : i32
    %dma_start3A_65 = tpu.memref_slice %arg6[%dma_start3A] : memref<256xi32, #tpu.memory_space<vmem>> -> memref<128xi32, #tpu.memory_space<vmem>>
    %dma_start3A_66 = arith.constant 0 : i32
    %dma_start3A_67 = tpu.memref_slice %arg2[%shift_right_arithmetic3A_57, %shift_left3A_62, %and3A_59, %dma_start3A_66] : memref<25x32x8x128xi32, #tpu.memory_space<hbm>> -> memref<1x1x1x128xi32, #tpu.memory_space<hbm>>
    %dma_start3A_68 = tpu.memref_squeeze %dma_start3A_67 : memref<1x1x1x128xi32, #tpu.memory_space<hbm>> -> memref<128xi32, #tpu.memory_space<hbm>>
    %dma_start3A_69 = arith.constant 0 : i32
    %dma_start3A_70 = tpu.memref_slice %arg6[%dma_start3A_69] : memref<256xi32, #tpu.memory_space<vmem>> -> memref<128xi32, #tpu.memory_space<vmem>>
    %dma_start3A_71 = arith.constant 0 : i32
    %dma_start3A_72 = tpu.memref_slice %arg2[%shift_right_arithmetic3A_57, %shift_left3A_62, %and3A_59, %dma_start3A_71] : memref<25x32x8x128xi32, #tpu.memory_space<hbm>> -> memref<1x1x1x128xi32, #tpu.memory_space<hbm>>
    %dma_start3A_73 = tpu.memref_squeeze %dma_start3A_72 : memref<1x1x1x128xi32, #tpu.memory_space<hbm>> -> memref<128xi32, #tpu.memory_space<hbm>>
    tpu.enqueue_dma source(%dma_start3A_73 : memref<128xi32, #tpu.memory_space<hbm>>) target(%dma_start3A_70 : memref<128xi32, #tpu.memory_space<vmem>>) target_semaphore(%arg13 : memref<!tpu.dma_semaphore, #tpu.memory_space<semaphore_mem>>)
    %dma_start3A_74 = arith.constant 128 : i32
    %dma_start3A_75 = tpu.memref_slice %arg6[%dma_start3A_74] : memref<256xi32, #tpu.memory_space<vmem>> -> memref<128xi32, #tpu.memory_space<vmem>>
    %dma_start3A_76 = arith.constant 0 : i32
    %dma_start3A_77 = tpu.memref_slice %arg2[%shift_right_arithmetic3A_57, %add3A_64, %and3A_59, %dma_start3A_76] : memref<25x32x8x128xi32, #tpu.memory_space<hbm>> -> memref<1x1x1x128xi32, #tpu.memory_space<hbm>>
    %dma_start3A_78 = tpu.memref_squeeze %dma_start3A_77 : memref<1x1x1x128xi32, #tpu.memory_space<hbm>> -> memref<128xi32, #tpu.memory_space<hbm>>
    %dma_start3A_79 = arith.constant 128 : i32
    %dma_start3A_80 = tpu.memref_slice %arg6[%dma_start3A_79] : memref<256xi32, #tpu.memory_space<vmem>> -> memref<128xi32, #tpu.memory_space<vmem>>
    %dma_start3A_81 = arith.constant 0 : i32
    %dma_start3A_82 = tpu.memref_slice %arg2[%shift_right_arithmetic3A_57, %add3A_64, %and3A_59, %dma_start3A_81] : memref<25x32x8x128xi32, #tpu.memory_space<hbm>> -> memref<1x1x1x128xi32, #tpu.memory_space<hbm>>
    %dma_start3A_83 = tpu.memref_squeeze %dma_start3A_82 : memref<1x1x1x128xi32, #tpu.memory_space<hbm>> -> memref<128xi32, #tpu.memory_space<hbm>>
    tpu.enqueue_dma source(%dma_start3A_83 : memref<128xi32, #tpu.memory_space<hbm>>) target(%dma_start3A_80 : memref<128xi32, #tpu.memory_space<vmem>>) target_semaphore(%arg13 : memref<!tpu.dma_semaphore, #tpu.memory_space<semaphore_mem>>)
    %add3A_84 = arith.constant 1 : i32
    %add3A_85 = arith.addi %mul3A_2, %add3A_84 : i32
    %shift_right_arithmetic3A_86 = arith.constant 4 : i32
    %shift_right_arithmetic3A_87 = arith.shrsi %add3A_85, %shift_right_arithmetic3A_86 : i32
    %shift_right_arithmetic3A_88 = arith.constant 3 : i32
    %shift_right_arithmetic3A_89 = arith.shrsi %shift_right_arithmetic3A_87, %shift_right_arithmetic3A_88 : i32
    %and3A_90 = arith.constant 7 : i32
    %and3A_91 = arith.andi %shift_right_arithmetic3A_87, %and3A_90 : i32
    %and3A_92 = arith.constant 15 : i32
    %and3A_93 = arith.andi %add3A_85, %and3A_92 : i32
    %shift_left3A_94 = arith.constant 1 : i32
    %shift_left3A_95 = arith.shli %and3A_93, %shift_left3A_94 : i32
    %add3A_96 = arith.constant 1 : i32
    %add3A_97 = arith.addi %shift_left3A_95, %add3A_96 : i32
    %dma_start3A_98 = arith.constant 0 : i32
    %dma_start3A_99 = tpu.memref_slice %arg7[%dma_start3A_98] : memref<256xi32, #tpu.memory_space<vmem>> -> memref<128xi32, #tpu.memory_space<vmem>>
    %dma_start3A_100 = arith.constant 0 : i32
    %dma_start3A_101 = tpu.memref_slice %arg2[%shift_right_arithmetic3A_89, %shift_left3A_95, %and3A_91, %dma_start3A_100] : memref<25x32x8x128xi32, #tpu.memory_space<hbm>> -> memref<1x1x1x128xi32, #tpu.memory_space<hbm>>
    %dma_start3A_102 = tpu.memref_squeeze %dma_start3A_101 : memref<1x1x1x128xi32, #tpu.memory_space<hbm>> -> memref<128xi32, #tpu.memory_space<hbm>>
    %dma_start3A_103 = arith.constant 0 : i32
    %dma_start3A_104 = tpu.memref_slice %arg7[%dma_start3A_103] : memref<256xi32, #tpu.memory_space<vmem>> -> memref<128xi32, #tpu.memory_space<vmem>>
    %dma_start3A_105 = arith.constant 0 : i32
    %dma_start3A_106 = tpu.memref_slice %arg2[%shift_right_arithmetic3A_89, %shift_left3A_95, %and3A_91, %dma_start3A_105] : memref<25x32x8x128xi32, #tpu.memory_space<hbm>> -> memref<1x1x1x128xi32, #tpu.memory_space<hbm>>
    %dma_start3A_107 = tpu.memref_squeeze %dma_start3A_106 : memref<1x1x1x128xi32, #tpu.memory_space<hbm>> -> memref<128xi32, #tpu.memory_space<hbm>>
    tpu.enqueue_dma source(%dma_start3A_107 : memref<128xi32, #tpu.memory_space<hbm>>) target(%dma_start3A_104 : memref<128xi32, #tpu.memory_space<vmem>>) target_semaphore(%arg14 : memref<!tpu.dma_semaphore, #tpu.memory_space<semaphore_mem>>)
    %dma_start3A_108 = arith.constant 128 : i32
    %dma_start3A_109 = tpu.memref_slice %arg7[%dma_start3A_108] : memref<256xi32, #tpu.memory_space<vmem>> -> memref<128xi32, #tpu.memory_space<vmem>>
    %dma_start3A_110 = arith.constant 0 : i32
    %dma_start3A_111 = tpu.memref_slice %arg2[%shift_right_arithmetic3A_89, %add3A_97, %and3A_91, %dma_start3A_110] : memref<25x32x8x128xi32, #tpu.memory_space<hbm>> -> memref<1x1x1x128xi32, #tpu.memory_space<hbm>>
    %dma_start3A_112 = tpu.memref_squeeze %dma_start3A_111 : memref<1x1x1x128xi32, #tpu.memory_space<hbm>> -> memref<128xi32, #tpu.memory_space<hbm>>
    %dma_start3A_113 = arith.constant 128 : i32
    %dma_start3A_114 = tpu.memref_slice %arg7[%dma_start3A_113] : memref<256xi32, #tpu.memory_space<vmem>> -> memref<128xi32, #tpu.memory_space<vmem>>
    %dma_start3A_115 = arith.constant 0 : i32
    %dma_start3A_116 = tpu.memref_slice %arg2[%shift_right_arithmetic3A_89, %add3A_97, %and3A_91, %dma_start3A_115] : memref<25x32x8x128xi32, #tpu.memory_space<hbm>> -> memref<1x1x1x128xi32, #tpu.memory_space<hbm>>
    %dma_start3A_117 = tpu.memref_squeeze %dma_start3A_116 : memref<1x1x1x128xi32, #tpu.memory_space<hbm>> -> memref<128xi32, #tpu.memory_space<hbm>>
    tpu.enqueue_dma source(%dma_start3A_117 : memref<128xi32, #tpu.memory_space<hbm>>) target(%dma_start3A_114 : memref<128xi32, #tpu.memory_space<vmem>>) target_semaphore(%arg14 : memref<!tpu.dma_semaphore, #tpu.memory_space<semaphore_mem>>)
    %add3A_118 = arith.constant 0 : i32
    %add3A_119 = arith.addi %mul3A_2, %add3A_118 : i32
    %shift_right_arithmetic3A_120 = arith.constant 4 : i32
    %shift_right_arithmetic3A_121 = arith.shrsi %add3A_119, %shift_right_arithmetic3A_120 : i32
    %shift_right_arithmetic3A_122 = arith.constant 3 : i32
    %shift_right_arithmetic3A_123 = arith.shrsi %shift_right_arithmetic3A_121, %shift_right_arithmetic3A_122 : i32
    %and3A_124 = arith.constant 7 : i32
    %and3A_125 = arith.andi %shift_right_arithmetic3A_121, %and3A_124 : i32
    %and3A_126 = arith.constant 15 : i32
    %and3A_127 = arith.andi %add3A_119, %and3A_126 : i32
    %shift_left3A_128 = arith.constant 1 : i32
    %shift_left3A_129 = arith.shli %and3A_127, %shift_left3A_128 : i32
    %add3A_130 = arith.constant 1 : i32
    %add3A_131 = arith.addi %shift_left3A_129, %add3A_130 : i32
    %dma_wait3A = arith.constant 0 : i32
    %dma_wait3A_132 = tpu.memref_slice %arg6[%dma_wait3A] : memref<256xi32, #tpu.memory_space<vmem>> -> memref<128xi32, #tpu.memory_space<vmem>>
    %dma_wait3A_133 = arith.constant 0 : i32
    %dma_wait3A_134 = tpu.memref_slice %arg2[%shift_right_arithmetic3A_123, %shift_left3A_129, %and3A_125, %dma_wait3A_133] : memref<25x32x8x128xi32, #tpu.memory_space<hbm>> -> memref<1x1x1x128xi32, #tpu.memory_space<hbm>>
    %dma_wait3A_135 = tpu.memref_squeeze %dma_wait3A_134 : memref<1x1x1x128xi32, #tpu.memory_space<hbm>> -> memref<128xi32, #tpu.memory_space<hbm>>
    %dma_wait3A_136 = arith.constant 0 : i32
    %dma_wait3A_137 = tpu.memref_slice %arg6[%dma_wait3A_136] : memref<256xi32, #tpu.memory_space<vmem>> -> memref<128xi32, #tpu.memory_space<vmem>>
    %dma_wait3A_138 = arith.constant 0 : i32
    %dma_wait3A_139 = tpu.memref_slice %arg2[%shift_right_arithmetic3A_123, %shift_left3A_129, %and3A_125, %dma_wait3A_138] : memref<25x32x8x128xi32, #tpu.memory_space<hbm>> -> memref<1x1x1x128xi32, #tpu.memory_space<hbm>>
    %dma_wait3A_140 = tpu.memref_squeeze %dma_wait3A_139 : memref<1x1x1x128xi32, #tpu.memory_space<hbm>> -> memref<128xi32, #tpu.memory_space<hbm>>
    tpu.wait_dma2 semaphore(%arg13 : memref<!tpu.dma_semaphore, #tpu.memory_space<semaphore_mem>>) src(%dma_wait3A_140 : memref<128xi32, #tpu.memory_space<hbm>>) dst(%dma_wait3A_137 : memref<128xi32, #tpu.memory_space<vmem>>)
    %dma_wait3A_141 = arith.constant 128 : i32
    %dma_wait3A_142 = tpu.memref_slice %arg6[%dma_wait3A_141] : memref<256xi32, #tpu.memory_space<vmem>> -> memref<128xi32, #tpu.memory_space<vmem>>
    %dma_wait3A_143 = arith.constant 0 : i32
    %dma_wait3A_144 = tpu.memref_slice %arg2[%shift_right_arithmetic3A_123, %add3A_131, %and3A_125, %dma_wait3A_143] : memref<25x32x8x128xi32, #tpu.memory_space<hbm>> -> memref<1x1x1x128xi32, #tpu.memory_space<hbm>>
    %dma_wait3A_145 = tpu.memref_squeeze %dma_wait3A_144 : memref<1x1x1x128xi32, #tpu.memory_space<hbm>> -> memref<128xi32, #tpu.memory_space<hbm>>
    %dma_wait3A_146 = arith.constant 128 : i32
    %dma_wait3A_147 = tpu.memref_slice %arg6[%dma_wait3A_146] : memref<256xi32, #tpu.memory_space<vmem>> -> memref<128xi32, #tpu.memory_space<vmem>>
    %dma_wait3A_148 = arith.constant 0 : i32
    %dma_wait3A_149 = tpu.memref_slice %arg2[%shift_right_arithmetic3A_123, %add3A_131, %and3A_125, %dma_wait3A_148] : memref<25x32x8x128xi32, #tpu.memory_space<hbm>> -> memref<1x1x1x128xi32, #tpu.memory_space<hbm>>
    %dma_wait3A_150 = tpu.memref_squeeze %dma_wait3A_149 : memref<1x1x1x128xi32, #tpu.memory_space<hbm>> -> memref<128xi32, #tpu.memory_space<hbm>>
    tpu.wait_dma2 semaphore(%arg13 : memref<!tpu.dma_semaphore, #tpu.memory_space<semaphore_mem>>) src(%dma_wait3A_150 : memref<128xi32, #tpu.memory_space<hbm>>) dst(%dma_wait3A_147 : memref<128xi32, #tpu.memory_space<vmem>>)
    %dma_start3A_151 = arith.constant 0 : i32
    %dma_start3A_152 = arith.constant 0 : i32
    %dma_start3A_153 = tpu.memref_slice %arg8[%dma_start3A_151, %dma_start3A_152] : memref<256x64xf32, #tpu.memory_space<vmem>> -> memref<128x64xf32, #tpu.memory_space<vmem>>
    %dma_start3A_154 = arith.constant 0 : i32
    %dma_start3A_155 = tpu.memref_slice %arg6[%dma_start3A_154] : memref<256xi32, #tpu.memory_space<vmem>> -> memref<128xi32, #tpu.memory_space<vmem>>
    %dma_start3A_156 = arith.constant 0 : i32
    %dma_start3A_157 = arith.constant 0 : i32
    %dma_start3A_158 = tpu.memref_slice %arg3[%dma_start3A_156, %dma_start3A_157] : memref<1000000x64xf32, #tpu.memory_space<hbm>> -> memref<1000000x64xf32, #tpu.memory_space<hbm>>
    tpu.enqueue_indirect_dma source(%dma_start3A_158 : memref<1000000x64xf32, #tpu.memory_space<hbm>>) target(%dma_start3A_153 : memref<128x64xf32, #tpu.memory_space<vmem>>) offsets(%dma_start3A_155 : memref<128xi32, #tpu.memory_space<vmem>>) semaphore(%arg15 : memref<!tpu.dma_semaphore, #tpu.memory_space<semaphore_mem>>)
    %dma_start3A_159 = arith.constant 128 : i32
    %dma_start3A_160 = arith.constant 0 : i32
    %dma_start3A_161 = tpu.memref_slice %arg8[%dma_start3A_159, %dma_start3A_160] : memref<256x64xf32, #tpu.memory_space<vmem>> -> memref<128x64xf32, #tpu.memory_space<vmem>>
    %dma_start3A_162 = arith.constant 128 : i32
    %dma_start3A_163 = tpu.memref_slice %arg6[%dma_start3A_162] : memref<256xi32, #tpu.memory_space<vmem>> -> memref<128xi32, #tpu.memory_space<vmem>>
    %dma_start3A_164 = arith.constant 0 : i32
    %dma_start3A_165 = arith.constant 0 : i32
    %dma_start3A_166 = tpu.memref_slice %arg3[%dma_start3A_164, %dma_start3A_165] : memref<1000000x64xf32, #tpu.memory_space<hbm>> -> memref<1000000x64xf32, #tpu.memory_space<hbm>>
    tpu.enqueue_indirect_dma source(%dma_start3A_166 : memref<1000000x64xf32, #tpu.memory_space<hbm>>) target(%dma_start3A_161 : memref<128x64xf32, #tpu.memory_space<vmem>>) offsets(%dma_start3A_163 : memref<128xi32, #tpu.memory_space<vmem>>) semaphore(%arg15 : memref<!tpu.dma_semaphore, #tpu.memory_space<semaphore_mem>>)
    %scan3A = arith.constant 0 : i32
    %scan3A_167 = arith.constant 0 : i32
    %scan3A_168 = arith.constant 50 : i32
    %scan3A_169 = arith.addi %scan3A_167, %scan3A_168 : i32
    %scan3A_170 = arith.constant 1 : i32
    scf.for %scan3A_276 = %scan3A_167 to %scan3A_169 step %scan3A_170  : i32 {
      %mul3A_277 = arith.constant 2 : i32
      %mul3A_278 = arith.muli %mul3A_277, %scan3A_276 : i32
      %add3A_279 = arith.constant 0 : i32
      %add3A_280 = arith.addi %mul3A_278, %add3A_279 : i32
      %dma_wait3A_281 = arith.constant 0 : i32
      %dma_wait3A_282 = arith.constant 0 : i32
      %dma_wait3A_283 = tpu.memref_slice %arg8[%dma_wait3A_281, %dma_wait3A_282] : memref<256x64xf32, #tpu.memory_space<vmem>> -> memref<128x64xf32, #tpu.memory_space<vmem>>
      %dma_wait3A_284 = arith.constant 0 : i32
      %dma_wait3A_285 = tpu.memref_slice %arg6[%dma_wait3A_284] : memref<256xi32, #tpu.memory_space<vmem>> -> memref<128xi32, #tpu.memory_space<vmem>>
      %dma_wait3A_286 = arith.constant 0 : i32
      %dma_wait3A_287 = arith.constant 0 : i32
      %dma_wait3A_288 = tpu.memref_slice %arg3[%dma_wait3A_286, %dma_wait3A_287] : memref<1000000x64xf32, #tpu.memory_space<hbm>> -> memref<1000000x64xf32, #tpu.memory_space<hbm>>
      tpu.wait_indirect_dma semaphore(%arg15 : memref<!tpu.dma_semaphore, #tpu.memory_space<semaphore_mem>>) src(%dma_wait3A_288 : memref<1000000x64xf32, #tpu.memory_space<hbm>>) dst(%dma_wait3A_283 : memref<128x64xf32, #tpu.memory_space<vmem>>)
      %dma_wait3A_289 = arith.constant 128 : i32
      %dma_wait3A_290 = arith.constant 0 : i32
      %dma_wait3A_291 = tpu.memref_slice %arg8[%dma_wait3A_289, %dma_wait3A_290] : memref<256x64xf32, #tpu.memory_space<vmem>> -> memref<128x64xf32, #tpu.memory_space<vmem>>
      %dma_wait3A_292 = arith.constant 128 : i32
      %dma_wait3A_293 = tpu.memref_slice %arg6[%dma_wait3A_292] : memref<256xi32, #tpu.memory_space<vmem>> -> memref<128xi32, #tpu.memory_space<vmem>>
      %dma_wait3A_294 = arith.constant 0 : i32
      %dma_wait3A_295 = arith.constant 0 : i32
      %dma_wait3A_296 = tpu.memref_slice %arg3[%dma_wait3A_294, %dma_wait3A_295] : memref<1000000x64xf32, #tpu.memory_space<hbm>> -> memref<1000000x64xf32, #tpu.memory_space<hbm>>
      tpu.wait_indirect_dma semaphore(%arg15 : memref<!tpu.dma_semaphore, #tpu.memory_space<semaphore_mem>>) src(%dma_wait3A_296 : memref<1000000x64xf32, #tpu.memory_space<hbm>>) dst(%dma_wait3A_291 : memref<128x64xf32, #tpu.memory_space<vmem>>)
      %add3A_297 = arith.constant 2 : i32
      %add3A_298 = arith.addi %add3A_280, %add3A_297 : i32
      %lt3A = arith.constant 100 : i32
      %lt3A_299 = arith.cmpi slt, %add3A_298, %lt3A : i32
      %convert_element_type3A = arith.extui %lt3A_299 : i1 to i32
      %cond3A = arith.constant 0 : i32
      %cond3A_300 = arith.cmpi ne, %convert_element_type3A, %cond3A : i32
      scf.if %cond3A_300 {
        %add3A_489 = arith.constant 2 : i32
        %add3A_490 = arith.addi %add3A_280, %add3A_489 : i32
        %add3A_491 = arith.addi %mul3A_2, %add3A_490 : i32
        %shift_right_arithmetic3A_492 = arith.constant 4 : i32
        %shift_right_arithmetic3A_493 = arith.shrsi %add3A_491, %shift_right_arithmetic3A_492 : i32
        %shift_right_arithmetic3A_494 = arith.constant 3 : i32
        %shift_right_arithmetic3A_495 = arith.shrsi %shift_right_arithmetic3A_493, %shift_right_arithmetic3A_494 : i32
        %and3A_496 = arith.constant 7 : i32
        %and3A_497 = arith.andi %shift_right_arithmetic3A_493, %and3A_496 : i32
        %and3A_498 = arith.constant 15 : i32
        %and3A_499 = arith.andi %add3A_491, %and3A_498 : i32
        %shift_left3A_500 = arith.constant 1 : i32
        %shift_left3A_501 = arith.shli %and3A_499, %shift_left3A_500 : i32
        %add3A_502 = arith.constant 1 : i32
        %add3A_503 = arith.addi %shift_left3A_501, %add3A_502 : i32
        %dma_start3A_504 = arith.constant 0 : i32
        %dma_start3A_505 = tpu.memref_slice %arg6[%dma_start3A_504] : memref<256xi32, #tpu.memory_space<vmem>> -> memref<128xi32, #tpu.memory_space<vmem>>
        %dma_start3A_506 = arith.constant 0 : i32
        %dma_start3A_507 = tpu.memref_slice %arg2[%shift_right_arithmetic3A_495, %shift_left3A_501, %and3A_497, %dma_start3A_506] : memref<25x32x8x128xi32, #tpu.memory_space<hbm>> -> memref<1x1x1x128xi32, #tpu.memory_space<hbm>>
        %dma_start3A_508 = tpu.memref_squeeze %dma_start3A_507 : memref<1x1x1x128xi32, #tpu.memory_space<hbm>> -> memref<128xi32, #tpu.memory_space<hbm>>
        %dma_start3A_509 = arith.constant 0 : i32
        %dma_start3A_510 = tpu.memref_slice %arg6[%dma_start3A_509] : memref<256xi32, #tpu.memory_space<vmem>> -> memref<128xi32, #tpu.memory_space<vmem>>
        %dma_start3A_511 = arith.constant 0 : i32
        %dma_start3A_512 = tpu.memref_slice %arg2[%shift_right_arithmetic3A_495, %shift_left3A_501, %and3A_497, %dma_start3A_511] : memref<25x32x8x128xi32, #tpu.memory_space<hbm>> -> memref<1x1x1x128xi32, #tpu.memory_space<hbm>>
        %dma_start3A_513 = tpu.memref_squeeze %dma_start3A_512 : memref<1x1x1x128xi32, #tpu.memory_space<hbm>> -> memref<128xi32, #tpu.memory_space<hbm>>
        tpu.enqueue_dma source(%dma_start3A_513 : memref<128xi32, #tpu.memory_space<hbm>>) target(%dma_start3A_510 : memref<128xi32, #tpu.memory_space<vmem>>) target_semaphore(%arg13 : memref<!tpu.dma_semaphore, #tpu.memory_space<semaphore_mem>>)
        %dma_start3A_514 = arith.constant 128 : i32
        %dma_start3A_515 = tpu.memref_slice %arg6[%dma_start3A_514] : memref<256xi32, #tpu.memory_space<vmem>> -> memref<128xi32, #tpu.memory_space<vmem>>
        %dma_start3A_516 = arith.constant 0 : i32
        %dma_start3A_517 = tpu.memref_slice %arg2[%shift_right_arithmetic3A_495, %add3A_503, %and3A_497, %dma_start3A_516] : memref<25x32x8x128xi32, #tpu.memory_space<hbm>> -> memref<1x1x1x128xi32, #tpu.memory_space<hbm>>
        %dma_start3A_518 = tpu.memref_squeeze %dma_start3A_517 : memref<1x1x1x128xi32, #tpu.memory_space<hbm>> -> memref<128xi32, #tpu.memory_space<hbm>>
        %dma_start3A_519 = arith.constant 128 : i32
        %dma_start3A_520 = tpu.memref_slice %arg6[%dma_start3A_519] : memref<256xi32, #tpu.memory_space<vmem>> -> memref<128xi32, #tpu.memory_space<vmem>>
        %dma_start3A_521 = arith.constant 0 : i32
        %dma_start3A_522 = tpu.memref_slice %arg2[%shift_right_arithmetic3A_495, %add3A_503, %and3A_497, %dma_start3A_521] : memref<25x32x8x128xi32, #tpu.memory_space<hbm>> -> memref<1x1x1x128xi32, #tpu.memory_space<hbm>>
        %dma_start3A_523 = tpu.memref_squeeze %dma_start3A_522 : memref<1x1x1x128xi32, #tpu.memory_space<hbm>> -> memref<128xi32, #tpu.memory_space<hbm>>
        tpu.enqueue_dma source(%dma_start3A_523 : memref<128xi32, #tpu.memory_space<hbm>>) target(%dma_start3A_520 : memref<128xi32, #tpu.memory_space<vmem>>) target_semaphore(%arg13 : memref<!tpu.dma_semaphore, #tpu.memory_space<semaphore_mem>>)
      } else {
      }
      %add3A_301 = arith.constant 1 : i32
      %add3A_302 = arith.addi %add3A_280, %add3A_301 : i32
      %lt3A_303 = arith.constant 100 : i32
      %lt3A_304 = arith.cmpi slt, %add3A_302, %lt3A_303 : i32
      %convert_element_type3A_305 = arith.extui %lt3A_304 : i1 to i32
      %cond3A_306 = arith.constant 0 : i32
      %cond3A_307 = arith.cmpi ne, %convert_element_type3A_305, %cond3A_306 : i32
      scf.if %cond3A_307 {
        %add3A_489 = arith.constant 1 : i32
        %add3A_490 = arith.addi %add3A_280, %add3A_489 : i32
        %add3A_491 = arith.addi %mul3A_2, %add3A_490 : i32
        %shift_right_arithmetic3A_492 = arith.constant 4 : i32
        %shift_right_arithmetic3A_493 = arith.shrsi %add3A_491, %shift_right_arithmetic3A_492 : i32
        %shift_right_arithmetic3A_494 = arith.constant 3 : i32
        %shift_right_arithmetic3A_495 = arith.shrsi %shift_right_arithmetic3A_493, %shift_right_arithmetic3A_494 : i32
        %and3A_496 = arith.constant 7 : i32
        %and3A_497 = arith.andi %shift_right_arithmetic3A_493, %and3A_496 : i32
        %and3A_498 = arith.constant 15 : i32
        %and3A_499 = arith.andi %add3A_491, %and3A_498 : i32
        %shift_left3A_500 = arith.constant 1 : i32
        %shift_left3A_501 = arith.shli %and3A_499, %shift_left3A_500 : i32
        %add3A_502 = arith.constant 1 : i32
        %add3A_503 = arith.addi %shift_left3A_501, %add3A_502 : i32
        %dma_wait3A_504 = arith.constant 0 : i32
        %dma_wait3A_505 = tpu.memref_slice %arg7[%dma_wait3A_504] : memref<256xi32, #tpu.memory_space<vmem>> -> memref<128xi32, #tpu.memory_space<vmem>>
        %dma_wait3A_506 = arith.constant 0 : i32
        %dma_wait3A_507 = tpu.memref_slice %arg2[%shift_right_arithmetic3A_495, %shift_left3A_501, %and3A_497, %dma_wait3A_506] : memref<25x32x8x128xi32, #tpu.memory_space<hbm>> -> memref<1x1x1x128xi32, #tpu.memory_space<hbm>>
        %dma_wait3A_508 = tpu.memref_squeeze %dma_wait3A_507 : memref<1x1x1x128xi32, #tpu.memory_space<hbm>> -> memref<128xi32, #tpu.memory_space<hbm>>
        %dma_wait3A_509 = arith.constant 0 : i32
        %dma_wait3A_510 = tpu.memref_slice %arg7[%dma_wait3A_509] : memref<256xi32, #tpu.memory_space<vmem>> -> memref<128xi32, #tpu.memory_space<vmem>>
        %dma_wait3A_511 = arith.constant 0 : i32
        %dma_wait3A_512 = tpu.memref_slice %arg2[%shift_right_arithmetic3A_495, %shift_left3A_501, %and3A_497, %dma_wait3A_511] : memref<25x32x8x128xi32, #tpu.memory_space<hbm>> -> memref<1x1x1x128xi32, #tpu.memory_space<hbm>>
        %dma_wait3A_513 = tpu.memref_squeeze %dma_wait3A_512 : memref<1x1x1x128xi32, #tpu.memory_space<hbm>> -> memref<128xi32, #tpu.memory_space<hbm>>
        tpu.wait_dma2 semaphore(%arg14 : memref<!tpu.dma_semaphore, #tpu.memory_space<semaphore_mem>>) src(%dma_wait3A_513 : memref<128xi32, #tpu.memory_space<hbm>>) dst(%dma_wait3A_510 : memref<128xi32, #tpu.memory_space<vmem>>)
        %dma_wait3A_514 = arith.constant 128 : i32
        %dma_wait3A_515 = tpu.memref_slice %arg7[%dma_wait3A_514] : memref<256xi32, #tpu.memory_space<vmem>> -> memref<128xi32, #tpu.memory_space<vmem>>
        %dma_wait3A_516 = arith.constant 0 : i32
        %dma_wait3A_517 = tpu.memref_slice %arg2[%shift_right_arithmetic3A_495, %add3A_503, %and3A_497, %dma_wait3A_516] : memref<25x32x8x128xi32, #tpu.memory_space<hbm>> -> memref<1x1x1x128xi32, #tpu.memory_space<hbm>>
        %dma_wait3A_518 = tpu.memref_squeeze %dma_wait3A_517 : memref<1x1x1x128xi32, #tpu.memory_space<hbm>> -> memref<128xi32, #tpu.memory_space<hbm>>
        %dma_wait3A_519 = arith.constant 128 : i32
        %dma_wait3A_520 = tpu.memref_slice %arg7[%dma_wait3A_519] : memref<256xi32, #tpu.memory_space<vmem>> -> memref<128xi32, #tpu.memory_space<vmem>>
        %dma_wait3A_521 = arith.constant 0 : i32
        %dma_wait3A_522 = tpu.memref_slice %arg2[%shift_right_arithmetic3A_495, %add3A_503, %and3A_497, %dma_wait3A_521] : memref<25x32x8x128xi32, #tpu.memory_space<hbm>> -> memref<1x1x1x128xi32, #tpu.memory_space<hbm>>
        %dma_wait3A_523 = tpu.memref_squeeze %dma_wait3A_522 : memref<1x1x1x128xi32, #tpu.memory_space<hbm>> -> memref<128xi32, #tpu.memory_space<hbm>>
        tpu.wait_dma2 semaphore(%arg14 : memref<!tpu.dma_semaphore, #tpu.memory_space<semaphore_mem>>) src(%dma_wait3A_523 : memref<128xi32, #tpu.memory_space<hbm>>) dst(%dma_wait3A_520 : memref<128xi32, #tpu.memory_space<vmem>>)
        %add3A_524 = arith.constant 1 : i32
        %add3A_525 = arith.addi %add3A_280, %add3A_524 : i32
        %dma_start3A_526 = arith.constant 0 : i32
        %dma_start3A_527 = arith.constant 0 : i32
        %dma_start3A_528 = tpu.memref_slice %arg9[%dma_start3A_526, %dma_start3A_527] : memref<256x64xf32, #tpu.memory_space<vmem>> -> memref<128x64xf32, #tpu.memory_space<vmem>>
        %dma_start3A_529 = arith.constant 0 : i32
        %dma_start3A_530 = tpu.memref_slice %arg7[%dma_start3A_529] : memref<256xi32, #tpu.memory_space<vmem>> -> memref<128xi32, #tpu.memory_space<vmem>>
        %dma_start3A_531 = arith.constant 0 : i32
        %dma_start3A_532 = arith.constant 0 : i32
        %dma_start3A_533 = tpu.memref_slice %arg3[%dma_start3A_531, %dma_start3A_532] : memref<1000000x64xf32, #tpu.memory_space<hbm>> -> memref<1000000x64xf32, #tpu.memory_space<hbm>>
        tpu.enqueue_indirect_dma source(%dma_start3A_533 : memref<1000000x64xf32, #tpu.memory_space<hbm>>) target(%dma_start3A_528 : memref<128x64xf32, #tpu.memory_space<vmem>>) offsets(%dma_start3A_530 : memref<128xi32, #tpu.memory_space<vmem>>) semaphore(%arg16 : memref<!tpu.dma_semaphore, #tpu.memory_space<semaphore_mem>>)
        %dma_start3A_534 = arith.constant 128 : i32
        %dma_start3A_535 = arith.constant 0 : i32
        %dma_start3A_536 = tpu.memref_slice %arg9[%dma_start3A_534, %dma_start3A_535] : memref<256x64xf32, #tpu.memory_space<vmem>> -> memref<128x64xf32, #tpu.memory_space<vmem>>
        %dma_start3A_537 = arith.constant 128 : i32
        %dma_start3A_538 = tpu.memref_slice %arg7[%dma_start3A_537] : memref<256xi32, #tpu.memory_space<vmem>> -> memref<128xi32, #tpu.memory_space<vmem>>
        %dma_start3A_539 = arith.constant 0 : i32
        %dma_start3A_540 = arith.constant 0 : i32
        %dma_start3A_541 = tpu.memref_slice %arg3[%dma_start3A_539, %dma_start3A_540] : memref<1000000x64xf32, #tpu.memory_space<hbm>> -> memref<1000000x64xf32, #tpu.memory_space<hbm>>
        tpu.enqueue_indirect_dma source(%dma_start3A_541 : memref<1000000x64xf32, #tpu.memory_space<hbm>>) target(%dma_start3A_536 : memref<128x64xf32, #tpu.memory_space<vmem>>) offsets(%dma_start3A_538 : memref<128xi32, #tpu.memory_space<vmem>>) semaphore(%arg16 : memref<!tpu.dma_semaphore, #tpu.memory_space<semaphore_mem>>)
      } else {
      }
      %ge3A = arith.constant 2 : i32
      %ge3A_308 = arith.cmpi sge, %add3A_280, %ge3A : i32
      %convert_element_type3A_309 = arith.extui %ge3A_308 : i1 to i32
      %cond3A_310 = arith.constant 0 : i32
      %cond3A_311 = arith.cmpi ne, %convert_element_type3A_309, %cond3A_310 : i32
      scf.if %cond3A_311 {
        %sub3A = arith.constant 2 : i32
        %sub3A_489 = arith.subi %add3A_280, %sub3A : i32
        %add3A_490 = arith.addi %mul3A_2, %sub3A_489 : i32
        %shift_right_arithmetic3A_491 = arith.constant 4 : i32
        %shift_right_arithmetic3A_492 = arith.shrsi %add3A_490, %shift_right_arithmetic3A_491 : i32
        %and3A_493 = arith.constant 15 : i32
        %and3A_494 = arith.andi %add3A_490, %and3A_493 : i32
        %shift_left3A_495 = arith.constant 1 : i32
        %shift_left3A_496 = arith.shli %and3A_494, %shift_left3A_495 : i32
        %add3A_497 = arith.constant 1 : i32
        %add3A_498 = arith.addi %shift_left3A_496, %add3A_497 : i32
        %dma_wait3A_499 = arith.constant 0 : i32
        %dma_wait3A_500 = arith.constant 0 : i32
        %dma_wait3A_501 = arith.constant 0 : i32
        %dma_wait3A_502 = arith.constant 0 : i32
        %dma_wait3A_503 = tpu.memref_slice %arg10[%dma_wait3A_500, %dma_wait3A_499, %dma_wait3A_501, %dma_wait3A_502] : memref<8x2x8x129xf32, #tpu.memory_space<vmem>> -> memref<8x1x8x128xf32, #tpu.memory_space<vmem>>
        %dma_wait3A_504 = tpu.memref_squeeze %dma_wait3A_503 : memref<8x1x8x128xf32, #tpu.memory_space<vmem>> -> memref<8x8x128xf32, #tpu.memory_space<vmem>>
        %dma_wait3A_505 = arith.constant 0 : i32
        %dma_wait3A_506 = arith.constant 0 : i32
        %dma_wait3A_507 = arith.constant 0 : i32
        %dma_wait3A_508 = tpu.memref_slice %arg5[%shift_right_arithmetic3A_492, %dma_wait3A_505, %shift_left3A_496, %dma_wait3A_506, %dma_wait3A_507] : memref<200x8x32x8x128xf32, #tpu.memory_space<hbm>> -> memref<1x8x1x8x128xf32, #tpu.memory_space<hbm>>
        %dma_wait3A_509 = tpu.memref_squeeze %dma_wait3A_508 : memref<1x8x1x8x128xf32, #tpu.memory_space<hbm>> -> memref<8x8x128xf32, #tpu.memory_space<hbm>>
        %dma_wait3A_510 = arith.constant 0 : i32
        %dma_wait3A_511 = arith.constant 0 : i32
        %dma_wait3A_512 = arith.constant 0 : i32
        %dma_wait3A_513 = tpu.memref_slice %arg5[%shift_right_arithmetic3A_492, %dma_wait3A_510, %shift_left3A_496, %dma_wait3A_511, %dma_wait3A_512] : memref<200x8x32x8x128xf32, #tpu.memory_space<hbm>> -> memref<1x8x1x8x128xf32, #tpu.memory_space<hbm>>
        %dma_wait3A_514 = tpu.memref_squeeze %dma_wait3A_513 : memref<1x8x1x8x128xf32, #tpu.memory_space<hbm>> -> memref<8x8x128xf32, #tpu.memory_space<hbm>>
        %dma_wait3A_515 = arith.constant 0 : i32
        %dma_wait3A_516 = arith.constant 0 : i32
        %dma_wait3A_517 = arith.constant 0 : i32
        %dma_wait3A_518 = tpu.memref_slice %arg10[%dma_wait3A_515, %dma_wait3A_499, %dma_wait3A_516, %dma_wait3A_517] : memref<8x2x8x129xf32, #tpu.memory_space<vmem>> -> memref<8x1x8x128xf32, #tpu.memory_space<vmem>>
        %dma_wait3A_519 = tpu.memref_squeeze %dma_wait3A_518 : memref<8x1x8x128xf32, #tpu.memory_space<vmem>> -> memref<8x8x128xf32, #tpu.memory_space<vmem>>
        tpu.wait_dma2 semaphore(%arg17 : memref<!tpu.dma_semaphore, #tpu.memory_space<semaphore_mem>>) src(%dma_wait3A_519 : memref<8x8x128xf32, #tpu.memory_space<vmem>>) dst(%dma_wait3A_514 : memref<8x8x128xf32, #tpu.memory_space<hbm>>)
        %dma_wait3A_520 = arith.constant 1 : i32
        %dma_wait3A_521 = arith.constant 0 : i32
        %dma_wait3A_522 = arith.constant 0 : i32
        %dma_wait3A_523 = arith.constant 0 : i32
        %dma_wait3A_524 = tpu.memref_slice %arg10[%dma_wait3A_521, %dma_wait3A_520, %dma_wait3A_522, %dma_wait3A_523] : memref<8x2x8x129xf32, #tpu.memory_space<vmem>> -> memref<8x1x8x128xf32, #tpu.memory_space<vmem>>
        %dma_wait3A_525 = tpu.memref_squeeze %dma_wait3A_524 : memref<8x1x8x128xf32, #tpu.memory_space<vmem>> -> memref<8x8x128xf32, #tpu.memory_space<vmem>>
        %dma_wait3A_526 = arith.constant 0 : i32
        %dma_wait3A_527 = arith.constant 0 : i32
        %dma_wait3A_528 = arith.constant 0 : i32
        %dma_wait3A_529 = tpu.memref_slice %arg5[%shift_right_arithmetic3A_492, %dma_wait3A_526, %add3A_498, %dma_wait3A_527, %dma_wait3A_528] : memref<200x8x32x8x128xf32, #tpu.memory_space<hbm>> -> memref<1x8x1x8x128xf32, #tpu.memory_space<hbm>>
        %dma_wait3A_530 = tpu.memref_squeeze %dma_wait3A_529 : memref<1x8x1x8x128xf32, #tpu.memory_space<hbm>> -> memref<8x8x128xf32, #tpu.memory_space<hbm>>
        %dma_wait3A_531 = arith.constant 0 : i32
        %dma_wait3A_532 = arith.constant 0 : i32
        %dma_wait3A_533 = arith.constant 0 : i32
        %dma_wait3A_534 = tpu.memref_slice %arg5[%shift_right_arithmetic3A_492, %dma_wait3A_531, %add3A_498, %dma_wait3A_532, %dma_wait3A_533] : memref<200x8x32x8x128xf32, #tpu.memory_space<hbm>> -> memref<1x8x1x8x128xf32, #tpu.memory_space<hbm>>
        %dma_wait3A_535 = tpu.memref_squeeze %dma_wait3A_534 : memref<1x8x1x8x128xf32, #tpu.memory_space<hbm>> -> memref<8x8x128xf32, #tpu.memory_space<hbm>>
        %dma_wait3A_536 = arith.constant 0 : i32
        %dma_wait3A_537 = arith.constant 0 : i32
        %dma_wait3A_538 = arith.constant 0 : i32
        %dma_wait3A_539 = tpu.memref_slice %arg10[%dma_wait3A_536, %dma_wait3A_520, %dma_wait3A_537, %dma_wait3A_538] : memref<8x2x8x129xf32, #tpu.memory_space<vmem>> -> memref<8x1x8x128xf32, #tpu.memory_space<vmem>>
        %dma_wait3A_540 = tpu.memref_squeeze %dma_wait3A_539 : memref<8x1x8x128xf32, #tpu.memory_space<vmem>> -> memref<8x8x128xf32, #tpu.memory_space<vmem>>
        tpu.wait_dma2 semaphore(%arg17 : memref<!tpu.dma_semaphore, #tpu.memory_space<semaphore_mem>>) src(%dma_wait3A_540 : memref<8x8x128xf32, #tpu.memory_space<vmem>>) dst(%dma_wait3A_535 : memref<8x8x128xf32, #tpu.memory_space<hbm>>)
      } else {
      }
      %add3A_312 = arith.addi %mul3A_2, %add3A_280 : i32
      %shift_right_arithmetic3A_313 = arith.constant 4 : i32
      %shift_right_arithmetic3A_314 = arith.shrsi %add3A_312, %shift_right_arithmetic3A_313 : i32
      %shift_right_arithmetic3A_315 = arith.constant 7 : i32
      %shift_right_arithmetic3A_316 = arith.shrsi %shift_right_arithmetic3A_314, %shift_right_arithmetic3A_315 : i32
      %broadcast_in_dim3A = vector.broadcast %shift_right_arithmetic3A_316 : i32 to vector<16xi32>
      %and3A_317 = arith.constant 127 : i32
      %and3A_318 = arith.andi %shift_right_arithmetic3A_314, %and3A_317 : i32
      %broadcast_in_dim3A_319 = vector.broadcast %and3A_318 : i32 to vector<16xi32>
      %gather3A = tpu.vector_load_idx %arg12[%shift_right_arithmetic3A_7, %broadcast_in_dim3A, %and3A_30, %broadcast_in_dim3A_319] : memref<8x2x8x128xf32, #tpu.memory_space<vmem>>[vector<16xi32>, vector<16xi32>, vector<16xi32>, vector<16xi32>], vector<16xf32>,
      %gather3A_320 = tpu.vector_load_idx %arg12[%shift_right_arithmetic3A_13, %broadcast_in_dim3A, %and3A_36, %broadcast_in_dim3A_319] : memref<8x2x8x128xf32, #tpu.memory_space<vmem>>[vector<16xi32>, vector<16xi32>, vector<16xi32>, vector<16xi32>], vector<16xf32>,
      %gather3A_321 = tpu.vector_load_idx %arg12[%shift_right_arithmetic3A_19, %broadcast_in_dim3A, %and3A_42, %broadcast_in_dim3A_319] : memref<8x2x8x128xf32, #tpu.memory_space<vmem>>[vector<16xi32>, vector<16xi32>, vector<16xi32>, vector<16xi32>], vector<16xf32>,
      %gather3A_322 = tpu.vector_load_idx %arg12[%shift_right_arithmetic3A_25, %broadcast_in_dim3A, %and3A_48, %broadcast_in_dim3A_319] : memref<8x2x8x128xf32, #tpu.memory_space<vmem>>[vector<16xi32>, vector<16xi32>, vector<16xi32>, vector<16xi32>], vector<16xf32>,
      %scan3A_323 = arith.constant 0 : i32
      %scan3A_324 = arith.constant 0 : i32
      %scan3A_325 = arith.constant 64 : i32
      %scan3A_326 = arith.addi %scan3A_324, %scan3A_325 : i32
      %scan3A_327 = arith.constant 1 : i32
      scf.for %scan3A_489 = %scan3A_324 to %scan3A_326 step %scan3A_327  : i32 {
        %mul3A_490 = arith.constant 4 : i32
        %mul3A_491 = arith.muli %mul3A_490, %scan3A_489 : i32
        %add3A_492 = arith.constant 0 : i32
        %add3A_493 = arith.addi %mul3A_491, %add3A_492 : i32
        %shift_right_arithmetic3A_494 = arith.constant 7 : i32
        %shift_right_arithmetic3A_495 = arith.shrsi %add3A_493, %shift_right_arithmetic3A_494 : i32
        %broadcast_in_dim3A_496 = vector.broadcast %shift_right_arithmetic3A_495 : i32 to vector<16xi32>
        %and3A_497 = arith.constant 127 : i32
        %and3A_498 = arith.andi %add3A_493, %and3A_497 : i32
        %broadcast_in_dim3A_499 = vector.broadcast %and3A_498 : i32 to vector<16xi32>
        %get3A = arith.index_cast %add3A_493 : i32 to index
        %get3A_500 = arith.constant 0 : index
        %get3A_501 = tpu.vector_load %arg8[%get3A, %get3A_500] {strides = array<i32>} : memref<256x64xf32, #tpu.memory_space<vmem>>, vector<16xf32>,
        %add3A_502 = arith.addf %get3A_501, %gather3A : vector<16xf32>
        tpu.vector_store_idx %arg10[%shift_right_arithmetic3A_7, %broadcast_in_dim3A_496, %and3A_30, %broadcast_in_dim3A_499], %add3A_502 : memref<8x2x8x129xf32, #tpu.memory_space<vmem>>[vector<16xi32>, vector<16xi32>, vector<16xi32>, vector<16xi32>], vector<16xf32>,
        %get3A_503 = arith.index_cast %add3A_493 : i32 to index
        %get3A_504 = arith.constant 16 : index
        %get3A_505 = tpu.vector_load %arg8[%get3A_503, %get3A_504] {strides = array<i32>} : memref<256x64xf32, #tpu.memory_space<vmem>>, vector<16xf32>,
        %add3A_506 = arith.addf %get3A_505, %gather3A_320 : vector<16xf32>
        tpu.vector_store_idx %arg10[%shift_right_arithmetic3A_13, %broadcast_in_dim3A_496, %and3A_36, %broadcast_in_dim3A_499], %add3A_506 : memref<8x2x8x129xf32, #tpu.memory_space<vmem>>[vector<16xi32>, vector<16xi32>, vector<16xi32>, vector<16xi32>], vector<16xf32>,
        %get3A_507 = arith.index_cast %add3A_493 : i32 to index
        %get3A_508 = arith.constant 32 : index
        %get3A_509 = tpu.vector_load %arg8[%get3A_507, %get3A_508] {strides = array<i32>} : memref<256x64xf32, #tpu.memory_space<vmem>>, vector<16xf32>,
        %add3A_510 = arith.addf %get3A_509, %gather3A_321 : vector<16xf32>
        tpu.vector_store_idx %arg10[%shift_right_arithmetic3A_19, %broadcast_in_dim3A_496, %and3A_42, %broadcast_in_dim3A_499], %add3A_510 : memref<8x2x8x129xf32, #tpu.memory_space<vmem>>[vector<16xi32>, vector<16xi32>, vector<16xi32>, vector<16xi32>], vector<16xf32>,
        %get3A_511 = arith.index_cast %add3A_493 : i32 to index
        %get3A_512 = arith.constant 48 : index
        %get3A_513 = tpu.vector_load %arg8[%get3A_511, %get3A_512] {strides = array<i32>} : memref<256x64xf32, #tpu.memory_space<vmem>>, vector<16xf32>,
        %add3A_514 = arith.addf %get3A_513, %gather3A_322 : vector<16xf32>
        tpu.vector_store_idx %arg10[%shift_right_arithmetic3A_25, %broadcast_in_dim3A_496, %and3A_48, %broadcast_in_dim3A_499], %add3A_514 : memref<8x2x8x129xf32, #tpu.memory_space<vmem>>[vector<16xi32>, vector<16xi32>, vector<16xi32>, vector<16xi32>], vector<16xf32>,
        %mul3A_515 = arith.constant 4 : i32
        %mul3A_516 = arith.muli %mul3A_515, %scan3A_489 : i32
        %add3A_517 = arith.constant 1 : i32
        %add3A_518 = arith.addi %mul3A_516, %add3A_517 : i32
        %shift_right_arithmetic3A_519 = arith.constant 7 : i32
        %shift_right_arithmetic3A_520 = arith.shrsi %add3A_518, %shift_right_arithmetic3A_519 : i32
        %broadcast_in_dim3A_521 = vector.broadcast %shift_right_arithmetic3A_520 : i32 to vector<16xi32>
        %and3A_522 = arith.constant 127 : i32
        %and3A_523 = arith.andi %add3A_518, %and3A_522 : i32
        %broadcast_in_dim3A_524 = vector.broadcast %and3A_523 : i32 to vector<16xi32>
        %get3A_525 = arith.index_cast %add3A_518 : i32 to index
        %get3A_526 = arith.constant 0 : index
        %get3A_527 = tpu.vector_load %arg8[%get3A_525, %get3A_526] {strides = array<i32>} : memref<256x64xf32, #tpu.memory_space<vmem>>, vector<16xf32>,
        %add3A_528 = arith.addf %get3A_527, %gather3A : vector<16xf32>
        tpu.vector_store_idx %arg10[%shift_right_arithmetic3A_7, %broadcast_in_dim3A_521, %and3A_30, %broadcast_in_dim3A_524], %add3A_528 : memref<8x2x8x129xf32, #tpu.memory_space<vmem>>[vector<16xi32>, vector<16xi32>, vector<16xi32>, vector<16xi32>], vector<16xf32>,
        %get3A_529 = arith.index_cast %add3A_518 : i32 to index
        %get3A_530 = arith.constant 16 : index
        %get3A_531 = tpu.vector_load %arg8[%get3A_529, %get3A_530] {strides = array<i32>} : memref<256x64xf32, #tpu.memory_space<vmem>>, vector<16xf32>,
        %add3A_532 = arith.addf %get3A_531, %gather3A_320 : vector<16xf32>
        tpu.vector_store_idx %arg10[%shift_right_arithmetic3A_13, %broadcast_in_dim3A_521, %and3A_36, %broadcast_in_dim3A_524], %add3A_532 : memref<8x2x8x129xf32, #tpu.memory_space<vmem>>[vector<16xi32>, vector<16xi32>, vector<16xi32>, vector<16xi32>], vector<16xf32>,
        %get3A_533 = arith.index_cast %add3A_518 : i32 to index
        %get3A_534 = arith.constant 32 : index
        %get3A_535 = tpu.vector_load %arg8[%get3A_533, %get3A_534] {strides = array<i32>} : memref<256x64xf32, #tpu.memory_space<vmem>>, vector<16xf32>,
        %add3A_536 = arith.addf %get3A_535, %gather3A_321 : vector<16xf32>
        tpu.vector_store_idx %arg10[%shift_right_arithmetic3A_19, %broadcast_in_dim3A_521, %and3A_42, %broadcast_in_dim3A_524], %add3A_536 : memref<8x2x8x129xf32, #tpu.memory_space<vmem>>[vector<16xi32>, vector<16xi32>, vector<16xi32>, vector<16xi32>], vector<16xf32>,
        %get3A_537 = arith.index_cast %add3A_518 : i32 to index
        %get3A_538 = arith.constant 48 : index
        %get3A_539 = tpu.vector_load %arg8[%get3A_537, %get3A_538] {strides = array<i32>} : memref<256x64xf32, #tpu.memory_space<vmem>>, vector<16xf32>,
        %add3A_540 = arith.addf %get3A_539, %gather3A_322 : vector<16xf32>
        tpu.vector_store_idx %arg10[%shift_right_arithmetic3A_25, %broadcast_in_dim3A_521, %and3A_48, %broadcast_in_dim3A_524], %add3A_540 : memref<8x2x8x129xf32, #tpu.memory_space<vmem>>[vector<16xi32>, vector<16xi32>, vector<16xi32>, vector<16xi32>], vector<16xf32>,
        %mul3A_541 = arith.constant 4 : i32
        %mul3A_542 = arith.muli %mul3A_541, %scan3A_489 : i32
        %add3A_543 = arith.constant 2 : i32
        %add3A_544 = arith.addi %mul3A_542, %add3A_543 : i32
        %shift_right_arithmetic3A_545 = arith.constant 7 : i32
        %shift_right_arithmetic3A_546 = arith.shrsi %add3A_544, %shift_right_arithmetic3A_545 : i32
        %broadcast_in_dim3A_547 = vector.broadcast %shift_right_arithmetic3A_546 : i32 to vector<16xi32>
        %and3A_548 = arith.constant 127 : i32
        %and3A_549 = arith.andi %add3A_544, %and3A_548 : i32
        %broadcast_in_dim3A_550 = vector.broadcast %and3A_549 : i32 to vector<16xi32>
        %get3A_551 = arith.index_cast %add3A_544 : i32 to index
        %get3A_552 = arith.constant 0 : index
        %get3A_553 = tpu.vector_load %arg8[%get3A_551, %get3A_552] {strides = array<i32>} : memref<256x64xf32, #tpu.memory_space<vmem>>, vector<16xf32>,
        %add3A_554 = arith.addf %get3A_553, %gather3A : vector<16xf32>
        tpu.vector_store_idx %arg10[%shift_right_arithmetic3A_7, %broadcast_in_dim3A_547, %and3A_30, %broadcast_in_dim3A_550], %add3A_554 : memref<8x2x8x129xf32, #tpu.memory_space<vmem>>[vector<16xi32>, vector<16xi32>, vector<16xi32>, vector<16xi32>], vector<16xf32>,
        %get3A_555 = arith.index_cast %add3A_544 : i32 to index
        %get3A_556 = arith.constant 16 : index
        %get3A_557 = tpu.vector_load %arg8[%get3A_555, %get3A_556] {strides = array<i32>} : memref<256x64xf32, #tpu.memory_space<vmem>>, vector<16xf32>,
        %add3A_558 = arith.addf %get3A_557, %gather3A_320 : vector<16xf32>
        tpu.vector_store_idx %arg10[%shift_right_arithmetic3A_13, %broadcast_in_dim3A_547, %and3A_36, %broadcast_in_dim3A_550], %add3A_558 : memref<8x2x8x129xf32, #tpu.memory_space<vmem>>[vector<16xi32>, vector<16xi32>, vector<16xi32>, vector<16xi32>], vector<16xf32>,
        %get3A_559 = arith.index_cast %add3A_544 : i32 to index
        %get3A_560 = arith.constant 32 : index
        %get3A_561 = tpu.vector_load %arg8[%get3A_559, %get3A_560] {strides = array<i32>} : memref<256x64xf32, #tpu.memory_space<vmem>>, vector<16xf32>,
        %add3A_562 = arith.addf %get3A_561, %gather3A_321 : vector<16xf32>
        tpu.vector_store_idx %arg10[%shift_right_arithmetic3A_19, %broadcast_in_dim3A_547, %and3A_42, %broadcast_in_dim3A_550], %add3A_562 : memref<8x2x8x129xf32, #tpu.memory_space<vmem>>[vector<16xi32>, vector<16xi32>, vector<16xi32>, vector<16xi32>], vector<16xf32>,
        %get3A_563 = arith.index_cast %add3A_544 : i32 to index
        %get3A_564 = arith.constant 48 : index
        %get3A_565 = tpu.vector_load %arg8[%get3A_563, %get3A_564] {strides = array<i32>} : memref<256x64xf32, #tpu.memory_space<vmem>>, vector<16xf32>,
        %add3A_566 = arith.addf %get3A_565, %gather3A_322 : vector<16xf32>
        tpu.vector_store_idx %arg10[%shift_right_arithmetic3A_25, %broadcast_in_dim3A_547, %and3A_48, %broadcast_in_dim3A_550], %add3A_566 : memref<8x2x8x129xf32, #tpu.memory_space<vmem>>[vector<16xi32>, vector<16xi32>, vector<16xi32>, vector<16xi32>], vector<16xf32>,
        %mul3A_567 = arith.constant 4 : i32
        %mul3A_568 = arith.muli %mul3A_567, %scan3A_489 : i32
        %add3A_569 = arith.constant 3 : i32
        %add3A_570 = arith.addi %mul3A_568, %add3A_569 : i32
        %shift_right_arithmetic3A_571 = arith.constant 7 : i32
        %shift_right_arithmetic3A_572 = arith.shrsi %add3A_570, %shift_right_arithmetic3A_571 : i32
        %broadcast_in_dim3A_573 = vector.broadcast %shift_right_arithmetic3A_572 : i32 to vector<16xi32>
        %and3A_574 = arith.constant 127 : i32
        %and3A_575 = arith.andi %add3A_570, %and3A_574 : i32
        %broadcast_in_dim3A_576 = vector.broadcast %and3A_575 : i32 to vector<16xi32>
        %get3A_577 = arith.index_cast %add3A_570 : i32 to index
        %get3A_578 = arith.constant 0 : index
        %get3A_579 = tpu.vector_load %arg8[%get3A_577, %get3A_578] {strides = array<i32>} : memref<256x64xf32, #tpu.memory_space<vmem>>, vector<16xf32>,
        %add3A_580 = arith.addf %get3A_579, %gather3A : vector<16xf32>
        tpu.vector_store_idx %arg10[%shift_right_arithmetic3A_7, %broadcast_in_dim3A_573, %and3A_30, %broadcast_in_dim3A_576], %add3A_580 : memref<8x2x8x129xf32, #tpu.memory_space<vmem>>[vector<16xi32>, vector<16xi32>, vector<16xi32>, vector<16xi32>], vector<16xf32>,
        %get3A_581 = arith.index_cast %add3A_570 : i32 to index
        %get3A_582 = arith.constant 16 : index
        %get3A_583 = tpu.vector_load %arg8[%get3A_581, %get3A_582] {strides = array<i32>} : memref<256x64xf32, #tpu.memory_space<vmem>>, vector<16xf32>,
        %add3A_584 = arith.addf %get3A_583, %gather3A_320 : vector<16xf32>
        tpu.vector_store_idx %arg10[%shift_right_arithmetic3A_13, %broadcast_in_dim3A_573, %and3A_36, %broadcast_in_dim3A_576], %add3A_584 : memref<8x2x8x129xf32, #tpu.memory_space<vmem>>[vector<16xi32>, vector<16xi32>, vector<16xi32>, vector<16xi32>], vector<16xf32>,
        %get3A_585 = arith.index_cast %add3A_570 : i32 to index
        %get3A_586 = arith.constant 32 : index
        %get3A_587 = tpu.vector_load %arg8[%get3A_585, %get3A_586] {strides = array<i32>} : memref<256x64xf32, #tpu.memory_space<vmem>>, vector<16xf32>,
        %add3A_588 = arith.addf %get3A_587, %gather3A_321 : vector<16xf32>
        tpu.vector_store_idx %arg10[%shift_right_arithmetic3A_19, %broadcast_in_dim3A_573, %and3A_42, %broadcast_in_dim3A_576], %add3A_588 : memref<8x2x8x129xf32, #tpu.memory_space<vmem>>[vector<16xi32>, vector<16xi32>, vector<16xi32>, vector<16xi32>], vector<16xf32>,
        %get3A_589 = arith.index_cast %add3A_570 : i32 to index
        %get3A_590 = arith.constant 48 : index
        %get3A_591 = tpu.vector_load %arg8[%get3A_589, %get3A_590] {strides = array<i32>} : memref<256x64xf32, #tpu.memory_space<vmem>>, vector<16xf32>,
        %add3A_592 = arith.addf %get3A_591, %gather3A_322 : vector<16xf32>
        tpu.vector_store_idx %arg10[%shift_right_arithmetic3A_25, %broadcast_in_dim3A_573, %and3A_48, %broadcast_in_dim3A_576], %add3A_592 : memref<8x2x8x129xf32, #tpu.memory_space<vmem>>[vector<16xi32>, vector<16xi32>, vector<16xi32>, vector<16xi32>], vector<16xf32>,
      }
      %scan3A_328 = arith.constant 64 : i32
      %add3A_329 = arith.addi %mul3A_2, %add3A_280 : i32
      %shift_right_arithmetic3A_330 = arith.constant 4 : i32
      %shift_right_arithmetic3A_331 = arith.shrsi %add3A_329, %shift_right_arithmetic3A_330 : i32
      %and3A_332 = arith.constant 15 : i32
      %and3A_333 = arith.andi %add3A_329, %and3A_332 : i32
      %shift_left3A_334 = arith.constant 1 : i32
      %shift_left3A_335 = arith.shli %and3A_333, %shift_left3A_334 : i32
      %add3A_336 = arith.constant 1 : i32
      %add3A_337 = arith.addi %shift_left3A_335, %add3A_336 : i32
      %dma_start3A_338 = arith.constant 0 : i32
      %dma_start3A_339 = arith.constant 0 : i32
      %dma_start3A_340 = arith.constant 0 : i32
      %dma_start3A_341 = arith.constant 0 : i32
      %dma_start3A_342 = tpu.memref_slice %arg10[%dma_start3A_339, %dma_start3A_338, %dma_start3A_340, %dma_start3A_341] : memref<8x2x8x129xf32, #tpu.memory_space<vmem>> -> memref<8x1x8x128xf32, #tpu.memory_space<vmem>>
      %dma_start3A_343 = tpu.memref_squeeze %dma_start3A_342 : memref<8x1x8x128xf32, #tpu.memory_space<vmem>> -> memref<8x8x128xf32, #tpu.memory_space<vmem>>
      %dma_start3A_344 = arith.constant 0 : i32
      %dma_start3A_345 = arith.constant 0 : i32
      %dma_start3A_346 = arith.constant 0 : i32
      %dma_start3A_347 = tpu.memref_slice %arg5[%shift_right_arithmetic3A_331, %dma_start3A_344, %shift_left3A_335, %dma_start3A_345, %dma_start3A_346] : memref<200x8x32x8x128xf32, #tpu.memory_space<hbm>> -> memref<1x8x1x8x128xf32, #tpu.memory_space<hbm>>
      %dma_start3A_348 = tpu.memref_squeeze %dma_start3A_347 : memref<1x8x1x8x128xf32, #tpu.memory_space<hbm>> -> memref<8x8x128xf32, #tpu.memory_space<hbm>>
      %dma_start3A_349 = arith.constant 0 : i32
      %dma_start3A_350 = arith.constant 0 : i32
      %dma_start3A_351 = arith.constant 0 : i32
      %dma_start3A_352 = tpu.memref_slice %arg5[%shift_right_arithmetic3A_331, %dma_start3A_349, %shift_left3A_335, %dma_start3A_350, %dma_start3A_351] : memref<200x8x32x8x128xf32, #tpu.memory_space<hbm>> -> memref<1x8x1x8x128xf32, #tpu.memory_space<hbm>>
      %dma_start3A_353 = tpu.memref_squeeze %dma_start3A_352 : memref<1x8x1x8x128xf32, #tpu.memory_space<hbm>> -> memref<8x8x128xf32, #tpu.memory_space<hbm>>
      %dma_start3A_354 = arith.constant 0 : i32
      %dma_start3A_355 = arith.constant 0 : i32
      %dma_start3A_356 = arith.constant 0 : i32
      %dma_start3A_357 = tpu.memref_slice %arg10[%dma_start3A_354, %dma_start3A_338, %dma_start3A_355, %dma_start3A_356] : memref<8x2x8x129xf32, #tpu.memory_space<vmem>> -> memref<8x1x8x128xf32, #tpu.memory_space<vmem>>
      %dma_start3A_358 = tpu.memref_squeeze %dma_start3A_357 : memref<8x1x8x128xf32, #tpu.memory_space<vmem>> -> memref<8x8x128xf32, #tpu.memory_space<vmem>>
      tpu.enqueue_dma source(%dma_start3A_358 : memref<8x8x128xf32, #tpu.memory_space<vmem>>) target(%dma_start3A_353 : memref<8x8x128xf32, #tpu.memory_space<hbm>>) target_semaphore(%arg17 : memref<!tpu.dma_semaphore, #tpu.memory_space<semaphore_mem>>)
      %dma_start3A_359 = arith.constant 1 : i32
      %dma_start3A_360 = arith.constant 0 : i32
      %dma_start3A_361 = arith.constant 0 : i32
      %dma_start3A_362 = arith.constant 0 : i32
      %dma_start3A_363 = tpu.memref_slice %arg10[%dma_start3A_360, %dma_start3A_359, %dma_start3A_361, %dma_start3A_362] : memref<8x2x8x129xf32, #tpu.memory_space<vmem>> -> memref<8x1x8x128xf32, #tpu.memory_space<vmem>>
      %dma_start3A_364 = tpu.memref_squeeze %dma_start3A_363 : memref<8x1x8x128xf32, #tpu.memory_space<vmem>> -> memref<8x8x128xf32, #tpu.memory_space<vmem>>
      %dma_start3A_365 = arith.constant 0 : i32
      %dma_start3A_366 = arith.constant 0 : i32
      %dma_start3A_367 = arith.constant 0 : i32
      %dma_start3A_368 = tpu.memref_slice %arg5[%shift_right_arithmetic3A_331, %dma_start3A_365, %add3A_337, %dma_start3A_366, %dma_start3A_367] : memref<200x8x32x8x128xf32, #tpu.memory_space<hbm>> -> memref<1x8x1x8x128xf32, #tpu.memory_space<hbm>>
      %dma_start3A_369 = tpu.memref_squeeze %dma_start3A_368 : memref<1x8x1x8x128xf32, #tpu.memory_space<hbm>> -> memref<8x8x128xf32, #tpu.memory_space<hbm>>
      %dma_start3A_370 = arith.constant 0 : i32
      %dma_start3A_371 = arith.constant 0 : i32
      %dma_start3A_372 = arith.constant 0 : i32
      %dma_start3A_373 = tpu.memref_slice %arg5[%shift_right_arithmetic3A_331, %dma_start3A_370, %add3A_337, %dma_start3A_371, %dma_start3A_372] : memref<200x8x32x8x128xf32, #tpu.memory_space<hbm>> -> memref<1x8x1x8x128xf32, #tpu.memory_space<hbm>>
      %dma_start3A_374 = tpu.memref_squeeze %dma_start3A_373 : memref<1x8x1x8x128xf32, #tpu.memory_space<hbm>> -> memref<8x8x128xf32, #tpu.memory_space<hbm>>
      %dma_start3A_375 = arith.constant 0 : i32
      %dma_start3A_376 = arith.constant 0 : i32
      %dma_start3A_377 = arith.constant 0 : i32
      %dma_start3A_378 = tpu.memref_slice %arg10[%dma_start3A_375, %dma_start3A_359, %dma_start3A_376, %dma_start3A_377] : memref<8x2x8x129xf32, #tpu.memory_space<vmem>> -> memref<8x1x8x128xf32, #tpu.memory_space<vmem>>
      %dma_start3A_379 = tpu.memref_squeeze %dma_start3A_378 : memref<8x1x8x128xf32, #tpu.memory_space<vmem>> -> memref<8x8x128xf32, #tpu.memory_space<vmem>>
      tpu.enqueue_dma source(%dma_start3A_379 : memref<8x8x128xf32, #tpu.memory_space<vmem>>) target(%dma_start3A_374 : memref<8x8x128xf32, #tpu.memory_space<hbm>>) target_semaphore(%arg17 : memref<!tpu.dma_semaphore, #tpu.memory_space<semaphore_mem>>)
      %mul3A_380 = arith.constant 2 : i32
      %mul3A_381 = arith.muli %mul3A_380, %scan3A_276 : i32
      %add3A_382 = arith.constant 1 : i32
      %add3A_383 = arith.addi %mul3A_381, %add3A_382 : i32
      %dma_wait3A_384 = arith.constant 0 : i32
      %dma_wait3A_385 = arith.constant 0 : i32
      %dma_wait3A_386 = tpu.memref_slice %arg9[%dma_wait3A_384, %dma_wait3A_385] : memref<256x64xf32, #tpu.memory_space<vmem>> -> memref<128x64xf32, #tpu.memory_space<vmem>>
      %dma_wait3A_387 = arith.constant 0 : i32
      %dma_wait3A_388 = tpu.memref_slice %arg7[%dma_wait3A_387] : memref<256xi32, #tpu.memory_space<vmem>> -> memref<128xi32, #tpu.memory_space<vmem>>
      %dma_wait3A_389 = arith.constant 0 : i32
      %dma_wait3A_390 = arith.constant 0 : i32
      %dma_wait3A_391 = tpu.memref_slice %arg3[%dma_wait3A_389, %dma_wait3A_390] : memref<1000000x64xf32, #tpu.memory_space<hbm>> -> memref<1000000x64xf32, #tpu.memory_space<hbm>>
      tpu.wait_indirect_dma semaphore(%arg16 : memref<!tpu.dma_semaphore, #tpu.memory_space<semaphore_mem>>) src(%dma_wait3A_391 : memref<1000000x64xf32, #tpu.memory_space<hbm>>) dst(%dma_wait3A_386 : memref<128x64xf32, #tpu.memory_space<vmem>>)
      %dma_wait3A_392 = arith.constant 128 : i32
      %dma_wait3A_393 = arith.constant 0 : i32
      %dma_wait3A_394 = tpu.memref_slice %arg9[%dma_wait3A_392, %dma_wait3A_393] : memref<256x64xf32, #tpu.memory_space<vmem>> -> memref<128x64xf32, #tpu.memory_space<vmem>>
      %dma_wait3A_395 = arith.constant 128 : i32
      %dma_wait3A_396 = tpu.memref_slice %arg7[%dma_wait3A_395] : memref<256xi32, #tpu.memory_space<vmem>> -> memref<128xi32, #tpu.memory_space<vmem>>
      %dma_wait3A_397 = arith.constant 0 : i32
      %dma_wait3A_398 = arith.constant 0 : i32
      %dma_wait3A_399 = tpu.memref_slice %arg3[%dma_wait3A_397, %dma_wait3A_398] : memref<1000000x64xf32, #tpu.memory_space<hbm>> -> memref<1000000x64xf32, #tpu.memory_space<hbm>>
      tpu.wait_indirect_dma semaphore(%arg16 : memref<!tpu.dma_semaphore, #tpu.memory_space<semaphore_mem>>) src(%dma_wait3A_399 : memref<1000000x64xf32, #tpu.memory_space<hbm>>) dst(%dma_wait3A_394 : memref<128x64xf32, #tpu.memory_space<vmem>>)
      %add3A_400 = arith.constant 2 : i32
      %add3A_401 = arith.addi %add3A_383, %add3A_400 : i32
      %lt3A_402 = arith.constant 100 : i32
      %lt3A_403 = arith.cmpi slt, %add3A_401, %lt3A_402 : i32
      %convert_element_type3A_404 = arith.extui %lt3A_403 : i1 to i32
      %cond3A_405 = arith.constant 0 : i32
      %cond3A_406 = arith.cmpi ne, %convert_element_type3A_404, %cond3A_405 : i32
      scf.if %cond3A_406 {
        %add3A_489 = arith.constant 2 : i32
        %add3A_490 = arith.addi %add3A_383, %add3A_489 : i32
        %add3A_491 = arith.addi %mul3A_2, %add3A_490 : i32
        %shift_right_arithmetic3A_492 = arith.constant 4 : i32
        %shift_right_arithmetic3A_493 = arith.shrsi %add3A_491, %shift_right_arithmetic3A_492 : i32
        %shift_right_arithmetic3A_494 = arith.constant 3 : i32
        %shift_right_arithmetic3A_495 = arith.shrsi %shift_right_arithmetic3A_493, %shift_right_arithmetic3A_494 : i32
        %and3A_496 = arith.constant 7 : i32
        %and3A_497 = arith.andi %shift_right_arithmetic3A_493, %and3A_496 : i32
        %and3A_498 = arith.constant 15 : i32
        %and3A_499 = arith.andi %add3A_491, %and3A_498 : i32
        %shift_left3A_500 = arith.constant 1 : i32
        %shift_left3A_501 = arith.shli %and3A_499, %shift_left3A_500 : i32
        %add3A_502 = arith.constant 1 : i32
        %add3A_503 = arith.addi %shift_left3A_501, %add3A_502 : i32
        %dma_start3A_504 = arith.constant 0 : i32
        %dma_start3A_505 = tpu.memref_slice %arg7[%dma_start3A_504] : memref<256xi32, #tpu.memory_space<vmem>> -> memref<128xi32, #tpu.memory_space<vmem>>
        %dma_start3A_506 = arith.constant 0 : i32
        %dma_start3A_507 = tpu.memref_slice %arg2[%shift_right_arithmetic3A_495, %shift_left3A_501, %and3A_497, %dma_start3A_506] : memref<25x32x8x128xi32, #tpu.memory_space<hbm>> -> memref<1x1x1x128xi32, #tpu.memory_space<hbm>>
        %dma_start3A_508 = tpu.memref_squeeze %dma_start3A_507 : memref<1x1x1x128xi32, #tpu.memory_space<hbm>> -> memref<128xi32, #tpu.memory_space<hbm>>
        %dma_start3A_509 = arith.constant 0 : i32
        %dma_start3A_510 = tpu.memref_slice %arg7[%dma_start3A_509] : memref<256xi32, #tpu.memory_space<vmem>> -> memref<128xi32, #tpu.memory_space<vmem>>
        %dma_start3A_511 = arith.constant 0 : i32
        %dma_start3A_512 = tpu.memref_slice %arg2[%shift_right_arithmetic3A_495, %shift_left3A_501, %and3A_497, %dma_start3A_511] : memref<25x32x8x128xi32, #tpu.memory_space<hbm>> -> memref<1x1x1x128xi32, #tpu.memory_space<hbm>>
        %dma_start3A_513 = tpu.memref_squeeze %dma_start3A_512 : memref<1x1x1x128xi32, #tpu.memory_space<hbm>> -> memref<128xi32, #tpu.memory_space<hbm>>
        tpu.enqueue_dma source(%dma_start3A_513 : memref<128xi32, #tpu.memory_space<hbm>>) target(%dma_start3A_510 : memref<128xi32, #tpu.memory_space<vmem>>) target_semaphore(%arg14 : memref<!tpu.dma_semaphore, #tpu.memory_space<semaphore_mem>>)
        %dma_start3A_514 = arith.constant 128 : i32
        %dma_start3A_515 = tpu.memref_slice %arg7[%dma_start3A_514] : memref<256xi32, #tpu.memory_space<vmem>> -> memref<128xi32, #tpu.memory_space<vmem>>
        %dma_start3A_516 = arith.constant 0 : i32
        %dma_start3A_517 = tpu.memref_slice %arg2[%shift_right_arithmetic3A_495, %add3A_503, %and3A_497, %dma_start3A_516] : memref<25x32x8x128xi32, #tpu.memory_space<hbm>> -> memref<1x1x1x128xi32, #tpu.memory_space<hbm>>
        %dma_start3A_518 = tpu.memref_squeeze %dma_start3A_517 : memref<1x1x1x128xi32, #tpu.memory_space<hbm>> -> memref<128xi32, #tpu.memory_space<hbm>>
        %dma_start3A_519 = arith.constant 128 : i32
        %dma_start3A_520 = tpu.memref_slice %arg7[%dma_start3A_519] : memref<256xi32, #tpu.memory_space<vmem>> -> memref<128xi32, #tpu.memory_space<vmem>>
        %dma_start3A_521 = arith.constant 0 : i32
        %dma_start3A_522 = tpu.memref_slice %arg2[%shift_right_arithmetic3A_495, %add3A_503, %and3A_497, %dma_start3A_521] : memref<25x32x8x128xi32, #tpu.memory_space<hbm>> -> memref<1x1x1x128xi32, #tpu.memory_space<hbm>>
        %dma_start3A_523 = tpu.memref_squeeze %dma_start3A_522 : memref<1x1x1x128xi32, #tpu.memory_space<hbm>> -> memref<128xi32, #tpu.memory_space<hbm>>
        tpu.enqueue_dma source(%dma_start3A_523 : memref<128xi32, #tpu.memory_space<hbm>>) target(%dma_start3A_520 : memref<128xi32, #tpu.memory_space<vmem>>) target_semaphore(%arg14 : memref<!tpu.dma_semaphore, #tpu.memory_space<semaphore_mem>>)
      } else {
      }
      %add3A_407 = arith.constant 1 : i32
      %add3A_408 = arith.addi %add3A_383, %add3A_407 : i32
      %lt3A_409 = arith.constant 100 : i32
      %lt3A_410 = arith.cmpi slt, %add3A_408, %lt3A_409 : i32
      %convert_element_type3A_411 = arith.extui %lt3A_410 : i1 to i32
      %cond3A_412 = arith.constant 0 : i32
      %cond3A_413 = arith.cmpi ne, %convert_element_type3A_411, %cond3A_412 : i32
      scf.if %cond3A_413 {
        %add3A_489 = arith.constant 1 : i32
        %add3A_490 = arith.addi %add3A_383, %add3A_489 : i32
        %add3A_491 = arith.addi %mul3A_2, %add3A_490 : i32
        %shift_right_arithmetic3A_492 = arith.constant 4 : i32
        %shift_right_arithmetic3A_493 = arith.shrsi %add3A_491, %shift_right_arithmetic3A_492 : i32
        %shift_right_arithmetic3A_494 = arith.constant 3 : i32
        %shift_right_arithmetic3A_495 = arith.shrsi %shift_right_arithmetic3A_493, %shift_right_arithmetic3A_494 : i32
        %and3A_496 = arith.constant 7 : i32
        %and3A_497 = arith.andi %shift_right_arithmetic3A_493, %and3A_496 : i32
        %and3A_498 = arith.constant 15 : i32
        %and3A_499 = arith.andi %add3A_491, %and3A_498 : i32
        %shift_left3A_500 = arith.constant 1 : i32
        %shift_left3A_501 = arith.shli %and3A_499, %shift_left3A_500 : i32
        %add3A_502 = arith.constant 1 : i32
        %add3A_503 = arith.addi %shift_left3A_501, %add3A_502 : i32
        %dma_wait3A_504 = arith.constant 0 : i32
        %dma_wait3A_505 = tpu.memref_slice %arg6[%dma_wait3A_504] : memref<256xi32, #tpu.memory_space<vmem>> -> memref<128xi32, #tpu.memory_space<vmem>>
        %dma_wait3A_506 = arith.constant 0 : i32
        %dma_wait3A_507 = tpu.memref_slice %arg2[%shift_right_arithmetic3A_495, %shift_left3A_501, %and3A_497, %dma_wait3A_506] : memref<25x32x8x128xi32, #tpu.memory_space<hbm>> -> memref<1x1x1x128xi32, #tpu.memory_space<hbm>>
        %dma_wait3A_508 = tpu.memref_squeeze %dma_wait3A_507 : memref<1x1x1x128xi32, #tpu.memory_space<hbm>> -> memref<128xi32, #tpu.memory_space<hbm>>
        %dma_wait3A_509 = arith.constant 0 : i32
        %dma_wait3A_510 = tpu.memref_slice %arg6[%dma_wait3A_509] : memref<256xi32, #tpu.memory_space<vmem>> -> memref<128xi32, #tpu.memory_space<vmem>>
        %dma_wait3A_511 = arith.constant 0 : i32
        %dma_wait3A_512 = tpu.memref_slice %arg2[%shift_right_arithmetic3A_495, %shift_left3A_501, %and3A_497, %dma_wait3A_511] : memref<25x32x8x128xi32, #tpu.memory_space<hbm>> -> memref<1x1x1x128xi32, #tpu.memory_space<hbm>>
        %dma_wait3A_513 = tpu.memref_squeeze %dma_wait3A_512 : memref<1x1x1x128xi32, #tpu.memory_space<hbm>> -> memref<128xi32, #tpu.memory_space<hbm>>
        tpu.wait_dma2 semaphore(%arg13 : memref<!tpu.dma_semaphore, #tpu.memory_space<semaphore_mem>>) src(%dma_wait3A_513 : memref<128xi32, #tpu.memory_space<hbm>>) dst(%dma_wait3A_510 : memref<128xi32, #tpu.memory_space<vmem>>)
        %dma_wait3A_514 = arith.constant 128 : i32
        %dma_wait3A_515 = tpu.memref_slice %arg6[%dma_wait3A_514] : memref<256xi32, #tpu.memory_space<vmem>> -> memref<128xi32, #tpu.memory_space<vmem>>
        %dma_wait3A_516 = arith.constant 0 : i32
        %dma_wait3A_517 = tpu.memref_slice %arg2[%shift_right_arithmetic3A_495, %add3A_503, %and3A_497, %dma_wait3A_516] : memref<25x32x8x128xi32, #tpu.memory_space<hbm>> -> memref<1x1x1x128xi32, #tpu.memory_space<hbm>>
        %dma_wait3A_518 = tpu.memref_squeeze %dma_wait3A_517 : memref<1x1x1x128xi32, #tpu.memory_space<hbm>> -> memref<128xi32, #tpu.memory_space<hbm>>
        %dma_wait3A_519 = arith.constant 128 : i32
        %dma_wait3A_520 = tpu.memref_slice %arg6[%dma_wait3A_519] : memref<256xi32, #tpu.memory_space<vmem>> -> memref<128xi32, #tpu.memory_space<vmem>>
        %dma_wait3A_521 = arith.constant 0 : i32
        %dma_wait3A_522 = tpu.memref_slice %arg2[%shift_right_arithmetic3A_495, %add3A_503, %and3A_497, %dma_wait3A_521] : memref<25x32x8x128xi32, #tpu.memory_space<hbm>> -> memref<1x1x1x128xi32, #tpu.memory_space<hbm>>
        %dma_wait3A_523 = tpu.memref_squeeze %dma_wait3A_522 : memref<1x1x1x128xi32, #tpu.memory_space<hbm>> -> memref<128xi32, #tpu.memory_space<hbm>>
        tpu.wait_dma2 semaphore(%arg13 : memref<!tpu.dma_semaphore, #tpu.memory_space<semaphore_mem>>) src(%dma_wait3A_523 : memref<128xi32, #tpu.memory_space<hbm>>) dst(%dma_wait3A_520 : memref<128xi32, #tpu.memory_space<vmem>>)
        %add3A_524 = arith.constant 1 : i32
        %add3A_525 = arith.addi %add3A_383, %add3A_524 : i32
        %dma_start3A_526 = arith.constant 0 : i32
        %dma_start3A_527 = arith.constant 0 : i32
        %dma_start3A_528 = tpu.memref_slice %arg8[%dma_start3A_526, %dma_start3A_527] : memref<256x64xf32, #tpu.memory_space<vmem>> -> memref<128x64xf32, #tpu.memory_space<vmem>>
        %dma_start3A_529 = arith.constant 0 : i32
        %dma_start3A_530 = tpu.memref_slice %arg6[%dma_start3A_529] : memref<256xi32, #tpu.memory_space<vmem>> -> memref<128xi32, #tpu.memory_space<vmem>>
        %dma_start3A_531 = arith.constant 0 : i32
        %dma_start3A_532 = arith.constant 0 : i32
        %dma_start3A_533 = tpu.memref_slice %arg3[%dma_start3A_531, %dma_start3A_532] : memref<1000000x64xf32, #tpu.memory_space<hbm>> -> memref<1000000x64xf32, #tpu.memory_space<hbm>>
        tpu.enqueue_indirect_dma source(%dma_start3A_533 : memref<1000000x64xf32, #tpu.memory_space<hbm>>) target(%dma_start3A_528 : memref<128x64xf32, #tpu.memory_space<vmem>>) offsets(%dma_start3A_530 : memref<128xi32, #tpu.memory_space<vmem>>) semaphore(%arg15 : memref<!tpu.dma_semaphore, #tpu.memory_space<semaphore_mem>>)
        %dma_start3A_534 = arith.constant 128 : i32
        %dma_start3A_535 = arith.constant 0 : i32
        %dma_start3A_536 = tpu.memref_slice %arg8[%dma_start3A_534, %dma_start3A_535] : memref<256x64xf32, #tpu.memory_space<vmem>> -> memref<128x64xf32, #tpu.memory_space<vmem>>
        %dma_start3A_537 = arith.constant 128 : i32
        %dma_start3A_538 = tpu.memref_slice %arg6[%dma_start3A_537] : memref<256xi32, #tpu.memory_space<vmem>> -> memref<128xi32, #tpu.memory_space<vmem>>
        %dma_start3A_539 = arith.constant 0 : i32
        %dma_start3A_540 = arith.constant 0 : i32
        %dma_start3A_541 = tpu.memref_slice %arg3[%dma_start3A_539, %dma_start3A_540] : memref<1000000x64xf32, #tpu.memory_space<hbm>> -> memref<1000000x64xf32, #tpu.memory_space<hbm>>
        tpu.enqueue_indirect_dma source(%dma_start3A_541 : memref<1000000x64xf32, #tpu.memory_space<hbm>>) target(%dma_start3A_536 : memref<128x64xf32, #tpu.memory_space<vmem>>) offsets(%dma_start3A_538 : memref<128xi32, #tpu.memory_space<vmem>>) semaphore(%arg15 : memref<!tpu.dma_semaphore, #tpu.memory_space<semaphore_mem>>)
      } else {
      }
      %ge3A_414 = arith.constant 2 : i32
      %ge3A_415 = arith.cmpi sge, %add3A_383, %ge3A_414 : i32
      %convert_element_type3A_416 = arith.extui %ge3A_415 : i1 to i32
      %cond3A_417 = arith.constant 0 : i32
      %cond3A_418 = arith.cmpi ne, %convert_element_type3A_416, %cond3A_417 : i32
      scf.if %cond3A_418 {
        %sub3A = arith.constant 2 : i32
        %sub3A_489 = arith.subi %add3A_383, %sub3A : i32
        %add3A_490 = arith.addi %mul3A_2, %sub3A_489 : i32
        %shift_right_arithmetic3A_491 = arith.constant 4 : i32
        %shift_right_arithmetic3A_492 = arith.shrsi %add3A_490, %shift_right_arithmetic3A_491 : i32
        %and3A_493 = arith.constant 15 : i32
        %and3A_494 = arith.andi %add3A_490, %and3A_493 : i32
        %shift_left3A_495 = arith.constant 1 : i32
        %shift_left3A_496 = arith.shli %and3A_494, %shift_left3A_495 : i32
        %add3A_497 = arith.constant 1 : i32
        %add3A_498 = arith.addi %shift_left3A_496, %add3A_497 : i32
        %dma_wait3A_499 = arith.constant 0 : i32
        %dma_wait3A_500 = arith.constant 0 : i32
        %dma_wait3A_501 = arith.constant 0 : i32
        %dma_wait3A_502 = arith.constant 0 : i32
        %dma_wait3A_503 = tpu.memref_slice %arg11[%dma_wait3A_500, %dma_wait3A_499, %dma_wait3A_501, %dma_wait3A_502] : memref<8x2x8x129xf32, #tpu.memory_space<vmem>> -> memref<8x1x8x128xf32, #tpu.memory_space<vmem>>
        %dma_wait3A_504 = tpu.memref_squeeze %dma_wait3A_503 : memref<8x1x8x128xf32, #tpu.memory_space<vmem>> -> memref<8x8x128xf32, #tpu.memory_space<vmem>>
        %dma_wait3A_505 = arith.constant 0 : i32
        %dma_wait3A_506 = arith.constant 0 : i32
        %dma_wait3A_507 = arith.constant 0 : i32
        %dma_wait3A_508 = tpu.memref_slice %arg5[%shift_right_arithmetic3A_492, %dma_wait3A_505, %shift_left3A_496, %dma_wait3A_506, %dma_wait3A_507] : memref<200x8x32x8x128xf32, #tpu.memory_space<hbm>> -> memref<1x8x1x8x128xf32, #tpu.memory_space<hbm>>
        %dma_wait3A_509 = tpu.memref_squeeze %dma_wait3A_508 : memref<1x8x1x8x128xf32, #tpu.memory_space<hbm>> -> memref<8x8x128xf32, #tpu.memory_space<hbm>>
        %dma_wait3A_510 = arith.constant 0 : i32
        %dma_wait3A_511 = arith.constant 0 : i32
        %dma_wait3A_512 = arith.constant 0 : i32
        %dma_wait3A_513 = tpu.memref_slice %arg5[%shift_right_arithmetic3A_492, %dma_wait3A_510, %shift_left3A_496, %dma_wait3A_511, %dma_wait3A_512] : memref<200x8x32x8x128xf32, #tpu.memory_space<hbm>> -> memref<1x8x1x8x128xf32, #tpu.memory_space<hbm>>
        %dma_wait3A_514 = tpu.memref_squeeze %dma_wait3A_513 : memref<1x8x1x8x128xf32, #tpu.memory_space<hbm>> -> memref<8x8x128xf32, #tpu.memory_space<hbm>>
        %dma_wait3A_515 = arith.constant 0 : i32
        %dma_wait3A_516 = arith.constant 0 : i32
        %dma_wait3A_517 = arith.constant 0 : i32
        %dma_wait3A_518 = tpu.memref_slice %arg11[%dma_wait3A_515, %dma_wait3A_499, %dma_wait3A_516, %dma_wait3A_517] : memref<8x2x8x129xf32, #tpu.memory_space<vmem>> -> memref<8x1x8x128xf32, #tpu.memory_space<vmem>>
        %dma_wait3A_519 = tpu.memref_squeeze %dma_wait3A_518 : memref<8x1x8x128xf32, #tpu.memory_space<vmem>> -> memref<8x8x128xf32, #tpu.memory_space<vmem>>
        tpu.wait_dma2 semaphore(%arg18 : memref<!tpu.dma_semaphore, #tpu.memory_space<semaphore_mem>>) src(%dma_wait3A_519 : memref<8x8x128xf32, #tpu.memory_space<vmem>>) dst(%dma_wait3A_514 : memref<8x8x128xf32, #tpu.memory_space<hbm>>)
        %dma_wait3A_520 = arith.constant 1 : i32
        %dma_wait3A_521 = arith.constant 0 : i32
        %dma_wait3A_522 = arith.constant 0 : i32
        %dma_wait3A_523 = arith.constant 0 : i32
        %dma_wait3A_524 = tpu.memref_slice %arg11[%dma_wait3A_521, %dma_wait3A_520, %dma_wait3A_522, %dma_wait3A_523] : memref<8x2x8x129xf32, #tpu.memory_space<vmem>> -> memref<8x1x8x128xf32, #tpu.memory_space<vmem>>
        %dma_wait3A_525 = tpu.memref_squeeze %dma_wait3A_524 : memref<8x1x8x128xf32, #tpu.memory_space<vmem>> -> memref<8x8x128xf32, #tpu.memory_space<vmem>>
        %dma_wait3A_526 = arith.constant 0 : i32
        %dma_wait3A_527 = arith.constant 0 : i32
        %dma_wait3A_528 = arith.constant 0 : i32
        %dma_wait3A_529 = tpu.memref_slice %arg5[%shift_right_arithmetic3A_492, %dma_wait3A_526, %add3A_498, %dma_wait3A_527, %dma_wait3A_528] : memref<200x8x32x8x128xf32, #tpu.memory_space<hbm>> -> memref<1x8x1x8x128xf32, #tpu.memory_space<hbm>>
        %dma_wait3A_530 = tpu.memref_squeeze %dma_wait3A_529 : memref<1x8x1x8x128xf32, #tpu.memory_space<hbm>> -> memref<8x8x128xf32, #tpu.memory_space<hbm>>
        %dma_wait3A_531 = arith.constant 0 : i32
        %dma_wait3A_532 = arith.constant 0 : i32
        %dma_wait3A_533 = arith.constant 0 : i32
        %dma_wait3A_534 = tpu.memref_slice %arg5[%shift_right_arithmetic3A_492, %dma_wait3A_531, %add3A_498, %dma_wait3A_532, %dma_wait3A_533] : memref<200x8x32x8x128xf32, #tpu.memory_space<hbm>> -> memref<1x8x1x8x128xf32, #tpu.memory_space<hbm>>
        %dma_wait3A_535 = tpu.memref_squeeze %dma_wait3A_534 : memref<1x8x1x8x128xf32, #tpu.memory_space<hbm>> -> memref<8x8x128xf32, #tpu.memory_space<hbm>>
        %dma_wait3A_536 = arith.constant 0 : i32
        %dma_wait3A_537 = arith.constant 0 : i32
        %dma_wait3A_538 = arith.constant 0 : i32
        %dma_wait3A_539 = tpu.memref_slice %arg11[%dma_wait3A_536, %dma_wait3A_520, %dma_wait3A_537, %dma_wait3A_538] : memref<8x2x8x129xf32, #tpu.memory_space<vmem>> -> memref<8x1x8x128xf32, #tpu.memory_space<vmem>>
        %dma_wait3A_540 = tpu.memref_squeeze %dma_wait3A_539 : memref<8x1x8x128xf32, #tpu.memory_space<vmem>> -> memref<8x8x128xf32, #tpu.memory_space<vmem>>
        tpu.wait_dma2 semaphore(%arg18 : memref<!tpu.dma_semaphore, #tpu.memory_space<semaphore_mem>>) src(%dma_wait3A_540 : memref<8x8x128xf32, #tpu.memory_space<vmem>>) dst(%dma_wait3A_535 : memref<8x8x128xf32, #tpu.memory_space<hbm>>)
      } else {
      }
      %add3A_419 = arith.addi %mul3A_2, %add3A_383 : i32
      %shift_right_arithmetic3A_420 = arith.constant 4 : i32
      %shift_right_arithmetic3A_421 = arith.shrsi %add3A_419, %shift_right_arithmetic3A_420 : i32
      %shift_right_arithmetic3A_422 = arith.constant 7 : i32
      %shift_right_arithmetic3A_423 = arith.shrsi %shift_right_arithmetic3A_421, %shift_right_arithmetic3A_422 : i32
      %broadcast_in_dim3A_424 = vector.broadcast %shift_right_arithmetic3A_423 : i32 to vector<16xi32>
      %and3A_425 = arith.constant 127 : i32
      %and3A_426 = arith.andi %shift_right_arithmetic3A_421, %and3A_425 : i32
      %broadcast_in_dim3A_427 = vector.broadcast %and3A_426 : i32 to vector<16xi32>
      %gather3A_428 = tpu.vector_load_idx %arg12[%shift_right_arithmetic3A_7, %broadcast_in_dim3A_424, %and3A_30, %broadcast_in_dim3A_427] : memref<8x2x8x128xf32, #tpu.memory_space<vmem>>[vector<16xi32>, vector<16xi32>, vector<16xi32>, vector<16xi32>], vector<16xf32>,
      %gather3A_429 = tpu.vector_load_idx %arg12[%shift_right_arithmetic3A_13, %broadcast_in_dim3A_424, %and3A_36, %broadcast_in_dim3A_427] : memref<8x2x8x128xf32, #tpu.memory_space<vmem>>[vector<16xi32>, vector<16xi32>, vector<16xi32>, vector<16xi32>], vector<16xf32>,
      %gather3A_430 = tpu.vector_load_idx %arg12[%shift_right_arithmetic3A_19, %broadcast_in_dim3A_424, %and3A_42, %broadcast_in_dim3A_427] : memref<8x2x8x128xf32, #tpu.memory_space<vmem>>[vector<16xi32>, vector<16xi32>, vector<16xi32>, vector<16xi32>], vector<16xf32>,
      %gather3A_431 = tpu.vector_load_idx %arg12[%shift_right_arithmetic3A_25, %broadcast_in_dim3A_424, %and3A_48, %broadcast_in_dim3A_427] : memref<8x2x8x128xf32, #tpu.memory_space<vmem>>[vector<16xi32>, vector<16xi32>, vector<16xi32>, vector<16xi32>], vector<16xf32>,
      %scan3A_432 = arith.constant 0 : i32
      %scan3A_433 = arith.constant 0 : i32
      %scan3A_434 = arith.constant 64 : i32
      %scan3A_435 = arith.addi %scan3A_433, %scan3A_434 : i32
      %scan3A_436 = arith.constant 1 : i32
      scf.for %scan3A_489 = %scan3A_433 to %scan3A_435 step %scan3A_436  : i32 {
        %mul3A_490 = arith.constant 4 : i32
        %mul3A_491 = arith.muli %mul3A_490, %scan3A_489 : i32
        %add3A_492 = arith.constant 0 : i32
        %add3A_493 = arith.addi %mul3A_491, %add3A_492 : i32
        %shift_right_arithmetic3A_494 = arith.constant 7 : i32
        %shift_right_arithmetic3A_495 = arith.shrsi %add3A_493, %shift_right_arithmetic3A_494 : i32
        %broadcast_in_dim3A_496 = vector.broadcast %shift_right_arithmetic3A_495 : i32 to vector<16xi32>
        %and3A_497 = arith.constant 127 : i32
        %and3A_498 = arith.andi %add3A_493, %and3A_497 : i32
        %broadcast_in_dim3A_499 = vector.broadcast %and3A_498 : i32 to vector<16xi32>
        %get3A = arith.index_cast %add3A_493 : i32 to index
        %get3A_500 = arith.constant 0 : index
        %get3A_501 = tpu.vector_load %arg9[%get3A, %get3A_500] {strides = array<i32>} : memref<256x64xf32, #tpu.memory_space<vmem>>, vector<16xf32>,
        %add3A_502 = arith.addf %get3A_501, %gather3A_428 : vector<16xf32>
        tpu.vector_store_idx %arg11[%shift_right_arithmetic3A_7, %broadcast_in_dim3A_496, %and3A_30, %broadcast_in_dim3A_499], %add3A_502 : memref<8x2x8x129xf32, #tpu.memory_space<vmem>>[vector<16xi32>, vector<16xi32>, vector<16xi32>, vector<16xi32>], vector<16xf32>,
        %get3A_503 = arith.index_cast %add3A_493 : i32 to index
        %get3A_504 = arith.constant 16 : index
        %get3A_505 = tpu.vector_load %arg9[%get3A_503, %get3A_504] {strides = array<i32>} : memref<256x64xf32, #tpu.memory_space<vmem>>, vector<16xf32>,
        %add3A_506 = arith.addf %get3A_505, %gather3A_429 : vector<16xf32>
        tpu.vector_store_idx %arg11[%shift_right_arithmetic3A_13, %broadcast_in_dim3A_496, %and3A_36, %broadcast_in_dim3A_499], %add3A_506 : memref<8x2x8x129xf32, #tpu.memory_space<vmem>>[vector<16xi32>, vector<16xi32>, vector<16xi32>, vector<16xi32>], vector<16xf32>,
        %get3A_507 = arith.index_cast %add3A_493 : i32 to index
        %get3A_508 = arith.constant 32 : index
        %get3A_509 = tpu.vector_load %arg9[%get3A_507, %get3A_508] {strides = array<i32>} : memref<256x64xf32, #tpu.memory_space<vmem>>, vector<16xf32>,
        %add3A_510 = arith.addf %get3A_509, %gather3A_430 : vector<16xf32>
        tpu.vector_store_idx %arg11[%shift_right_arithmetic3A_19, %broadcast_in_dim3A_496, %and3A_42, %broadcast_in_dim3A_499], %add3A_510 : memref<8x2x8x129xf32, #tpu.memory_space<vmem>>[vector<16xi32>, vector<16xi32>, vector<16xi32>, vector<16xi32>], vector<16xf32>,
        %get3A_511 = arith.index_cast %add3A_493 : i32 to index
        %get3A_512 = arith.constant 48 : index
        %get3A_513 = tpu.vector_load %arg9[%get3A_511, %get3A_512] {strides = array<i32>} : memref<256x64xf32, #tpu.memory_space<vmem>>, vector<16xf32>,
        %add3A_514 = arith.addf %get3A_513, %gather3A_431 : vector<16xf32>
        tpu.vector_store_idx %arg11[%shift_right_arithmetic3A_25, %broadcast_in_dim3A_496, %and3A_48, %broadcast_in_dim3A_499], %add3A_514 : memref<8x2x8x129xf32, #tpu.memory_space<vmem>>[vector<16xi32>, vector<16xi32>, vector<16xi32>, vector<16xi32>], vector<16xf32>,
        %mul3A_515 = arith.constant 4 : i32
        %mul3A_516 = arith.muli %mul3A_515, %scan3A_489 : i32
        %add3A_517 = arith.constant 1 : i32
        %add3A_518 = arith.addi %mul3A_516, %add3A_517 : i32
        %shift_right_arithmetic3A_519 = arith.constant 7 : i32
        %shift_right_arithmetic3A_520 = arith.shrsi %add3A_518, %shift_right_arithmetic3A_519 : i32
        %broadcast_in_dim3A_521 = vector.broadcast %shift_right_arithmetic3A_520 : i32 to vector<16xi32>
        %and3A_522 = arith.constant 127 : i32
        %and3A_523 = arith.andi %add3A_518, %and3A_522 : i32
        %broadcast_in_dim3A_524 = vector.broadcast %and3A_523 : i32 to vector<16xi32>
        %get3A_525 = arith.index_cast %add3A_518 : i32 to index
        %get3A_526 = arith.constant 0 : index
        %get3A_527 = tpu.vector_load %arg9[%get3A_525, %get3A_526] {strides = array<i32>} : memref<256x64xf32, #tpu.memory_space<vmem>>, vector<16xf32>,
        %add3A_528 = arith.addf %get3A_527, %gather3A_428 : vector<16xf32>
        tpu.vector_store_idx %arg11[%shift_right_arithmetic3A_7, %broadcast_in_dim3A_521, %and3A_30, %broadcast_in_dim3A_524], %add3A_528 : memref<8x2x8x129xf32, #tpu.memory_space<vmem>>[vector<16xi32>, vector<16xi32>, vector<16xi32>, vector<16xi32>], vector<16xf32>,
        %get3A_529 = arith.index_cast %add3A_518 : i32 to index
        %get3A_530 = arith.constant 16 : index
        %get3A_531 = tpu.vector_load %arg9[%get3A_529, %get3A_530] {strides = array<i32>} : memref<256x64xf32, #tpu.memory_space<vmem>>, vector<16xf32>,
        %add3A_532 = arith.addf %get3A_531, %gather3A_429 : vector<16xf32>
        tpu.vector_store_idx %arg11[%shift_right_arithmetic3A_13, %broadcast_in_dim3A_521, %and3A_36, %broadcast_in_dim3A_524], %add3A_532 : memref<8x2x8x129xf32, #tpu.memory_space<vmem>>[vector<16xi32>, vector<16xi32>, vector<16xi32>, vector<16xi32>], vector<16xf32>,
        %get3A_533 = arith.index_cast %add3A_518 : i32 to index
        %get3A_534 = arith.constant 32 : index
        %get3A_535 = tpu.vector_load %arg9[%get3A_533, %get3A_534] {strides = array<i32>} : memref<256x64xf32, #tpu.memory_space<vmem>>, vector<16xf32>,
        %add3A_536 = arith.addf %get3A_535, %gather3A_430 : vector<16xf32>
        tpu.vector_store_idx %arg11[%shift_right_arithmetic3A_19, %broadcast_in_dim3A_521, %and3A_42, %broadcast_in_dim3A_524], %add3A_536 : memref<8x2x8x129xf32, #tpu.memory_space<vmem>>[vector<16xi32>, vector<16xi32>, vector<16xi32>, vector<16xi32>], vector<16xf32>,
        %get3A_537 = arith.index_cast %add3A_518 : i32 to index
        %get3A_538 = arith.constant 48 : index
        %get3A_539 = tpu.vector_load %arg9[%get3A_537, %get3A_538] {strides = array<i32>} : memref<256x64xf32, #tpu.memory_space<vmem>>, vector<16xf32>,
        %add3A_540 = arith.addf %get3A_539, %gather3A_431 : vector<16xf32>
        tpu.vector_store_idx %arg11[%shift_right_arithmetic3A_25, %broadcast_in_dim3A_521, %and3A_48, %broadcast_in_dim3A_524], %add3A_540 : memref<8x2x8x129xf32, #tpu.memory_space<vmem>>[vector<16xi32>, vector<16xi32>, vector<16xi32>, vector<16xi32>], vector<16xf32>,
        %mul3A_541 = arith.constant 4 : i32
        %mul3A_542 = arith.muli %mul3A_541, %scan3A_489 : i32
        %add3A_543 = arith.constant 2 : i32
        %add3A_544 = arith.addi %mul3A_542, %add3A_543 : i32
        %shift_right_arithmetic3A_545 = arith.constant 7 : i32
        %shift_right_arithmetic3A_546 = arith.shrsi %add3A_544, %shift_right_arithmetic3A_545 : i32
        %broadcast_in_dim3A_547 = vector.broadcast %shift_right_arithmetic3A_546 : i32 to vector<16xi32>
        %and3A_548 = arith.constant 127 : i32
        %and3A_549 = arith.andi %add3A_544, %and3A_548 : i32
        %broadcast_in_dim3A_550 = vector.broadcast %and3A_549 : i32 to vector<16xi32>
        %get3A_551 = arith.index_cast %add3A_544 : i32 to index
        %get3A_552 = arith.constant 0 : index
        %get3A_553 = tpu.vector_load %arg9[%get3A_551, %get3A_552] {strides = array<i32>} : memref<256x64xf32, #tpu.memory_space<vmem>>, vector<16xf32>,
        %add3A_554 = arith.addf %get3A_553, %gather3A_428 : vector<16xf32>
        tpu.vector_store_idx %arg11[%shift_right_arithmetic3A_7, %broadcast_in_dim3A_547, %and3A_30, %broadcast_in_dim3A_550], %add3A_554 : memref<8x2x8x129xf32, #tpu.memory_space<vmem>>[vector<16xi32>, vector<16xi32>, vector<16xi32>, vector<16xi32>], vector<16xf32>,
        %get3A_555 = arith.index_cast %add3A_544 : i32 to index
        %get3A_556 = arith.constant 16 : index
        %get3A_557 = tpu.vector_load %arg9[%get3A_555, %get3A_556] {strides = array<i32>} : memref<256x64xf32, #tpu.memory_space<vmem>>, vector<16xf32>,
        %add3A_558 = arith.addf %get3A_557, %gather3A_429 : vector<16xf32>
        tpu.vector_store_idx %arg11[%shift_right_arithmetic3A_13, %broadcast_in_dim3A_547, %and3A_36, %broadcast_in_dim3A_550], %add3A_558 : memref<8x2x8x129xf32, #tpu.memory_space<vmem>>[vector<16xi32>, vector<16xi32>, vector<16xi32>, vector<16xi32>], vector<16xf32>,
        %get3A_559 = arith.index_cast %add3A_544 : i32 to index
        %get3A_560 = arith.constant 32 : index
        %get3A_561 = tpu.vector_load %arg9[%get3A_559, %get3A_560] {strides = array<i32>} : memref<256x64xf32, #tpu.memory_space<vmem>>, vector<16xf32>,
        %add3A_562 = arith.addf %get3A_561, %gather3A_430 : vector<16xf32>
        tpu.vector_store_idx %arg11[%shift_right_arithmetic3A_19, %broadcast_in_dim3A_547, %and3A_42, %broadcast_in_dim3A_550], %add3A_562 : memref<8x2x8x129xf32, #tpu.memory_space<vmem>>[vector<16xi32>, vector<16xi32>, vector<16xi32>, vector<16xi32>], vector<16xf32>,
        %get3A_563 = arith.index_cast %add3A_544 : i32 to index
        %get3A_564 = arith.constant 48 : index
        %get3A_565 = tpu.vector_load %arg9[%get3A_563, %get3A_564] {strides = array<i32>} : memref<256x64xf32, #tpu.memory_space<vmem>>, vector<16xf32>,
        %add3A_566 = arith.addf %get3A_565, %gather3A_431 : vector<16xf32>
        tpu.vector_store_idx %arg11[%shift_right_arithmetic3A_25, %broadcast_in_dim3A_547, %and3A_48, %broadcast_in_dim3A_550], %add3A_566 : memref<8x2x8x129xf32, #tpu.memory_space<vmem>>[vector<16xi32>, vector<16xi32>, vector<16xi32>, vector<16xi32>], vector<16xf32>,
        %mul3A_567 = arith.constant 4 : i32
        %mul3A_568 = arith.muli %mul3A_567, %scan3A_489 : i32
        %add3A_569 = arith.constant 3 : i32
        %add3A_570 = arith.addi %mul3A_568, %add3A_569 : i32
        %shift_right_arithmetic3A_571 = arith.constant 7 : i32
        %shift_right_arithmetic3A_572 = arith.shrsi %add3A_570, %shift_right_arithmetic3A_571 : i32
        %broadcast_in_dim3A_573 = vector.broadcast %shift_right_arithmetic3A_572 : i32 to vector<16xi32>
        %and3A_574 = arith.constant 127 : i32
        %and3A_575 = arith.andi %add3A_570, %and3A_574 : i32
        %broadcast_in_dim3A_576 = vector.broadcast %and3A_575 : i32 to vector<16xi32>
        %get3A_577 = arith.index_cast %add3A_570 : i32 to index
        %get3A_578 = arith.constant 0 : index
        %get3A_579 = tpu.vector_load %arg9[%get3A_577, %get3A_578] {strides = array<i32>} : memref<256x64xf32, #tpu.memory_space<vmem>>, vector<16xf32>,
        %add3A_580 = arith.addf %get3A_579, %gather3A_428 : vector<16xf32>
        tpu.vector_store_idx %arg11[%shift_right_arithmetic3A_7, %broadcast_in_dim3A_573, %and3A_30, %broadcast_in_dim3A_576], %add3A_580 : memref<8x2x8x129xf32, #tpu.memory_space<vmem>>[vector<16xi32>, vector<16xi32>, vector<16xi32>, vector<16xi32>], vector<16xf32>,
        %get3A_581 = arith.index_cast %add3A_570 : i32 to index
        %get3A_582 = arith.constant 16 : index
        %get3A_583 = tpu.vector_load %arg9[%get3A_581, %get3A_582] {strides = array<i32>} : memref<256x64xf32, #tpu.memory_space<vmem>>, vector<16xf32>,
        %add3A_584 = arith.addf %get3A_583, %gather3A_429 : vector<16xf32>
        tpu.vector_store_idx %arg11[%shift_right_arithmetic3A_13, %broadcast_in_dim3A_573, %and3A_36, %broadcast_in_dim3A_576], %add3A_584 : memref<8x2x8x129xf32, #tpu.memory_space<vmem>>[vector<16xi32>, vector<16xi32>, vector<16xi32>, vector<16xi32>], vector<16xf32>,
        %get3A_585 = arith.index_cast %add3A_570 : i32 to index
        %get3A_586 = arith.constant 32 : index
        %get3A_587 = tpu.vector_load %arg9[%get3A_585, %get3A_586] {strides = array<i32>} : memref<256x64xf32, #tpu.memory_space<vmem>>, vector<16xf32>,
        %add3A_588 = arith.addf %get3A_587, %gather3A_430 : vector<16xf32>
        tpu.vector_store_idx %arg11[%shift_right_arithmetic3A_19, %broadcast_in_dim3A_573, %and3A_42, %broadcast_in_dim3A_576], %add3A_588 : memref<8x2x8x129xf32, #tpu.memory_space<vmem>>[vector<16xi32>, vector<16xi32>, vector<16xi32>, vector<16xi32>], vector<16xf32>,
        %get3A_589 = arith.index_cast %add3A_570 : i32 to index
        %get3A_590 = arith.constant 48 : index
        %get3A_591 = tpu.vector_load %arg9[%get3A_589, %get3A_590] {strides = array<i32>} : memref<256x64xf32, #tpu.memory_space<vmem>>, vector<16xf32>,
        %add3A_592 = arith.addf %get3A_591, %gather3A_431 : vector<16xf32>
        tpu.vector_store_idx %arg11[%shift_right_arithmetic3A_25, %broadcast_in_dim3A_573, %and3A_48, %broadcast_in_dim3A_576], %add3A_592 : memref<8x2x8x129xf32, #tpu.memory_space<vmem>>[vector<16xi32>, vector<16xi32>, vector<16xi32>, vector<16xi32>], vector<16xf32>,
      }
      %scan3A_437 = arith.constant 64 : i32
      %add3A_438 = arith.addi %mul3A_2, %add3A_383 : i32
      %shift_right_arithmetic3A_439 = arith.constant 4 : i32
      %shift_right_arithmetic3A_440 = arith.shrsi %add3A_438, %shift_right_arithmetic3A_439 : i32
      %and3A_441 = arith.constant 15 : i32
      %and3A_442 = arith.andi %add3A_438, %and3A_441 : i32
      %shift_left3A_443 = arith.constant 1 : i32
      %shift_left3A_444 = arith.shli %and3A_442, %shift_left3A_443 : i32
      %add3A_445 = arith.constant 1 : i32
      %add3A_446 = arith.addi %shift_left3A_444, %add3A_445 : i32
      %dma_start3A_447 = arith.constant 0 : i32
      %dma_start3A_448 = arith.constant 0 : i32
      %dma_start3A_449 = arith.constant 0 : i32
      %dma_start3A_450 = arith.constant 0 : i32
      %dma_start3A_451 = tpu.memref_slice %arg11[%dma_start3A_448, %dma_start3A_447, %dma_start3A_449, %dma_start3A_450] : memref<8x2x8x129xf32, #tpu.memory_space<vmem>> -> memref<8x1x8x128xf32, #tpu.memory_space<vmem>>
      %dma_start3A_452 = tpu.memref_squeeze %dma_start3A_451 : memref<8x1x8x128xf32, #tpu.memory_space<vmem>> -> memref<8x8x128xf32, #tpu.memory_space<vmem>>
      %dma_start3A_453 = arith.constant 0 : i32
      %dma_start3A_454 = arith.constant 0 : i32
      %dma_start3A_455 = arith.constant 0 : i32
      %dma_start3A_456 = tpu.memref_slice %arg5[%shift_right_arithmetic3A_440, %dma_start3A_453, %shift_left3A_444, %dma_start3A_454, %dma_start3A_455] : memref<200x8x32x8x128xf32, #tpu.memory_space<hbm>> -> memref<1x8x1x8x128xf32, #tpu.memory_space<hbm>>
      %dma_start3A_457 = tpu.memref_squeeze %dma_start3A_456 : memref<1x8x1x8x128xf32, #tpu.memory_space<hbm>> -> memref<8x8x128xf32, #tpu.memory_space<hbm>>
      %dma_start3A_458 = arith.constant 0 : i32
      %dma_start3A_459 = arith.constant 0 : i32
      %dma_start3A_460 = arith.constant 0 : i32
      %dma_start3A_461 = tpu.memref_slice %arg5[%shift_right_arithmetic3A_440, %dma_start3A_458, %shift_left3A_444, %dma_start3A_459, %dma_start3A_460] : memref<200x8x32x8x128xf32, #tpu.memory_space<hbm>> -> memref<1x8x1x8x128xf32, #tpu.memory_space<hbm>>
      %dma_start3A_462 = tpu.memref_squeeze %dma_start3A_461 : memref<1x8x1x8x128xf32, #tpu.memory_space<hbm>> -> memref<8x8x128xf32, #tpu.memory_space<hbm>>
      %dma_start3A_463 = arith.constant 0 : i32
      %dma_start3A_464 = arith.constant 0 : i32
      %dma_start3A_465 = arith.constant 0 : i32
      %dma_start3A_466 = tpu.memref_slice %arg11[%dma_start3A_463, %dma_start3A_447, %dma_start3A_464, %dma_start3A_465] : memref<8x2x8x129xf32, #tpu.memory_space<vmem>> -> memref<8x1x8x128xf32, #tpu.memory_space<vmem>>
      %dma_start3A_467 = tpu.memref_squeeze %dma_start3A_466 : memref<8x1x8x128xf32, #tpu.memory_space<vmem>> -> memref<8x8x128xf32, #tpu.memory_space<vmem>>
      tpu.enqueue_dma source(%dma_start3A_467 : memref<8x8x128xf32, #tpu.memory_space<vmem>>) target(%dma_start3A_462 : memref<8x8x128xf32, #tpu.memory_space<hbm>>) target_semaphore(%arg18 : memref<!tpu.dma_semaphore, #tpu.memory_space<semaphore_mem>>)
      %dma_start3A_468 = arith.constant 1 : i32
      %dma_start3A_469 = arith.constant 0 : i32
      %dma_start3A_470 = arith.constant 0 : i32
      %dma_start3A_471 = arith.constant 0 : i32
      %dma_start3A_472 = tpu.memref_slice %arg11[%dma_start3A_469, %dma_start3A_468, %dma_start3A_470, %dma_start3A_471] : memref<8x2x8x129xf32, #tpu.memory_space<vmem>> -> memref<8x1x8x128xf32, #tpu.memory_space<vmem>>
      %dma_start3A_473 = tpu.memref_squeeze %dma_start3A_472 : memref<8x1x8x128xf32, #tpu.memory_space<vmem>> -> memref<8x8x128xf32, #tpu.memory_space<vmem>>
      %dma_start3A_474 = arith.constant 0 : i32
      %dma_start3A_475 = arith.constant 0 : i32
      %dma_start3A_476 = arith.constant 0 : i32
      %dma_start3A_477 = tpu.memref_slice %arg5[%shift_right_arithmetic3A_440, %dma_start3A_474, %add3A_446, %dma_start3A_475, %dma_start3A_476] : memref<200x8x32x8x128xf32, #tpu.memory_space<hbm>> -> memref<1x8x1x8x128xf32, #tpu.memory_space<hbm>>
      %dma_start3A_478 = tpu.memref_squeeze %dma_start3A_477 : memref<1x8x1x8x128xf32, #tpu.memory_space<hbm>> -> memref<8x8x128xf32, #tpu.memory_space<hbm>>
      %dma_start3A_479 = arith.constant 0 : i32
      %dma_start3A_480 = arith.constant 0 : i32
      %dma_start3A_481 = arith.constant 0 : i32
      %dma_start3A_482 = tpu.memref_slice %arg5[%shift_right_arithmetic3A_440, %dma_start3A_479, %add3A_446, %dma_start3A_480, %dma_start3A_481] : memref<200x8x32x8x128xf32, #tpu.memory_space<hbm>> -> memref<1x8x1x8x128xf32, #tpu.memory_space<hbm>>
      %dma_start3A_483 = tpu.memref_squeeze %dma_start3A_482 : memref<1x8x1x8x128xf32, #tpu.memory_space<hbm>> -> memref<8x8x128xf32, #tpu.memory_space<hbm>>
      %dma_start3A_484 = arith.constant 0 : i32
      %dma_start3A_485 = arith.constant 0 : i32
      %dma_start3A_486 = arith.constant 0 : i32
      %dma_start3A_487 = tpu.memref_slice %arg11[%dma_start3A_484, %dma_start3A_468, %dma_start3A_485, %dma_start3A_486] : memref<8x2x8x129xf32, #tpu.memory_space<vmem>> -> memref<8x1x8x128xf32, #tpu.memory_space<vmem>>
      %dma_start3A_488 = tpu.memref_squeeze %dma_start3A_487 : memref<8x1x8x128xf32, #tpu.memory_space<vmem>> -> memref<8x8x128xf32, #tpu.memory_space<vmem>>
      tpu.enqueue_dma source(%dma_start3A_488 : memref<8x8x128xf32, #tpu.memory_space<vmem>>) target(%dma_start3A_483 : memref<8x8x128xf32, #tpu.memory_space<hbm>>) target_semaphore(%arg18 : memref<!tpu.dma_semaphore, #tpu.memory_space<semaphore_mem>>)
    }
    %scan3A_171 = arith.constant 50 : i32
    %add3A_172 = arith.constant 98 : i32
    %add3A_173 = arith.addi %mul3A_2, %add3A_172 : i32
    %shift_right_arithmetic3A_174 = arith.constant 4 : i32
    %shift_right_arithmetic3A_175 = arith.shrsi %add3A_173, %shift_right_arithmetic3A_174 : i32
    %and3A_176 = arith.constant 15 : i32
    %and3A_177 = arith.andi %add3A_173, %and3A_176 : i32
    %shift_left3A_178 = arith.constant 1 : i32
    %shift_left3A_179 = arith.shli %and3A_177, %shift_left3A_178 : i32
    %add3A_180 = arith.constant 1 : i32
    %add3A_181 = arith.addi %shift_left3A_179, %add3A_180 : i32
    %dma_wait3A_182 = arith.constant 0 : i32
    %dma_wait3A_183 = arith.constant 0 : i32
    %dma_wait3A_184 = arith.constant 0 : i32
    %dma_wait3A_185 = arith.constant 0 : i32
    %dma_wait3A_186 = tpu.memref_slice %arg10[%dma_wait3A_183, %dma_wait3A_182, %dma_wait3A_184, %dma_wait3A_185] : memref<8x2x8x129xf32, #tpu.memory_space<vmem>> -> memref<8x1x8x128xf32, #tpu.memory_space<vmem>>
    %dma_wait3A_187 = tpu.memref_squeeze %dma_wait3A_186 : memref<8x1x8x128xf32, #tpu.memory_space<vmem>> -> memref<8x8x128xf32, #tpu.memory_space<vmem>>
    %dma_wait3A_188 = arith.constant 0 : i32
    %dma_wait3A_189 = arith.constant 0 : i32
    %dma_wait3A_190 = arith.constant 0 : i32
    %dma_wait3A_191 = tpu.memref_slice %arg5[%shift_right_arithmetic3A_175, %dma_wait3A_188, %shift_left3A_179, %dma_wait3A_189, %dma_wait3A_190] : memref<200x8x32x8x128xf32, #tpu.memory_space<hbm>> -> memref<1x8x1x8x128xf32, #tpu.memory_space<hbm>>
    %dma_wait3A_192 = tpu.memref_squeeze %dma_wait3A_191 : memref<1x8x1x8x128xf32, #tpu.memory_space<hbm>> -> memref<8x8x128xf32, #tpu.memory_space<hbm>>
    %dma_wait3A_193 = arith.constant 0 : i32
    %dma_wait3A_194 = arith.constant 0 : i32
    %dma_wait3A_195 = arith.constant 0 : i32
    %dma_wait3A_196 = tpu.memref_slice %arg5[%shift_right_arithmetic3A_175, %dma_wait3A_193, %shift_left3A_179, %dma_wait3A_194, %dma_wait3A_195] : memref<200x8x32x8x128xf32, #tpu.memory_space<hbm>> -> memref<1x8x1x8x128xf32, #tpu.memory_space<hbm>>
    %dma_wait3A_197 = tpu.memref_squeeze %dma_wait3A_196 : memref<1x8x1x8x128xf32, #tpu.memory_space<hbm>> -> memref<8x8x128xf32, #tpu.memory_space<hbm>>
    %dma_wait3A_198 = arith.constant 0 : i32
    %dma_wait3A_199 = arith.constant 0 : i32
    %dma_wait3A_200 = arith.constant 0 : i32
    %dma_wait3A_201 = tpu.memref_slice %arg10[%dma_wait3A_198, %dma_wait3A_182, %dma_wait3A_199, %dma_wait3A_200] : memref<8x2x8x129xf32, #tpu.memory_space<vmem>> -> memref<8x1x8x128xf32, #tpu.memory_space<vmem>>
    %dma_wait3A_202 = tpu.memref_squeeze %dma_wait3A_201 : memref<8x1x8x128xf32, #tpu.memory_space<vmem>> -> memref<8x8x128xf32, #tpu.memory_space<vmem>>
    tpu.wait_dma2 semaphore(%arg17 : memref<!tpu.dma_semaphore, #tpu.memory_space<semaphore_mem>>) src(%dma_wait3A_202 : memref<8x8x128xf32, #tpu.memory_space<vmem>>) dst(%dma_wait3A_197 : memref<8x8x128xf32, #tpu.memory_space<hbm>>)
    %dma_wait3A_203 = arith.constant 1 : i32
    %dma_wait3A_204 = arith.constant 0 : i32
    %dma_wait3A_205 = arith.constant 0 : i32
    %dma_wait3A_206 = arith.constant 0 : i32
    %dma_wait3A_207 = tpu.memref_slice %arg10[%dma_wait3A_204, %dma_wait3A_203, %dma_wait3A_205, %dma_wait3A_206] : memref<8x2x8x129xf32, #tpu.memory_space<vmem>> -> memref<8x1x8x128xf32, #tpu.memory_space<vmem>>
    %dma_wait3A_208 = tpu.memref_squeeze %dma_wait3A_207 : memref<8x1x8x128xf32, #tpu.memory_space<vmem>> -> memref<8x8x128xf32, #tpu.memory_space<vmem>>
    %dma_wait3A_209 = arith.constant 0 : i32
    %dma_wait3A_210 = arith.constant 0 : i32
    %dma_wait3A_211 = arith.constant 0 : i32
    %dma_wait3A_212 = tpu.memref_slice %arg5[%shift_right_arithmetic3A_175, %dma_wait3A_209, %add3A_181, %dma_wait3A_210, %dma_wait3A_211] : memref<200x8x32x8x128xf32, #tpu.memory_space<hbm>> -> memref<1x8x1x8x128xf32, #tpu.memory_space<hbm>>
    %dma_wait3A_213 = tpu.memref_squeeze %dma_wait3A_212 : memref<1x8x1x8x128xf32, #tpu.memory_space<hbm>> -> memref<8x8x128xf32, #tpu.memory_space<hbm>>
    %dma_wait3A_214 = arith.constant 0 : i32
    %dma_wait3A_215 = arith.constant 0 : i32
    %dma_wait3A_216 = arith.constant 0 : i32
    %dma_wait3A_217 = tpu.memref_slice %arg5[%shift_right_arithmetic3A_175, %dma_wait3A_214, %add3A_181, %dma_wait3A_215, %dma_wait3A_216] : memref<200x8x32x8x128xf32, #tpu.memory_space<hbm>> -> memref<1x8x1x8x128xf32, #tpu.memory_space<hbm>>
    %dma_wait3A_218 = tpu.memref_squeeze %dma_wait3A_217 : memref<1x8x1x8x128xf32, #tpu.memory_space<hbm>> -> memref<8x8x128xf32, #tpu.memory_space<hbm>>
    %dma_wait3A_219 = arith.constant 0 : i32
    %dma_wait3A_220 = arith.constant 0 : i32
    %dma_wait3A_221 = arith.constant 0 : i32
    %dma_wait3A_222 = tpu.memref_slice %arg10[%dma_wait3A_219, %dma_wait3A_203, %dma_wait3A_220, %dma_wait3A_221] : memref<8x2x8x129xf32, #tpu.memory_space<vmem>> -> memref<8x1x8x128xf32, #tpu.memory_space<vmem>>
    %dma_wait3A_223 = tpu.memref_squeeze %dma_wait3A_222 : memref<8x1x8x128xf32, #tpu.memory_space<vmem>> -> memref<8x8x128xf32, #tpu.memory_space<vmem>>
    tpu.wait_dma2 semaphore(%arg17 : memref<!tpu.dma_semaphore, #tpu.memory_space<semaphore_mem>>) src(%dma_wait3A_223 : memref<8x8x128xf32, #tpu.memory_space<vmem>>) dst(%dma_wait3A_218 : memref<8x8x128xf32, #tpu.memory_space<hbm>>)
    %add3A_224 = arith.constant 99 : i32
    %add3A_225 = arith.addi %mul3A_2, %add3A_224 : i32
    %shift_right_arithmetic3A_226 = arith.constant 4 : i32
    %shift_right_arithmetic3A_227 = arith.shrsi %add3A_225, %shift_right_arithmetic3A_226 : i32
    %and3A_228 = arith.constant 15 : i32
    %and3A_229 = arith.andi %add3A_225, %and3A_228 : i32
    %shift_left3A_230 = arith.constant 1 : i32
    %shift_left3A_231 = arith.shli %and3A_229, %shift_left3A_230 : i32
    %add3A_232 = arith.constant 1 : i32
    %add3A_233 = arith.addi %shift_left3A_231, %add3A_232 : i32
    %dma_wait3A_234 = arith.constant 0 : i32
    %dma_wait3A_235 = arith.constant 0 : i32
    %dma_wait3A_236 = arith.constant 0 : i32
    %dma_wait3A_237 = arith.constant 0 : i32
    %dma_wait3A_238 = tpu.memref_slice %arg11[%dma_wait3A_235, %dma_wait3A_234, %dma_wait3A_236, %dma_wait3A_237] : memref<8x2x8x129xf32, #tpu.memory_space<vmem>> -> memref<8x1x8x128xf32, #tpu.memory_space<vmem>>
    %dma_wait3A_239 = tpu.memref_squeeze %dma_wait3A_238 : memref<8x1x8x128xf32, #tpu.memory_space<vmem>> -> memref<8x8x128xf32, #tpu.memory_space<vmem>>
    %dma_wait3A_240 = arith.constant 0 : i32
    %dma_wait3A_241 = arith.constant 0 : i32
    %dma_wait3A_242 = arith.constant 0 : i32
    %dma_wait3A_243 = tpu.memref_slice %arg5[%shift_right_arithmetic3A_227, %dma_wait3A_240, %shift_left3A_231, %dma_wait3A_241, %dma_wait3A_242] : memref<200x8x32x8x128xf32, #tpu.memory_space<hbm>> -> memref<1x8x1x8x128xf32, #tpu.memory_space<hbm>>
    %dma_wait3A_244 = tpu.memref_squeeze %dma_wait3A_243 : memref<1x8x1x8x128xf32, #tpu.memory_space<hbm>> -> memref<8x8x128xf32, #tpu.memory_space<hbm>>
    %dma_wait3A_245 = arith.constant 0 : i32
    %dma_wait3A_246 = arith.constant 0 : i32
    %dma_wait3A_247 = arith.constant 0 : i32
    %dma_wait3A_248 = tpu.memref_slice %arg5[%shift_right_arithmetic3A_227, %dma_wait3A_245, %shift_left3A_231, %dma_wait3A_246, %dma_wait3A_247] : memref<200x8x32x8x128xf32, #tpu.memory_space<hbm>> -> memref<1x8x1x8x128xf32, #tpu.memory_space<hbm>>
    %dma_wait3A_249 = tpu.memref_squeeze %dma_wait3A_248 : memref<1x8x1x8x128xf32, #tpu.memory_space<hbm>> -> memref<8x8x128xf32, #tpu.memory_space<hbm>>
    %dma_wait3A_250 = arith.constant 0 : i32
    %dma_wait3A_251 = arith.constant 0 : i32
    %dma_wait3A_252 = arith.constant 0 : i32
    %dma_wait3A_253 = tpu.memref_slice %arg11[%dma_wait3A_250, %dma_wait3A_234, %dma_wait3A_251, %dma_wait3A_252] : memref<8x2x8x129xf32, #tpu.memory_space<vmem>> -> memref<8x1x8x128xf32, #tpu.memory_space<vmem>>
    %dma_wait3A_254 = tpu.memref_squeeze %dma_wait3A_253 : memref<8x1x8x128xf32, #tpu.memory_space<vmem>> -> memref<8x8x128xf32, #tpu.memory_space<vmem>>
    tpu.wait_dma2 semaphore(%arg18 : memref<!tpu.dma_semaphore, #tpu.memory_space<semaphore_mem>>) src(%dma_wait3A_254 : memref<8x8x128xf32, #tpu.memory_space<vmem>>) dst(%dma_wait3A_249 : memref<8x8x128xf32, #tpu.memory_space<hbm>>)
    %dma_wait3A_255 = arith.constant 1 : i32
    %dma_wait3A_256 = arith.constant 0 : i32
    %dma_wait3A_257 = arith.constant 0 : i32
    %dma_wait3A_258 = arith.constant 0 : i32
    %dma_wait3A_259 = tpu.memref_slice %arg11[%dma_wait3A_256, %dma_wait3A_255, %dma_wait3A_257, %dma_wait3A_258] : memref<8x2x8x129xf32, #tpu.memory_space<vmem>> -> memref<8x1x8x128xf32, #tpu.memory_space<vmem>>
    %dma_wait3A_260 = tpu.memref_squeeze %dma_wait3A_259 : memref<8x1x8x128xf32, #tpu.memory_space<vmem>> -> memref<8x8x128xf32, #tpu.memory_space<vmem>>
    %dma_wait3A_261 = arith.constant 0 : i32
    %dma_wait3A_262 = arith.constant 0 : i32
    %dma_wait3A_263 = arith.constant 0 : i32
    %dma_wait3A_264 = tpu.memref_slice %arg5[%shift_right_arithmetic3A_227, %dma_wait3A_261, %add3A_233, %dma_wait3A_262, %dma_wait3A_263] : memref<200x8x32x8x128xf32, #tpu.memory_space<hbm>> -> memref<1x8x1x8x128xf32, #tpu.memory_space<hbm>>
    %dma_wait3A_265 = tpu.memref_squeeze %dma_wait3A_264 : memref<1x8x1x8x128xf32, #tpu.memory_space<hbm>> -> memref<8x8x128xf32, #tpu.memory_space<hbm>>
    %dma_wait3A_266 = arith.constant 0 : i32
    %dma_wait3A_267 = arith.constant 0 : i32
    %dma_wait3A_268 = arith.constant 0 : i32
    %dma_wait3A_269 = tpu.memref_slice %arg5[%shift_right_arithmetic3A_227, %dma_wait3A_266, %add3A_233, %dma_wait3A_267, %dma_wait3A_268] : memref<200x8x32x8x128xf32, #tpu.memory_space<hbm>> -> memref<1x8x1x8x128xf32, #tpu.memory_space<hbm>>
    %dma_wait3A_270 = tpu.memref_squeeze %dma_wait3A_269 : memref<1x8x1x8x128xf32, #tpu.memory_space<hbm>> -> memref<8x8x128xf32, #tpu.memory_space<hbm>>
    %dma_wait3A_271 = arith.constant 0 : i32
    %dma_wait3A_272 = arith.constant 0 : i32
    %dma_wait3A_273 = arith.constant 0 : i32
    %dma_wait3A_274 = tpu.memref_slice %arg11[%dma_wait3A_271, %dma_wait3A_255, %dma_wait3A_272, %dma_wait3A_273] : memref<8x2x8x129xf32, #tpu.memory_space<vmem>> -> memref<8x1x8x128xf32, #tpu.memory_space<vmem>>
    %dma_wait3A_275 = tpu.memref_squeeze %dma_wait3A_274 : memref<8x1x8x128xf32, #tpu.memory_space<vmem>> -> memref<8x8x128xf32, #tpu.memory_space<vmem>>
    tpu.wait_dma2 semaphore(%arg18 : memref<!tpu.dma_semaphore, #tpu.memory_space<semaphore_mem>>) src(%dma_wait3A_275 : memref<8x8x128xf32, #tpu.memory_space<vmem>>) dst(%dma_wait3A_270 : memref<8x8x128xf32, #tpu.memory_space<hbm>>)
    return
  }
}

</mosaic_0001>

<sc_bundles>
// kernel: _run.3.cloned.1.call-start
scs
__scs_entry_jumppad:
0x0: {  	(pc) =	sbr.rel $0x88, $3  }
0x1: {  	(tag) =	ssettag $0x0;
	lr =	simm.s32 $0x1  }
0x2: {  	[smem:$0x3F9E] =	sst lr;
	_ =	strace $0xD0000000  }
0x3: {  	_ = 	snop  }
0x4: {  	_ = 	snop  }
0x5: {  	_ = 	snop  }
0x6: {  	_ = 	snop  }
0x7: {  	_ = 	snop  }
__scs_overlays_trampoline_lowered:
0x8: {  	[smem:$0x3FAD] =	sst s0  }
0x9: {  	[smem:$0x3FAE] =	sst s1  }
0xa: {  	[smem:$0x3FAF] =	sst s2  }
0xb: {  	[smem:$0x3FB0] =	sst s3  }
0xc: {  	[smem:$0x3FB1] =	sst s4  }
0xd: {  	[smem:$0x3FB2] =	sst s5  }
0xe: {  	[smem:$0x3FB3] =	sst s6  }
0xf: {  	[smem:$0x3FB4] =	sst s7  }
0x10: {  	[smem:$0x3FB5] =	sst s8  }
0x11: {  	[smem:$0x3FB6] =	sst s9;
	s0 =	simm.s32 @!p0 $0x0  }
0x12: {  	s1 =	sld [smem:$0x3F9C];
	s0 =	simm.s32 @p0 $0x1  }
0x13: {  	[smem:$0x3FB7] =	sst s0;
	s0 =	simm.s32 @!p1 $0x0  }
0x14: {  	s2 =	sld [smem:$0x3F9B];
	s0 =	simm.s32 @p1 $0x1  }
0x15: {  	[smem:$0x3FB8] =	sst s0;
	s0 =	simm.s32 @!p2 $0x0  }
0x16: {  	s3 =	sld [smem:$0x3FDB];
	s0 =	simm.s32 @p2 $0x1  }
0x17: {  	s4 =	simm.s32 $0x1BF5;
	[smem:$0x3FBA] =	sst s0  }
0x18: {  	s0 =	sld [smem:$0x3F9D];
	_ =	swait.ge [sflag:s4], $0x0  }
0x19: {  	s7 =	sld [smem:$0x3F9E]  }
0x1a: {  	s8 =	sadd.s32 $0xFFFFE003, lr  }
0x1b: {  	s9 =	sadd.s32 $0xFFFFFEF7, lr;
	s5 =	simm.s32 $0xFFFFFFFF;
	p2 =	slt.u32 s8, $0xFFFFF086  }
0x1c: {  	p1 =	slt.u32 s9, $0xF7A;
	s5 =	simm.s32 @!p2 $0x0  }
0x1d: {  	s5 =	simm.s32 @p1 $0x1;
	p0 =	seq.s32 s7, s2  }
0x1e: {  	s7 =	smul.u32 @!p0 $0xF7A, s2;
	p2 =	seq.s32 @!p0 s5, $0x0  }
0x1f: {  	s9 =	smul.u32 $0xF7A, s1;
	s8 =	simm.s32 @!p0 $0x1BF5;
	p2 =	por !p2, p0  }
0x20: {  	[sflag:s8] =	ssyncset.s32 @!p0 $0xFFFFF086;
	s6 =	sadd.s32 @!p0 s3, s7;
	s7 =	simm.s32 @!p0 $0x108  }
0x21: {  	s3 =	sadd.s32 s3, s9;
	s6 =	sadd.s32 @!p0 $0x88, s6;
	s7 =	simm.s32 @p2 $0x1082  }
0x22: {  	[simem:s7], [sflag:s8] =	dma.local @!p0 [hbm:s6], $0xF7A  }
0x23: {  	s9 =	sor.u32 $0xD0000000, s2;
	s6 =	simm.s32 $0x108;
	_ =	swait.ge @!p0 [sflag:s8], $0x0  }
0x24: {  	s3 =	sadd.s32 $0x88, s3;
	s6 =	simm.s32 @!p1 $0x1082;
	[sflag:s4] =	ssyncset.s32 $0xFFFFF086  }
0x25: {  	[simem:s6], [sflag:s4] =	dma.local [hbm:s3], $0xF7A  }
0x26: {  	[smem:$0x3F9E] =	sst s1;
	(tag) =	ssettag s2;
	_ =	strace s9  }
0x27: {  	s1 =	sld [smem:$0x3FAE]  }
0x28: {  	s2 =	sld [smem:$0x3FAF]  }
0x29: {  	s4 =	sld [smem:$0x3FB1]  }
0x2a: {  	p0 =	seq.s32 s5, $0x0;
	s5 =	sld [smem:$0x3FB2]  }
0x2b: {  	s6 =	sld [smem:$0x3FB3]  }
0x2c: {  	s7 =	sld [smem:$0x3FB4]  }
0x2d: {  	s3 =	simm.s32 $0x108;
	s8 =	sld [smem:$0x3FB5]  }
0x2e: {  	s3 =	simm.s32 @!p0 $0x1082;
	s9 =	sld [smem:$0x3FB6]  }
0x2f: {  	lr =	sadd.s32 s0, s3;
	s0 =	sld [smem:$0x3FAD]  }
0x30: {  	s3 =	sld [smem:$0x3FB0]  }
0x31: {  	[smem:$0x3FB9] =	sst s10  }
0x32: {  	s10 =	sld [smem:$0x3FB7];
	_ =	sdelay $0x3  }
0x33: {  	p0 =	seq.s32 s10, $0x1;
	s10 =	sld [smem:$0x3FB9];
	_ =	sdelay $0x3  }
0x34: {  	[smem:$0x3FB9] =	sst s10  }
0x35: {  	s10 =	sld [smem:$0x3FB8];
	_ =	sdelay $0x3  }
0x36: {  	p1 =	seq.s32 s10, $0x1;
	s10 =	sld [smem:$0x3FB9];
	_ =	sdelay $0x3  }
0x37: {  	[smem:$0x3FB9] =	sst s10  }
0x38: {  	s10 =	sld [smem:$0x3FBA]  }
0x39: {  	_ = 	snop;
	(pc) =	sbr.ind lr, $3  }
0x3a: {  	_ = 	snop  }
0x3b: {  	_ = 	snop  }
0x3c: {  	p2 =	seq.s32 s10, $0x1;
	s10 =	sld [smem:$0x3FB9]  }
0x3d: {  	_ =	shalt  }
0x3e: {  	_ =	shalt  }
0x3f: {  	_ =	shalt  }
0x40: {  	_ =	shalt  }
0x41: {  	_ =	shalt  }
0x42: {  	_ =	shalt  }
0x43: {  	_ =	shalt  }
0x44: {  	_ =	shalt  }
0x45: {  	_ =	shalt  }
0x46: {  	_ =	shalt  }
0x47: {  	_ =	shalt  }
0x48: {  	_ =	shalt  }
0x49: {  	_ =	shalt  }
0x4a: {  	_ =	shalt  }
0x4b: {  	_ =	shalt  }
0x4c: {  	_ =	shalt  }
0x4d: {  	_ =	shalt  }
0x4e: {  	_ =	shalt  }
0x4f: {  	_ =	shalt  }
0x50: {  	_ =	shalt  }
0x51: {  	_ =	shalt  }
0x52: {  	_ =	shalt  }
0x53: {  	_ =	shalt  }
0x54: {  	_ =	shalt  }
0x55: {  	_ =	shalt  }
0x56: {  	_ =	shalt  }
0x57: {  	_ =	shalt  }
0x58: {  	_ =	shalt  }
0x59: {  	_ =	shalt  }
0x5a: {  	_ =	shalt  }
0x5b: {  	_ =	shalt  }
0x5c: {  	_ =	shalt  }
0x5d: {  	_ =	shalt  }
0x5e: {  	_ =	shalt  }
0x5f: {  	_ =	shalt  }
0x60: {  	_ =	shalt  }
0x61: {  	_ =	shalt  }
0x62: {  	_ =	shalt  }
0x63: {  	_ =	shalt  }
0x64: {  	_ =	shalt  }
0x65: {  	_ =	shalt  }
0x66: {  	_ =	shalt  }
0x67: {  	_ =	shalt  }
0x68: {  	_ =	shalt  }
0x69: {  	_ =	shalt  }
0x6a: {  	_ =	shalt  }
0x6b: {  	_ =	shalt  }
0x6c: {  	_ =	shalt  }
0x6d: {  	_ =	shalt  }
0x6e: {  	_ =	shalt  }
0x6f: {  	_ =	shalt  }
0x70: {  	_ =	shalt  }
0x71: {  	_ =	shalt  }
0x72: {  	_ =	shalt  }
0x73: {  	_ =	shalt  }
0x74: {  	_ =	shalt  }
0x75: {  	_ =	shalt  }
0x76: {  	_ =	shalt  }
0x77: {  	_ =	shalt  }
0x78: {  	_ =	shalt  }
0x79: {  	_ =	shalt  }
0x7a: {  	_ =	shalt  }
0x7b: {  	_ =	shalt  }
0x7c: {  	_ =	shalt  }
0x7d: {  	_ =	shalt  }
0x7e: {  	_ =	shalt  }
0x7f: {  	_ =	shalt  }
0x80: {  	_ =	shalt  }
0x81: {  	_ =	shalt  }
0x82: {  	_ =	shalt  }
0x83: {  	_ =	shalt  }
0x84: {  	_ =	shalt  }
0x85: {  	_ =	shalt  }
0x86: {  	_ =	shalt  }
0x87: {  	_ =	shalt  }
.Lfunc_end0:
.L_simem_size_0:
called_computation_lowered:
.L_overlay_start_0:
0x88: {  	s2 =	sld [smem:$0x3FD9]  }
0x89: {  	s3 =	sld [smem:$0x3FFE];
	_ =	sdelay $0x1  }
0x8a: {  	s1 =	srdreg.scid  }
0x8b: {  	s0 =	sand.u32 $0x1, s1  }
0x8c: {  	s17 =	sshll.u32 s0, $0xA;
	s2 =	sadd.s32 s3, s2  }
0x8d: {  	s2 =	sadd.s32 s2, s17  }
0x8e: {  	[smem:$0x3FC5] =	sst s2  }
0x8f: {  	_ = 	snop  }
0x90: {  	s2 =	sld [smem:$0x3FC9]  }
0x91: {  	s18 =	sld [smem:$0x3FC7]  }
0x92: {  	s4 =	sld [smem:$0x3FD0];
	(tm) =	ssettm $0x1  }
0x93: {  	s5 =	sld [smem:$0x3FFB];
	_ =	sdelay $0x3  }
0x94: {  	_ =	strace s5  }
0x95: {  	s5 =	sld [smem:$0x3FFC];
	_ =	sdelay $0x3  }
0x96: {  	_ =	strace s5  }
0x97: {  	s5 =	sld [smem:$0x3FFD];
	_ =	sdelay $0x3  }
0x98: {  	_ =	strace s5  }
0x99: {  	_ =	strace $0x8FFFFFFF  }
0x9a: {  	s19 =	sld [smem:$0x3FDB];
	_ =	sdelay $0x1  }
0x9b: {  	s6 =	simm.s32 $_scs_section_size  }
0x9c: {  	s7 =	simm.s32 $_size__tile_overlayer_lowered;
	s8 =	simm.s32 $_tile_overlayer_lowered  }
0x9d: {  	s22 =	simm.s32 $0x1BFF;
	s21 =	sshll.u32 s8, $0x1;
	s5 =	sadd.s32 s6, s19  }
0x9e: {  	s9 =	simm.s32 $0x0;
	s20 =	sshll.u32 s7, $0x1;
	s7 =	sadd.s32 s21, s5  }
0x9f: {  	[timem:s9], [sflag:s22] =	dma.local [hbm:s7], s20  }
0xa0: {  	_ =	swait.ge [sflag:s22], s20  }
0xa1: {  	s6 =	ssub.s32 $0x0, s20;
	[sflag:s22] =	ssyncset.done $0x0  }
0xa2: {  	[sflag:s22] =	ssyncadd.s32 s6;
	_ =	sdelay $0x1  }
0xa3: {  	s23 =	simm.s32 $0x1B8B  }
0xa4: {  	_ =	swait.ge [sflag:s23], $0x1  }
0xa5: {  	[sflag:s23] =	ssyncset.done $0x0  }
0xa6: {  	s25 =	simm.s32 $0x1B8E;
	s24 =	sld [smem:$0x3FFE];
	[sflag:s23] =	ssyncadd.s32 $0xFFFFFFFF  }
0xa7: {  	s26 =	simm.s32 $execute0_lowered;
	[smem:$0x3FD2] =	sst s25  }
0xa8: {  	s7 =	sshll.u32 s26, $0x1;
	_ =	strace $0x80000046;
	[dreg:$0x1] =	wrdreg $0xFFFFFFFF  }
0xa9: {  	s28 =	simm.s32 $_size_execute0_lowered;
	s5 =	sadd.s32 s5, s7;
	[dreg:$0x0] =	wrdreg $0x0  }
0xaa: {  	s7 =	sshll.u32 s28, $0x1;
	[dreg:$0x2] =	wrdreg s5  }
0xab: {  	[dreg:$0x3] =	wrdreg s7  }
0xac: {  	[dreg:$0x4] =	wrdreg $0xC0  }
0xad: {  	_ =	task [dreg:s9], $0x5FFFF  }
0xae: {  	[dreg:$0x1] =	wrdreg $0xFFFFFFFF  }
0xaf: {  	[dreg:$0x0] =	wrdreg $0x60  }
0xb0: {  	[dreg:$0x2] =	wrdreg s2  }
0xb1: {  	[dreg:$0x3] =	wrdreg s24  }
0xb2: {  	[dreg:$0x4] =	wrdreg s18  }
0xb3: {  	[dreg:$0x5] =	wrdreg s4  }
0xb4: {  	[dreg:$0x6] =	wrdreg $0x9  }
0xb5: {  	_ =	task.clear_ibuf [dreg:s9], $0x7FFFF;
	_ =	strace $0x90000046  }
0xb6: {  	s29 =	simm.s32 $0x9;
	_ =	strace $0x80000048  }
0xb7: {  	_ =	swait.ge [sflag:s29], $0x1  }
0xb8: {  	[sflag:s29] =	ssyncadd.s32 $0xFFFFFFFF  }
0xb9: {  	_ =	strace $0x90000048  }
0xba: {  	_ =	sfence  }
0xbb: {  	s30 =	sld [smem:$0x0];
	_ =	sdelay $0x2  }
0xbc: {  	s31 =	sshll.u32 s1, $0xD;
	s1 =	sshrl.u32 s1, $0x2  }
0xbd: {  	s3 =	sand.u32 $0x4000, s31;
	s1 =	sadd.s32 s1, s30  }
0xbe: {  	s0 =	sor.u32 s3, s0;
	s1 =	sshll.u32 s1, $0x11  }
0xbf: {  	s0 =	sor.u32 s1, s0  }
0xc0: {  	s0 =	sadd.s32 $0x8F2B, s0  }
0xc1: {  	[sflag:s0] =	ssyncadd.remote.s32 $0x1  }
0xc2: {  	_ =	sfence.sel $0xFFFF  }
0xc3: {  	[dreg:$0x0] =	wrdreg $0xFFFFFFFF;
	(pc) =	sbr.abs _section_cstart, $3  }
0xc4: {  	[dreg:$0x1] =	wrdreg $0xFFFFFFFF  }
0xc5: {  	_ =	task.clear_ibuf [dreg:s9], $0x2FFFF;
	_ =	strace $0x9FFFFFFF  }
0xc6: {  	(tm) =	ssettm $0x7FFFFFFF  }
0xc7: {  	_ =	shalt  }
tec
execute0_lowered:
.L_overlay_start_1:
0x0: {  	(tag) =	ssettag $0x1  }
0x1: {  	v0 =	vimm.s32 $0xB80;
	vm14 =	vcmask $0x300  }
0x2: {  	v1 =	vimm.s32 $0x1B80;
	vm13 =	vcmask $0x704;
	vm12 =	vcmask $0xB08  }
0x3: {  	vm11 =	vcmask $0xF0C;
	vm9 =	vcmask $0x1310;
	vm10 =	vcmask $0x1714  }
0x4: {  	vm8 =	vcmask $0x1B18;
	vm7 =	vcmask $0x1F1C;
	vm6 =	vcmask $0x2320  }
0x5: {  	vm5 =	vcmask $0x2724;
	vm4 =	vcmask $0x2B28;
	vm3 =	vcmask $0x2F2C  }
0x6: {  	vm2 =	vcmask $0x3330;
	vm1 =	vcmask $0x3734;
	vm0 =	vcmask $0x3B38  }
0x7: {  	v2 =	vimm.s32 $0x2B80;
	v3 =	vimm.s32 $0x3B80;
	v4 =	vimm.s32 $0xC38  }
0x8: {  	v5 =	vimm.s32 $0x1D38;
	v6 =	vimm.s32 $0x2E38;
	v7 =	vimm.s32 $0x3F38  }
0x9: {  	v0 =	vsel vm14, $0x0, v0;
	v1 =	vsel vm14, $0x1000, v1;
	v2 =	vsel vm14, $0x2000, v2  }
0xa: {  	v3 =	vsel vm14, $0x3000, v3;
	v4 =	vsel vm14, $0x0, v4;
	v5 =	vsel vm14, $0x1100, v5  }
0xb: {  	v6 =	vsel vm14, $0x2200, v6;
	v7 =	vsel vm14, $0x3300, v7;
	v0 =	vsel vm13, $0x80, v0  }
0xc: {  	v1 =	vsel vm13, $0x1080, v1;
	v2 =	vsel vm13, $0x2080, v2;
	v3 =	vsel vm13, $0x3080, v3  }
0xd: {  	v4 =	vsel vm13, $0x88, v4;
	v5 =	vsel vm13, $0x1188, v5;
	v6 =	vsel vm13, $0x2288, v6  }
0xe: {  	v7 =	vsel vm13, $0x3388, v7;
	v0 =	vsel vm12, $0x100, v0;
	v1 =	vsel vm12, $0x1100, v1  }
0xf: {  	v2 =	vsel vm12, $0x2100, v2;
	v3 =	vsel vm12, $0x3100, v3;
	v4 =	vsel vm12, $0x110, v4  }
0x10: {  	v5 =	vsel vm12, $0x1210, v5;
	v6 =	vsel vm12, $0x2310, v6;
	v7 =	vsel vm12, $0x3410, v7  }
0x11: {  	v0 =	vsel vm11, $0x180, v0;
	v1 =	vsel vm11, $0x1180, v1;
	v2 =	vsel vm11, $0x2180, v2  }
0x12: {  	v3 =	vsel vm11, $0x3180, v3;
	v4 =	vsel vm11, $0x198, v4;
	v5 =	vsel vm11, $0x1298, v5  }
0x13: {  	v6 =	vsel vm11, $0x2398, v6;
	v7 =	vsel vm11, $0x3498, v7;
	v0 =	vsel vm9, $0x200, v0  }
0x14: {  	v1 =	vsel vm9, $0x1200, v1;
	v2 =	vsel vm9, $0x2200, v2;
	v3 =	vsel vm9, $0x3200, v3  }
0x15: {  	v4 =	vsel vm9, $0x220, v4;
	v5 =	vsel vm9, $0x1320, v5;
	v6 =	vsel vm9, $0x2420, v6  }
0x16: {  	v7 =	vsel vm9, $0x3520, v7;
	v0 =	vsel vm10, $0x280, v0;
	v1 =	vsel vm10, $0x1280, v1  }
0x17: {  	v2 =	vsel vm10, $0x2280, v2;
	v3 =	vsel vm10, $0x3280, v3;
	v4 =	vsel vm10, $0x2A8, v4  }
0x18: {  	v5 =	vsel vm10, $0x13A8, v5;
	v6 =	vsel vm10, $0x24A8, v6;
	v7 =	vsel vm10, $0x35A8, v7  }
0x19: {  	s0 =	rddreg [dreg:$0x0];
	v0 =	vsel vm8, $0x300, v0;
	v1 =	vsel vm8, $0x1300, v1;
	v2 =	vsel vm8, $0x2300, v2  }
0x1a: {  	s2 =	rddreg [dreg:$0x1];
	v3 =	vsel vm8, $0x3300, v3;
	v4 =	vsel vm8, $0x330, v4;
	v5 =	vsel vm8, $0x1430, v5  }
0x1b: {  	s1 =	srdreg.scid;
	s10 =	rddreg [dreg:$0x2];
	v6 =	vsel vm8, $0x2530, v6;
	v7 =	vsel vm8, $0x3630, v7;
	v0 =	vsel vm7, $0x380, v0  }
0x1c: {  	s3 =	stileid.u32;
	s4 =	rddreg [dreg:$0x3];
	v1 =	vsel vm7, $0x1380, v1;
	v2 =	vsel vm7, $0x2380, v2;
	v3 =	vsel vm7, $0x3380, v3  }
0x1d: {  	s5 =	simm.s32 $0x0;
	s30 =	simm.s32 $0x3;
	s31 =	simm.s32 $0x2;
	v4 =	vsel vm7, $0x3B8, v4;
	v5 =	vsel vm7, $0x14B8, v5;
	v6 =	vsel vm7, $0x25B8, v6  }
0x1e: {  	s28 =	simm.s32 $0x4200;
	s29 =	simm.s32 $0x6200;
	s11 =	simm.s32 $0xC600;
	v7 =	vsel vm7, $0x36B8, v7;
	v0 =	vsel vm6, $0x800, v0;
	v1 =	vsel vm6, $0x1800, v1  }
0x1f: {  	s1 =	sand.u32 $0x1, s1;
	[smem:$0x7FF] =	sst s5;
	s20 =	sadd.s32 $0x800, s10;
	v2 =	vsel vm6, $0x2800, v2;
	v3 =	vsel vm6, $0x3800, v3;
	v4 =	vsel vm6, $0x880, v4  }
0x20: {  	s21 =	sadd.s32 $0x1000, s10;
	_ =	strace $0x80000047;
	[dreg:$0xa] =	wrdreg s20;
	v5 =	vsel vm6, $0x1980, v5;
	v6 =	vsel vm6, $0x2A80, v6;
	v7 =	vsel vm6, $0x3B80, v7  }
0x21: {  	s3 =	sshll.u32 s3, $0x1;
	s22 =	sadd.s32 $0x1800, s10;
	[dreg:$0xb] =	wrdreg s21;
	v0 =	vsel vm5, $0x880, v0;
	v1 =	vsel vm5, $0x1880, v1;
	v2 =	vsel vm5, $0x2880, v2  }
0x22: {  	s9 =	sadd.s32 $0x80, s10;
	s23 =	sadd.s32 $0x2000, s10;
	[dreg:$0xc] =	wrdreg s22;
	v3 =	vsel vm5, $0x3880, v3;
	v4 =	vsel vm5, $0x908, v4;
	v5 =	vsel vm5, $0x1A08, v5  }
0x23: {  	s24 =	sadd.s32 $0x2800, s10;
	s25 =	sadd.s32 $0x3000, s10;
	[dreg:$0xd] =	wrdreg s23;
	v6 =	vsel vm5, $0x2B08, v6;
	v7 =	vsel vm5, $0x3C08, v7;
	v0 =	vsel vm4, $0x900, v0  }
0x24: {  	s26 =	sadd.s32 $0x3800, s10;
	s10 =	simm.s32 $0x4;
	[dreg:$0xe] =	wrdreg s24;
	v1 =	vsel vm4, $0x1900, v1;
	v2 =	vsel vm4, $0x2900, v2;
	v3 =	vsel vm4, $0x3900, v3  }
0x25: {  	s3 =	sor.u32 s1, s3;
	s1 =	ssub.s32 $0x2, s1;
	[dreg:$0xf] =	wrdreg s25;
	v4 =	vsel vm4, $0x990, v4;
	v5 =	vsel vm4, $0x1A90, v5;
	v6 =	vsel vm4, $0x2B90, v6  }
0x26: {  	[dreg:$0x10] =	wrdreg s26;
	s23 =	simm.s32 $0x10A00;
	s6 =	smul.u32 $0x6400, s3;
	v7 =	vsel vm4, $0x3C90, v7;
	v0 =	vsel vm3, $0x980, v0;
	v1 =	vsel vm3, $0x1980, v1  }
0x27: {  	s24 =	simm.s32 $0x100;
	s7 =	sshll.u32 s3, $0xD;
	s8 =	smul.u32 $0x320, s3;
	v2 =	vsel vm3, $0x2980, v2;
	v3 =	vsel vm3, $0x3980, v3;
	v4 =	vsel vm3, $0xA18, v4  }
0x28: {  	s17 =	sshrl.u32 s1, $0x1;
	s7 =	sand.u32 $0x6000, s7;
	s6 =	sand.u32 $0xF8000, s6;
	v5 =	vsel vm3, $0x1B18, v5;
	v6 =	vsel vm3, $0x2C18, v6;
	v7 =	vsel vm3, $0x3D18, v7  }
0x29: {  	s1 =	ssub.s32 s1, s17;
	s15 =	sand.u32 $0x380, s8;
	s6 =	sor.u32 s7, s6;
	v0 =	vsel vm2, $0xA00, v0;
	v1 =	vsel vm2, $0x1A00, v1;
	v2 =	vsel vm2, $0x2A00, v2  }
0x2a: {  	s25 =	simm.s32 $0x180;
	s1 =	smax.u32 s1, $0x1;
	s7 =	sor.u32 s15, s6;
	v3 =	vsel vm2, $0x3A00, v3;
	v4 =	vsel vm2, $0xAA0, v4;
	v5 =	vsel vm2, $0x1BA0, v5  }
0x2b: {  	s8 =	simm.s32 $0x0;
	[dreg:$0x9] =	wrdreg s1;
	s16 =	sshrl.u32 s7, $0x3;
	v6 =	vsel vm2, $0x2CA0, v6;
	v7 =	vsel vm2, $0x3DA0, v7;
	v0 =	vsel vm1, $0xA80, v0  }
0x2c: {  	s1 =	simm.s32 $0x80;
	s6 =	sadd.s32 $0xF42800, s2;
	s2 =	sadd.s32 s0, s16;
	v1 =	vsel vm1, $0x1A80, v1;
	v2 =	vsel vm1, $0x2A80, v2;
	v3 =	vsel vm1, $0x3A80, v3  }
0x2d: {  	s7 =	smul.u32 $0x64, s3;
	s18 =	sadd.s32 $0x80, s2;
	[dreg:$0x5] =	wrdreg s2;
	v4 =	vsel vm1, $0xB28, v4;
	v5 =	vsel vm1, $0x1C28, v5;
	v6 =	vsel vm1, $0x2D28, v6  }
0x2e: {  	s15 =	simm.s32 $0x6;
	s19 =	sadd.s32 $0x100, s2;
	[dreg:$0x6] =	wrdreg s18;
	v7 =	vsel vm1, $0x3E28, v7;
	v0 =	vsel vm0, $0xB00, v0;
	v1 =	vsel vm0, $0x1B00, v1  }
0x2f: {  	s2 =	sadd.s32 $0x180, s2;
	s13 =	sor.u32 $0x2, s7;
	[dreg:$0x7] =	wrdreg s19;
	v2 =	vsel vm0, $0x2B00, v2;
	v3 =	vsel vm0, $0x3B00, v3;
	v4 =	vsel vm0, $0xBB0, v4  }
0x30: {  	s14 =	sor.u32 $0x3, s7;
	[dreg:$0x8] =	wrdreg s2;
	s2 =	simm.s32 $0x8200;
	v5 =	vsel vm0, $0x1CB0, v5;
	v6 =	vsel vm0, $0x2DB0, v6;
	v7 =	vsel vm0, $0x3EB0, v7  }
.LBB2_1:
0x31: {  	[dreg:$0x11] =	wrdreg s8  }
0x32: {  	s3 =	rddreg [dreg:$0x2]  }
0x33: {  	[tilespmem:s23], [sflag:$0x7] =	stream.linear.gather [hbm4b:s3+s5], $0x400, $0x38;
	[tilespmem:$0x14A00] =	vst v63  }
0x34: {  	s16 =	rddreg [dreg:$0xa];
	s17 =	simm.s32 $0x11200  }
0x35: {  	[tilespmem:s17], [sflag:$0x7] =	stream.linear.gather [hbm4b:s16+s5], $0x400, $0x38;
	[tilespmem:$0x14A00] =	vst v63  }
0x36: {  	s18 =	rddreg [dreg:$0xb];
	s19 =	simm.s32 $0x11A00  }
0x37: {  	[tilespmem:s19], [sflag:$0x7] =	stream.linear.gather [hbm4b:s18+s5], $0x400, $0x38;
	[tilespmem:$0x14A00] =	vst v63  }
0x38: {  	s20 =	rddreg [dreg:$0xc];
	s21 =	simm.s32 $0x12200  }
0x39: {  	[tilespmem:s21], [sflag:$0x7] =	stream.linear.gather [hbm4b:s20+s5], $0x400, $0x38;
	[tilespmem:$0x14A00] =	vst v63  }
0x3a: {  	s22 =	rddreg [dreg:$0xd];
	s26 =	simm.s32 $0x12A00  }
0x3b: {  	[tilespmem:s26], [sflag:$0x7] =	stream.linear.gather [hbm4b:s22+s5], $0x400, $0x38;
	[tilespmem:$0x14A00] =	vst v63  }
0x3c: {  	s8 =	rddreg [dreg:$0xe];
	s12 =	simm.s32 $0x13200  }
0x3d: {  	[tilespmem:s12], [sflag:$0x7] =	stream.linear.gather [hbm4b:s8+s5], $0x400, $0x38;
	[tilespmem:$0x14A00] =	vst v63  }
0x3e: {  	s16 =	rddreg [dreg:$0xf];
	s17 =	simm.s32 $0x13A00  }
0x3f: {  	[tilespmem:s17], [sflag:$0x7] =	stream.linear.gather [hbm4b:s16+s5], $0x400, $0x38;
	[tilespmem:$0x14A00] =	vst v63  }
0x40: {  	s18 =	rddreg [dreg:$0x10];
	s19 =	simm.s32 $0x14200;
	s8 =	simm.s32 $0x7  }
0x41: {  	[tilespmem:s19], [sflag:$0x7] =	stream.linear.gather [hbm4b:s18+s5], $0x400, $0x38;
	[tilespmem:$0x14A00] =	vst v63  }
0x42: {  	_ =	swait.ge [sflag:s8], $0x2000  }
0x43: {  	[sflag:s8] =	ssyncset.done $0x0  }
0x44: {  	s20 =	simm.s32 $0x10E00;
	[sflag:s8] =	ssyncadd.s32 $0xFFFFE000  }
0x45: {  	[tilespmem:s20], [sflag:$0x7] =	stream.linear.gather [hbm4b:s9+s5], $0x400, $0x38;
	[tilespmem:$0x14A00] =	vst v63  }
0x46: {  	s21 =	sadd.s32 $0x800, s9;
	s12 =	simm.s32 $0x11600  }
0x47: {  	[tilespmem:s12], [sflag:$0x7] =	stream.linear.gather [hbm4b:s21+s5], $0x400, $0x38;
	[tilespmem:$0x14A00] =	vst v63  }
0x48: {  	s22 =	sadd.s32 $0x1000, s9;
	s26 =	simm.s32 $0x11E00  }
0x49: {  	[tilespmem:s26], [sflag:$0x7] =	stream.linear.gather [hbm4b:s22+s5], $0x400, $0x38;
	[tilespmem:$0x14A00] =	vst v63  }
0x4a: {  	s16 =	sadd.s32 $0x1800, s9;
	s17 =	simm.s32 $0x12600  }
0x4b: {  	[tilespmem:s17], [sflag:$0x7] =	stream.linear.gather [hbm4b:s16+s5], $0x400, $0x38;
	[tilespmem:$0x14A00] =	vst v63  }
0x4c: {  	s18 =	sadd.s32 $0x2000, s9;
	s19 =	simm.s32 $0x12E00  }
0x4d: {  	[tilespmem:s19], [sflag:$0x7] =	stream.linear.gather [hbm4b:s18+s5], $0x400, $0x38;
	[tilespmem:$0x14A00] =	vst v63  }
0x4e: {  	s20 =	sadd.s32 $0x2800, s9;
	s21 =	simm.s32 $0x13600  }
0x4f: {  	[tilespmem:s21], [sflag:$0x7] =	stream.linear.gather [hbm4b:s20+s5], $0x400, $0x38;
	[tilespmem:$0x14A00] =	vst v63  }
0x50: {  	s22 =	sadd.s32 $0x3000, s9;
	s26 =	simm.s32 $0x13E00  }
0x51: {  	[tilespmem:s26], [sflag:$0x7] =	stream.linear.gather [hbm4b:s22+s5], $0x400, $0x38;
	[tilespmem:$0x14A00] =	vst v63  }
0x52: {  	s12 =	sadd.s32 $0x3800, s9;
	s16 =	simm.s32 $0x14600  }
0x53: {  	[tilespmem:s16], [sflag:$0x7] =	stream.linear.gather [hbm4b:s12+s5], $0x400, $0x38;
	[tilespmem:$0x14A00] =	vst v63  }
0x54: {  	_ =	swait.ge [sflag:s8], $0x2000  }
0x55: {  	[sflag:s8] =	ssyncset.done $0x0  }
0x56: {  	s17 =	rddreg [dreg:$0x5];
	[sflag:s8] =	ssyncadd.s32 $0xFFFFE000  }
0x57: {  	[tilespmem:s5], [sflag:$0x1] =	stream.linear.gather [hbm4b:s17+s5], $0x80, $0x38;
	[tilespmem:$0x14A00] =	vst v63  }
0x58: {  	s18 =	rddreg [dreg:$0x6]  }
0x59: {  	[tilespmem:s1], [sflag:$0x1] =	stream.linear.gather [hbm4b:s18+s5], $0x80, $0x38;
	[tilespmem:$0x14A00] =	vst v63  }
0x5a: {  	s19 =	rddreg [dreg:$0x7]  }
0x5b: {  	[tilespmem:s24], [sflag:$0x2] =	stream.linear.gather [hbm4b:s19+s5], $0x80, $0x38;
	[tilespmem:$0x14A00] =	vst v63  }
0x5c: {  	s21 =	simm.s32 $0x1;
	s20 =	rddreg [dreg:$0x8]  }
0x5d: {  	[tilespmem:s25], [sflag:$0x2] =	stream.linear.gather [hbm4b:s20+s5], $0x80, $0x38;
	[tilespmem:$0x14A00] =	vst v63  }
0x5e: {  	_ =	swait.ge [sflag:s21], $0x80  }
0x5f: {  	[sflag:s21] =	ssyncset.done $0x0  }
0x60: {  	[sflag:s21] =	ssyncadd.s32 $0xFFFFFF80  }
0x61: {  	_ =	swait.ge [sflag:s21], $0x80  }
0x62: {  	[sflag:s21] =	ssyncset.done $0x0  }
0x63: {  	s22 =	simm.s32 $0x200;
	[sflag:s21] =	ssyncadd.s32 $0xFFFFFF80  }
0x64: {  	[tilespmem:s22], [sflag:$0x3] =	stream.indirect.gather [hbm4b:s6+s1], $0x40, s5, s1, $0xb8;
	[tilespmem:$0x14A00] =	vst v63  }
0x65: {  	s26 =	simm.s32 $0x2200;
	s17 =	simm.s32 $0x0  }
0x66: {  	[tilespmem:s26], [sflag:$0x3] =	stream.indirect.gather [hbm4b:s6+s1], $0x40, s1, s1, $0xb8;
	[tilespmem:$0x14A00] =	vst v63  }
.LBB2_2:
0x67: {  	s18 =	sshll.u32 s17, $0x1;
	p0 =	seq.s32 s17, $0x31  }
0x68: {  	_ =	swait.ge [sflag:s30], $0x2000;
	s3 =	sadd.s32 @!p0 s18, s13  }
0x69: {  	[sflag:s30] =	ssyncset.done $0x0;
	s8 =	sshll.u32 @!p0 s3, $0x8;
	s12 =	sshll.u32 @!p0 s3, $0xB  }
0x6a: {  	s3 =	sshll.u32 @!p0 s3, $0x3;
	s8 =	sand.u32 @!p0 $0x7FFF8000, s8;
	s12 =	sand.u32 @!p0 $0x7000, s12  }
0x6b: {  	[sflag:s30] =	ssyncadd.s32 $0xFFFFE000;
	s3 =	sand.u32 @!p0 $0x380, s3;
	s8 =	sor.u32 @!p0 s12, s8  }
0x6c: {  	_ =	swait.ge [sflag:s30], $0x2000;
	s3 =	sor.u32 @!p0 s3, s8  }
0x6d: {  	[sflag:s30] =	ssyncset.done $0x0;
	s3 =	sshrl.u32 @!p0 s3, $0x3  }
0x6e: {  	[sflag:s30] =	ssyncadd.s32 $0xFFFFE000;
	s8 =	simm.s32 @!p0 $0x0;
	s3 =	sadd.s32 @!p0 s0, s3  }
0x6f: {  	[tilespmem:s8], [sflag:$0x1] =	stream.linear.gather @!p0 [hbm4b:s3+s8], $0x80, $0x38;
	[tilespmem:$0x14A00] =	vst v63  }
0x70: {  	s12 =	simm.s32 @!p0 $0x80;
	s3 =	sadd.s32 @!p0 $0x80, s3  }
0x71: {  	[tilespmem:s12], [sflag:$0x1] =	stream.linear.gather @!p0 [hbm4b:s3+s8], $0x80, $0x38;
	[tilespmem:$0x14A00] =	vst v63  }
0x72: {  	_ =	swait.ge [sflag:s31], $0x80  }
0x73: {  	[sflag:s31] =	ssyncset.done $0x0  }
0x74: {  	[sflag:s31] =	ssyncadd.s32 $0xFFFFFF80  }
0x75: {  	_ =	swait.ge [sflag:s31], $0x80  }
0x76: {  	p1 =	seq.s32 s17, $0x0;
	s21 =	sadd.s32 s7, s18;
	[sflag:s31] =	ssyncset.done $0x0  }
0x77: {  	s20 =	sshrl.u32 s21, $0x4;
	s22 =	sshrl.u32 s21, $0x1;
	[sflag:s31] =	ssyncadd.s32 $0xFFFFFF80  }
0x78: {  	v8 =	vmov s20;
	[tilespmem:s28], [sflag:$0x4] =	stream.indirect.gather [hbm4b:s6+s1], $0x40, s24, s1, $0xb8;
	[tilespmem:$0x14A00] =	vst v63  }
0x79: {  	v9 =	vand.u32 $0x78, v8;
	s3 =	sand.u32 $0x3FFFFC00, s22;
	s8 =	simm.s32 @!p1 $0x5  }
0x7a: {  	v8 =	vand.u32 $0x7, v8;
	v9 =	vor.u32 s3, v9;
	[tilespmem:s29], [sflag:$0x4] =	stream.indirect.gather [hbm4b:s6+s1], $0x40, s25, s1, $0xb8;
	[tilespmem:$0x14A00] =	vst v63  }
0x7b: {  	v8 =	vor.u32 v8, v9;
	_ =	swait.ge @!p1 [sflag:s8], $0x2000  }
0x7c: {  	s26 =	simm.s32 $0x0;
	v9 =	vadd.s32 v0, v8;
	[sflag:s8] =	ssyncset.done @!p1 $0x0  }
0x7d: {  	v10 =	vmov s26;
	[sflag:s8] =	ssyncadd.s32 @!p1 $0xFFFFE000  }
0x7e: {  	v10 =	vmul.u32 $0x440, v10;
	_ =	swait.ge @!p1 [sflag:s8], $0x2000  }
0x7f: {  	[sflag:s8] =	ssyncset.done @!p1 $0x0  }
0x80: {  	v12 =	vbroadcast v10, $0x0;
	[sflag:s8] =	ssyncadd.s32 @!p1 $0xFFFFE000;
	s8 =	simm.s32 $0x0  }
0x81: {  	s22 =	simm.s32 $0x280;
	v10 =	vadd.s32 v1, v8;
	v9 =	vld.idx.msk [tilespmem:v9+s23+$0x0], $0xffff;
	v11 =	vmov s8  }
0x82: {  	v14 =	vadd.s32 v4, v12;
	v13 =	vadd.s32 v2, v8;
	v15 =	vld [tilespmem:s22+$0xFFFFFF80];
	v16 =	vand.u32 $0x78, v11  }
0x83: {  	v17 =	vand.u32 $0x4, v11;
	v11 =	vadd.s32 v16, v14  }
0x84: {  	v8 =	vadd.s32 v3, v8;
	v18 =	vor.u32 v17, v11;
	_ =	sdelay $0x1  }
0x85: {  	v11 =	vld.idx.msk [tilespmem:v10+s23+$0x0], $0xffff  }
0x86: {  	v10 =	vld.idx.msk [tilespmem:v13+s23+$0x0], $0xffff;
	v13 =	vadd.f32 v15, v9;
	_ =	sdelay $0x1  }
0x87: {  	v8 =	vld.idx.msk [tilespmem:v8+s23+$0x0], $0xffff;
	[tilespmem:v18+s2+$0x0] =	vst.idx.msk $0xffff, v13  }
0x88: {  	v13 =	vadd.s32 v5, v12;
	v15 =	vld [tilespmem:s22+$0xFFFFFF90]  }
0x89: {  	v50 =	vadd.s32 v16, v13  }
0x8a: {  	v18 =	vor.u32 v17, v50;
	_ =	sdelay $0x2  }
0x8b: {  	v15 =	vadd.f32 v15, v11;
	_ =	sdelay $0x1  }
0x8c: {  	[tilespmem:v18+s2+$0x0] =	vst.idx.msk $0xffff, v15  }
0x8d: {  	v15 =	vadd.s32 v6, v12;
	v18 =	vld [tilespmem:s22+$0xFFFFFFA0]  }
0x8e: {  	v19 =	vadd.s32 v16, v15  }
0x8f: {  	v19 =	vor.u32 v17, v19;
	_ =	sdelay $0x2  }
0x90: {  	v18 =	vadd.f32 v18, v10;
	_ =	sdelay $0x1  }
0x91: {  	[tilespmem:v19+s2+$0x0] =	vst.idx.msk $0xffff, v18  }
0x92: {  	v12 =	vadd.s32 v7, v12;
	v18 =	vld [tilespmem:s22+$0xFFFFFFB0]  }
0x93: {  	v16 =	vadd.s32 v16, v12  }
0x94: {  	v16 =	vor.u32 v17, v16;
	_ =	sdelay $0x2  }
0x95: {  	v51 =	vadd.f32 v18, v8  }
0x96: {  	s12 =	simm.s32 $0x1  }
0x97: {  	v52 =	vmov s12;
	[tilespmem:v16+s2+$0x0] =	vst.idx.msk $0xffff, v51  }
0x98: {  	v53 =	vand.u32 $0x78, v52;
	v17 =	vld [tilespmem:s22+$0xFFFFFFC0]  }
0x99: {  	v54 =	vadd.s32 v14, v53;
	v18 =	vand.u32 $0x5, v52  }
0x9a: {  	v19 =	vor.u32 v18, v54;
	_ =	sdelay $0x2  }
0x9b: {  	v17 =	vadd.f32 v17, v9;
	_ =	sdelay $0x1  }
0x9c: {  	[tilespmem:v19+s2+$0x0] =	vst.idx.msk $0xffff, v17  }
0x9d: {  	v17 =	vld [tilespmem:s22+$0xFFFFFFD0]  }
0x9e: {  	v55 =	vadd.s32 v13, v53  }
0x9f: {  	v19 =	vor.u32 v18, v55;
	_ =	sdelay $0x2  }
0xa0: {  	v17 =	vadd.f32 v17, v11;
	_ =	sdelay $0x1  }
0xa1: {  	[tilespmem:v19+s2+$0x0] =	vst.idx.msk $0xffff, v17  }
0xa2: {  	v17 =	vld [tilespmem:s22+$0xFFFFFFE0]  }
0xa3: {  	v56 =	vadd.s32 v15, v53  }
0xa4: {  	v19 =	vor.u32 v18, v56;
	_ =	sdelay $0x2  }
0xa5: {  	v17 =	vadd.f32 v17, v10;
	_ =	sdelay $0x1  }
0xa6: {  	[tilespmem:v19+s2+$0x0] =	vst.idx.msk $0xffff, v17  }
0xa7: {  	v17 =	vld [tilespmem:s22+$0xFFFFFFF0]  }
0xa8: {  	v16 =	vadd.s32 v12, v53  }
0xa9: {  	v16 =	vor.u32 v18, v16;
	_ =	sdelay $0x2  }
0xaa: {  	v17 =	vadd.f32 v17, v8  }
0xab: {  	s16 =	simm.s32 $0x2  }
0xac: {  	v57 =	vmov s16;
	[tilespmem:v16+s2+$0x0] =	vst.idx.msk $0xffff, v17  }
0xad: {  	v58 =	vand.u32 $0x78, v57;
	v17 =	vld [tilespmem:s22+$0x0]  }
0xae: {  	v59 =	vadd.s32 v14, v58;
	v18 =	vand.u32 $0x6, v57  }
0xaf: {  	v19 =	vor.u32 v18, v59;
	_ =	sdelay $0x2  }
0xb0: {  	v17 =	vadd.f32 v17, v9;
	_ =	sdelay $0x1  }
0xb1: {  	[tilespmem:v19+s2+$0x0] =	vst.idx.msk $0xffff, v17  }
0xb2: {  	v17 =	vld [tilespmem:s22+$0x10]  }
0xb3: {  	v60 =	vadd.s32 v13, v58  }
0xb4: {  	v19 =	vor.u32 v18, v60;
	_ =	sdelay $0x2  }
0xb5: {  	v17 =	vadd.f32 v17, v11;
	_ =	sdelay $0x1  }
0xb6: {  	[tilespmem:v19+s2+$0x0] =	vst.idx.msk $0xffff, v17  }
0xb7: {  	v17 =	vld [tilespmem:s22+$0x20]  }
0xb8: {  	v61 =	vadd.s32 v15, v58  }
0xb9: {  	v19 =	vor.u32 v18, v61;
	_ =	sdelay $0x2  }
0xba: {  	v17 =	vadd.f32 v17, v10;
	_ =	sdelay $0x1  }
0xbb: {  	[tilespmem:v19+s2+$0x0] =	vst.idx.msk $0xffff, v17  }
0xbc: {  	v17 =	vld [tilespmem:s22+$0x30]  }
0xbd: {  	v16 =	vadd.s32 v12, v58  }
0xbe: {  	v16 =	vor.u32 v18, v16;
	_ =	sdelay $0x2  }
0xbf: {  	v17 =	vadd.f32 v17, v8  }
0xc0: {  	s19 =	simm.s32 $0x3  }
0xc1: {  	v62 =	vmov s19;
	[tilespmem:v16+s2+$0x0] =	vst.idx.msk $0xffff, v17  }
0xc2: {  	v63 =	vand.u32 $0x78, v62;
	v17 =	vld [tilespmem:s22+$0x40]  }
0xc3: {  	v14 =	vadd.s32 v14, v63;
	v18 =	vand.u32 $0x7, v62  }
0xc4: {  	v14 =	vor.u32 v18, v14;
	_ =	sdelay $0x2  }
0xc5: {  	v17 =	vadd.f32 v17, v9;
	_ =	sdelay $0x1  }
0xc6: {  	[tilespmem:v14+s2+$0x0] =	vst.idx.msk $0xffff, v17  }
0xc7: {  	v14 =	vld [tilespmem:s22+$0x50]  }
0xc8: {  	v13 =	vadd.s32 v13, v63  }
0xc9: {  	v13 =	vor.u32 v18, v13;
	_ =	sdelay $0x2  }
0xca: {  	v14 =	vadd.f32 v14, v11;
	_ =	sdelay $0x1  }
0xcb: {  	[tilespmem:v13+s2+$0x0] =	vst.idx.msk $0xffff, v14  }
0xcc: {  	v13 =	vld [tilespmem:s22+$0x60]  }
0xcd: {  	v14 =	vadd.s32 v15, v63  }
0xce: {  	v14 =	vor.u32 v18, v14;
	_ =	sdelay $0x2  }
0xcf: {  	v13 =	vadd.f32 v13, v10;
	_ =	sdelay $0x1  }
0xd0: {  	[tilespmem:v14+s2+$0x0] =	vst.idx.msk $0xffff, v13  }
0xd1: {  	v14 =	vld [tilespmem:s22+$0x70]  }
0xd2: {  	s26 =	simm.s32 $0x0  }
0xd3: {  	v12 =	vadd.s32 v12, v63;
	v13 =	vmov s26  }
0xd4: {  	v15 =	vmul.u32 $0x440, v13;
	v13 =	vor.u32 v18, v12;
	_ =	sdelay $0x1  }
0xd5: {  	s19 =	sor.u32 $0x1, s18;
	s3 =	simm.s32 $0x2;
	s8 =	simm.s32 $0x4;
	v12 =	vbroadcast v15, $0x0;
	v14 =	vadd.f32 v14, v8  }
.LBB2_3:
0xd6: {  	s16 =	sadd.s32 $0x1, s8  }
0xd7: {  	v15 =	vmov s8;
	s22 =	sadd.s32 $0x100, s22;
	s26 =	smov.u32 s3;
	s12 =	sadd.s32 $0x1, s3  }
0xd8: {  	p1 =	sne.s32 s3, $0x3F;
	v16 =	vadd.s32 v4, v12;
	v17 =	vadd.s32 v5, v12;
	v18 =	vmov s16;
	[tilespmem:v13+s2+$0x0] =	vst.idx.msk $0xffff, v14  }
0xd9: {  	s3 =	sadd.s32 $0x2, s8;
	v19 =	vand.u32 $0x78, v15;
	v20 =	vand.u32 $0x4, v15;
	v21 =	vadd.s32 v6, v12;
	v13 =	vld [tilespmem:s22+$0xFFFFFF80]  }
0xda: {  	v12 =	vadd.s32 v7, v12;
	v14 =	vadd.s32 v19, v16;
	v22 =	vand.u32 $0x78, v18  }
0xdb: {  	v25 =	vmov s3;
	s3 =	sadd.s32 $0x3, s8;
	v23 =	vor.u32 v20, v14;
	v24 =	vadd.s32 v16, v22  }
0xdc: {  	v28 =	vand.u32 $0x78, v25;
	v26 =	vadd.s32 v17, v22;
	v27 =	vadd.s32 v21, v22  }
0xdd: {  	v15 =	vadd.s32 v19, v17;
	v29 =	vadd.s32 v16, v28;
	v14 =	vmov s3  }
0xde: {  	v30 =	vadd.s32 v17, v28;
	v31 =	vand.u32 $0x78, v14;
	v13 =	vadd.f32 v13, v9  }
0xdf: {  	v33 =	vadd.s32 v19, v21;
	v32 =	vor.u32 v20, v15;
	v15 =	vadd.s32 v16, v31  }
0xe0: {  	[tilespmem:v23+s2+$0x0] =	vst.idx.msk $0xffff, v13;
	v23 =	vor.u32 v20, v33;
	v13 =	vadd.s32 v19, v12  }
0xe1: {  	v22 =	vadd.s32 v12, v22;
	v33 =	vadd.s32 v21, v28;
	v19 =	vld [tilespmem:s22+$0xFFFFFF90];
	v20 =	vor.u32 v20, v13  }
0xe2: {  	v16 =	vadd.s32 v17, v31;
	v28 =	vadd.s32 v12, v28;
	v13 =	vadd.s32 v21, v31  }
0xe3: {  	v12 =	vadd.s32 v12, v31;
	_ =	sdelay $0x2  }
0xe4: {  	v17 =	vadd.f32 v19, v11;
	_ =	sdelay $0x1  }
0xe5: {  	[tilespmem:v32+s2+$0x0] =	vst.idx.msk $0xffff, v17  }
0xe6: {  	v17 =	vld [tilespmem:s22+$0xFFFFFFA0];
	_ =	sdelay $0x4  }
0xe7: {  	v17 =	vadd.f32 v17, v10;
	_ =	sdelay $0x1  }
0xe8: {  	[tilespmem:v23+s2+$0x0] =	vst.idx.msk $0xffff, v17  }
0xe9: {  	v17 =	vld [tilespmem:s22+$0xFFFFFFB0];
	_ =	sdelay $0x4  }
0xea: {  	v17 =	vadd.f32 v17, v8;
	_ =	sdelay $0x1  }
0xeb: {  	[tilespmem:v20+s2+$0x0] =	vst.idx.msk $0xffff, v17  }
0xec: {  	v17 =	vld [tilespmem:s22+$0xFFFFFFC0]  }
0xed: {  	v18 =	vand.u32 $0x5, v18  }
0xee: {  	v19 =	vor.u32 v18, v24;
	_ =	sdelay $0x2  }
0xef: {  	v17 =	vadd.f32 v17, v9;
	_ =	sdelay $0x1  }
0xf0: {  	[tilespmem:v19+s2+$0x0] =	vst.idx.msk $0xffff, v17  }
0xf1: {  	v17 =	vld [tilespmem:s22+$0xFFFFFFD0];
	_ =	sdelay $0x1  }
0xf2: {  	v19 =	vor.u32 v18, v26;
	_ =	sdelay $0x2  }
0xf3: {  	v17 =	vadd.f32 v17, v11;
	_ =	sdelay $0x1  }
0xf4: {  	[tilespmem:v19+s2+$0x0] =	vst.idx.msk $0xffff, v17  }
0xf5: {  	v17 =	vld [tilespmem:s22+$0xFFFFFFE0];
	_ =	sdelay $0x1  }
0xf6: {  	v19 =	vor.u32 v18, v27;
	_ =	sdelay $0x2  }
0xf7: {  	v17 =	vadd.f32 v17, v10;
	_ =	sdelay $0x1  }
0xf8: {  	[tilespmem:v19+s2+$0x0] =	vst.idx.msk $0xffff, v17  }
0xf9: {  	v17 =	vld [tilespmem:s22+$0xFFFFFFF0];
	_ =	sdelay $0x1  }
0xfa: {  	v18 =	vor.u32 v18, v22;
	_ =	sdelay $0x2  }
0xfb: {  	v17 =	vadd.f32 v17, v8;
	_ =	sdelay $0x1  }
0xfc: {  	[tilespmem:v18+s2+$0x0] =	vst.idx.msk $0xffff, v17  }
0xfd: {  	v17 =	vld [tilespmem:s22+$0x0]  }
0xfe: {  	v18 =	vand.u32 $0x6, v25  }
0xff: {  	v19 =	vor.u32 v18, v29;
	_ =	sdelay $0x2  }
0x100: {  	v17 =	vadd.f32 v17, v9;
	_ =	sdelay $0x1  }
0x101: {  	[tilespmem:v19+s2+$0x0] =	vst.idx.msk $0xffff, v17  }
0x102: {  	v17 =	vld [tilespmem:s22+$0x10];
	_ =	sdelay $0x1  }
0x103: {  	v19 =	vor.u32 v18, v30;
	_ =	sdelay $0x2  }
0x104: {  	v17 =	vadd.f32 v17, v11;
	_ =	sdelay $0x1  }
0x105: {  	[tilespmem:v19+s2+$0x0] =	vst.idx.msk $0xffff, v17  }
0x106: {  	v17 =	vld [tilespmem:s22+$0x20];
	_ =	sdelay $0x1  }
0x107: {  	v19 =	vor.u32 v18, v33;
	_ =	sdelay $0x2  }
0x108: {  	v17 =	vadd.f32 v17, v10;
	_ =	sdelay $0x1  }
0x109: {  	[tilespmem:v19+s2+$0x0] =	vst.idx.msk $0xffff, v17  }
0x10a: {  	v17 =	vld [tilespmem:s22+$0x30];
	_ =	sdelay $0x1  }
0x10b: {  	v18 =	vor.u32 v18, v28;
	_ =	sdelay $0x2  }
0x10c: {  	v17 =	vadd.f32 v17, v8;
	_ =	sdelay $0x1  }
0x10d: {  	[tilespmem:v18+s2+$0x0] =	vst.idx.msk $0xffff, v17  }
0x10e: {  	v17 =	vld [tilespmem:s22+$0x40]  }
0x10f: {  	v14 =	vand.u32 $0x7, v14  }
0x110: {  	v15 =	vor.u32 v14, v15;
	_ =	sdelay $0x2  }
0x111: {  	v17 =	vadd.f32 v17, v9;
	_ =	sdelay $0x1  }
0x112: {  	[tilespmem:v15+s2+$0x0] =	vst.idx.msk $0xffff, v17  }
0x113: {  	v15 =	vld [tilespmem:s22+$0x50];
	_ =	sdelay $0x1  }
0x114: {  	v16 =	vor.u32 v14, v16;
	_ =	sdelay $0x2  }
0x115: {  	v15 =	vadd.f32 v15, v11;
	_ =	sdelay $0x1  }
0x116: {  	[tilespmem:v16+s2+$0x0] =	vst.idx.msk $0xffff, v15  }
0x117: {  	v15 =	vld [tilespmem:s22+$0x60];
	_ =	sdelay $0x1  }
0x118: {  	v13 =	vor.u32 v14, v13;
	_ =	sdelay $0x2  }
0x119: {  	v15 =	vadd.f32 v15, v10;
	_ =	sdelay $0x1  }
0x11a: {  	[tilespmem:v13+s2+$0x0] =	vst.idx.msk $0xffff, v15  }
0x11b: {  	v15 =	vld [tilespmem:s22+$0x70]  }
.Ltmp0:
0x11c: {  	s3 =	sshrl.u32 s26, $0x5;
	(pc) =	sbr.rel @p1 .LBB2_3-.Ltmp0, $3  }
0x11d: {  	v16 =	vmov s3;
	v13 =	vor.u32 v14, v12  }
0x11e: {  	v12 =	vmul.u32 $0x440, v16;
	_ =	sdelay $0x1  }
0x11f: {  	s8 =	sadd.s32 $0x4, s8;
	s3 =	smov.u32 s12;
	v12 =	vbroadcast v12, $0x0;
	v14 =	vadd.f32 v15, v8  }
0x120: {  	_ =	sdelay $0x3  }
0x121: {  	v15 =	vmov s8;
	s3 =	sadd.s32 $0x100, s22;
	[tilespmem:v13+s2+$0x0] =	vst.idx.msk $0xffff, v14  }
0x122: {  	v43 =	vadd.s32 v4, v12;
	v16 =	vand.u32 $0x78, v15;
	v14 =	vld [tilespmem:s3+$0xFFFFFF80]  }
0x123: {  	v15 =	vand.u32 $0x4, v15;
	v17 =	vadd.s32 v16, v43  }
0x124: {  	v17 =	vor.u32 v15, v17;
	_ =	sdelay $0x2  }
0x125: {  	v14 =	vadd.f32 v14, v9;
	_ =	sdelay $0x1  }
0x126: {  	[tilespmem:v17+s2+$0x0] =	vst.idx.msk $0xffff, v14  }
0x127: {  	v44 =	vadd.s32 v5, v12;
	v17 =	vld [tilespmem:s3+$0xFFFFFF90]  }
0x128: {  	v18 =	vadd.s32 v16, v44  }
0x129: {  	v18 =	vor.u32 v15, v18;
	_ =	sdelay $0x2  }
0x12a: {  	v17 =	vadd.f32 v17, v11;
	_ =	sdelay $0x1  }
0x12b: {  	[tilespmem:v18+s2+$0x0] =	vst.idx.msk $0xffff, v17  }
0x12c: {  	v45 =	vadd.s32 v6, v12;
	v18 =	vld [tilespmem:s3+$0xFFFFFFA0]  }
0x12d: {  	v19 =	vadd.s32 v16, v45  }
0x12e: {  	v19 =	vor.u32 v15, v19;
	_ =	sdelay $0x2  }
0x12f: {  	v18 =	vadd.f32 v18, v10;
	_ =	sdelay $0x1  }
0x130: {  	[tilespmem:v19+s2+$0x0] =	vst.idx.msk $0xffff, v18  }
0x131: {  	v46 =	vadd.s32 v7, v12;
	v18 =	vld [tilespmem:s3+$0xFFFFFFB0]  }
0x132: {  	v16 =	vadd.s32 v16, v46  }
0x133: {  	v15 =	vor.u32 v15, v16;
	_ =	sdelay $0x2  }
0x134: {  	v47 =	vadd.f32 v18, v8  }
0x135: {  	s12 =	sadd.s32 $0x1, s8  }
0x136: {  	v48 =	vmov s12;
	[tilespmem:v15+s2+$0x0] =	vst.idx.msk $0xffff, v47  }
0x137: {  	v49 =	vand.u32 $0x78, v48;
	v16 =	vld [tilespmem:s3+$0xFFFFFFC0]  }
0x138: {  	v50 =	vadd.s32 v43, v49;
	v18 =	vand.u32 $0x5, v48  }
0x139: {  	v19 =	vor.u32 v18, v50;
	_ =	sdelay $0x2  }
0x13a: {  	v16 =	vadd.f32 v16, v9;
	_ =	sdelay $0x1  }
0x13b: {  	[tilespmem:v19+s2+$0x0] =	vst.idx.msk $0xffff, v16  }
0x13c: {  	v16 =	vld [tilespmem:s3+$0xFFFFFFD0]  }
0x13d: {  	v51 =	vadd.s32 v44, v49  }
0x13e: {  	v19 =	vor.u32 v18, v51;
	_ =	sdelay $0x2  }
0x13f: {  	v16 =	vadd.f32 v16, v11;
	_ =	sdelay $0x1  }
0x140: {  	[tilespmem:v19+s2+$0x0] =	vst.idx.msk $0xffff, v16  }
0x141: {  	v16 =	vld [tilespmem:s3+$0xFFFFFFE0]  }
0x142: {  	v52 =	vadd.s32 v45, v49  }
0x143: {  	v19 =	vor.u32 v18, v52;
	_ =	sdelay $0x2  }
0x144: {  	v16 =	vadd.f32 v16, v10;
	_ =	sdelay $0x1  }
0x145: {  	[tilespmem:v19+s2+$0x0] =	vst.idx.msk $0xffff, v16  }
0x146: {  	v16 =	vld [tilespmem:s3+$0xFFFFFFF0]  }
0x147: {  	v15 =	vadd.s32 v46, v49  }
0x148: {  	v15 =	vor.u32 v18, v15;
	_ =	sdelay $0x2  }
0x149: {  	v16 =	vadd.f32 v16, v8  }
0x14a: {  	s26 =	sadd.s32 $0x2, s8  }
0x14b: {  	v53 =	vmov s26;
	[tilespmem:v15+s2+$0x0] =	vst.idx.msk $0xffff, v16  }
0x14c: {  	v54 =	vand.u32 $0x78, v53;
	v16 =	vld [tilespmem:s3+$0x0]  }
0x14d: {  	v55 =	vadd.s32 v43, v54;
	v18 =	vand.u32 $0x6, v53  }
0x14e: {  	v19 =	vor.u32 v18, v55;
	_ =	sdelay $0x2  }
0x14f: {  	v16 =	vadd.f32 v16, v9;
	_ =	sdelay $0x1  }
0x150: {  	[tilespmem:v19+s2+$0x0] =	vst.idx.msk $0xffff, v16  }
0x151: {  	v16 =	vld [tilespmem:s3+$0x10]  }
0x152: {  	v56 =	vadd.s32 v44, v54  }
0x153: {  	v19 =	vor.u32 v18, v56;
	_ =	sdelay $0x2  }
0x154: {  	v16 =	vadd.f32 v16, v11;
	_ =	sdelay $0x1  }
0x155: {  	[tilespmem:v19+s2+$0x0] =	vst.idx.msk $0xffff, v16  }
0x156: {  	v16 =	vld [tilespmem:s3+$0x20]  }
0x157: {  	v57 =	vadd.s32 v45, v54  }
0x158: {  	v19 =	vor.u32 v18, v57;
	_ =	sdelay $0x2  }
0x159: {  	v16 =	vadd.f32 v16, v10;
	_ =	sdelay $0x1  }
0x15a: {  	[tilespmem:v19+s2+$0x0] =	vst.idx.msk $0xffff, v16  }
0x15b: {  	v16 =	vld [tilespmem:s3+$0x30]  }
0x15c: {  	v15 =	vadd.s32 v46, v54  }
0x15d: {  	v15 =	vor.u32 v18, v15;
	_ =	sdelay $0x2  }
0x15e: {  	v16 =	vadd.f32 v16, v8  }
0x15f: {  	s16 =	sadd.s32 $0x3, s8  }
0x160: {  	v58 =	vmov s16;
	[tilespmem:v15+s2+$0x0] =	vst.idx.msk $0xffff, v16  }
0x161: {  	v59 =	vand.u32 $0x78, v58;
	v16 =	vld [tilespmem:s3+$0x40]  }
0x162: {  	v13 =	vadd.s32 v43, v59;
	v18 =	vand.u32 $0x7, v58  }
0x163: {  	v13 =	vor.u32 v18, v13;
	_ =	sdelay $0x2  }
0x164: {  	v60 =	vadd.f32 v16, v9;
	_ =	sdelay $0x1  }
0x165: {  	[tilespmem:v13+s2+$0x0] =	vst.idx.msk $0xffff, v60  }
0x166: {  	v9 =	vld [tilespmem:s3+$0x50]  }
0x167: {  	v61 =	vadd.s32 v44, v59  }
0x168: {  	v13 =	vor.u32 v18, v61;
	_ =	sdelay $0x2  }
0x169: {  	v9 =	vadd.f32 v9, v11;
	_ =	sdelay $0x1  }
0x16a: {  	[tilespmem:v13+s2+$0x0] =	vst.idx.msk $0xffff, v9  }
0x16b: {  	v9 =	vld [tilespmem:s3+$0x60]  }
0x16c: {  	v62 =	vadd.s32 v45, v59  }
0x16d: {  	v11 =	vor.u32 v18, v62;
	_ =	sdelay $0x2  }
0x16e: {  	v9 =	vadd.f32 v9, v10;
	_ =	sdelay $0x1  }
0x16f: {  	[tilespmem:v11+s2+$0x0] =	vst.idx.msk $0xffff, v9  }
0x170: {  	v9 =	vld [tilespmem:s3+$0x70]  }
0x171: {  	v63 =	vadd.s32 v46, v59  }
0x172: {  	v10 =	vor.u32 v18, v63  }
0x173: {  	s22 =	sshll.u32 s21, $0xB  }
0x174: {  	s26 =	sshll.u32 s20, $0x12;
	s3 =	sand.u32 $0x7000, s22  }
0x175: {  	s3 =	sor.u32 s3, s26;
	v8 =	vadd.f32 v9, v8  }
0x176: {  	s3 =	sshrl.u32 s3, $0x3  }
0x177: {  	s12 =	simm.s32 $0x8200;
	s16 =	sadd.s32 s4, s3;
	[tilespmem:v10+s2+$0x0] =	vst.idx.msk $0xffff, v8  }
0x178: {  	[hbm4b:s16+s5] =	stream.linear.scatter [tilespmem:s12], [sflag:$0x5], $0x80, $0x38;
	[tilespmem:$0x14A00] =	vst v63  }
0x179: {  	s20 =	simm.s32 $0x8288;
	s21 =	sadd.s32 $0x10, s16  }
0x17a: {  	[hbm4b:s21+s5] =	stream.linear.scatter [tilespmem:s20], [sflag:$0x5], $0x80, $0x38;
	[tilespmem:$0x14A00] =	vst v63  }
0x17b: {  	s22 =	simm.s32 $0x8310;
	s26 =	sadd.s32 $0x20, s16  }
0x17c: {  	[hbm4b:s26+s5] =	stream.linear.scatter [tilespmem:s22], [sflag:$0x5], $0x80, $0x38;
	[tilespmem:$0x14A00] =	vst v63  }
0x17d: {  	s20 =	simm.s32 $0x8398;
	s21 =	sadd.s32 $0x30, s16  }
0x17e: {  	[hbm4b:s21+s5] =	stream.linear.scatter [tilespmem:s20], [sflag:$0x5], $0x80, $0x38;
	[tilespmem:$0x14A00] =	vst v63  }
0x17f: {  	s22 =	simm.s32 $0x8420;
	s26 =	sadd.s32 $0x40, s16  }
0x180: {  	[hbm4b:s26+s5] =	stream.linear.scatter [tilespmem:s22], [sflag:$0x5], $0x80, $0x38;
	[tilespmem:$0x14A00] =	vst v63  }
0x181: {  	s8 =	simm.s32 $0x880;
	s20 =	simm.s32 $0x84A8;
	s21 =	sadd.s32 $0x50, s16  }
0x182: {  	[hbm4b:s21+s5] =	stream.linear.scatter [tilespmem:s20], [sflag:$0x5], $0x80, $0x38;
	[tilespmem:$0x14A00] =	vst v63  }
0x183: {  	s12 =	simm.s32 $0x85B8;
	s22 =	simm.s32 $0x8530;
	s26 =	sadd.s32 $0x60, s16  }
0x184: {  	[hbm4b:s26+s5] =	stream.linear.scatter [tilespmem:s22], [sflag:$0x5], $0x80, $0x38;
	[tilespmem:$0x14A00] =	vst v63  }
0x185: {  	s21 =	simm.s32 $0x4400;
	s20 =	sadd.s32 $0x1000, s16;
	s22 =	sadd.s32 $0x70, s16  }
.LBB2_5:
0x186: {  	[hbm4b:s22+s5] =	stream.linear.scatter [tilespmem:s12], [sflag:$0x5], $0x80, $0x38;
	[tilespmem:$0x14A00] =	vst v63  }
0x187: {  	s12 =	smov.u32 s8;
	s8 =	smov.u32 s21  }
0x188: {  	s16 =	sadd.s32 $0x2200, s21;
	s8 =	sshra.s32 s8, $0x2;
	s22 =	sadd.s32 $0x8200, s12  }
0x189: {  	[hbm4b:s20+s5] =	stream.linear.scatter [tilespmem:s22], [sflag:$0x5], $0x80, $0x38;
	[tilespmem:$0x14A00] =	vst v63  }
0x18a: {  	p1 =	sne.s32 s21, $0xEE00;
	s21 =	sadd.s32 $0x8288, s12;
	s22 =	sadd.s32 $0x10, s20  }
0x18b: {  	[hbm4b:s22+s5] =	stream.linear.scatter [tilespmem:s21], [sflag:$0x5], $0x80, $0x38;
	[tilespmem:$0x14A00] =	vst v63  }
0x18c: {  	s21 =	sadd.s32 $0x8310, s12;
	s22 =	sadd.s32 $0x20, s20  }
0x18d: {  	[hbm4b:s22+s5] =	stream.linear.scatter [tilespmem:s21], [sflag:$0x5], $0x80, $0x38;
	[tilespmem:$0x14A00] =	vst v63  }
0x18e: {  	s21 =	sadd.s32 $0x8398, s12;
	s22 =	sadd.s32 $0x30, s20  }
0x18f: {  	[hbm4b:s22+s5] =	stream.linear.scatter [tilespmem:s21], [sflag:$0x5], $0x80, $0x38;
	[tilespmem:$0x14A00] =	vst v63  }
0x190: {  	s21 =	sadd.s32 $0x8420, s12;
	s22 =	sadd.s32 $0x40, s20  }
0x191: {  	[hbm4b:s22+s5] =	stream.linear.scatter [tilespmem:s21], [sflag:$0x5], $0x80, $0x38;
	[tilespmem:$0x14A00] =	vst v63  }
.Ltmp1:
0x192: {  	s21 =	sadd.s32 $0x84A8, s12;
	s22 =	sadd.s32 $0x50, s20;
	(pc) =	sbr.rel @p1 .LBB2_5-.Ltmp1, $4  }
0x193: {  	[hbm4b:s22+s5] =	stream.linear.scatter [tilespmem:s21], [sflag:$0x5], $0x80, $0x38;
	[tilespmem:$0x14A00] =	vst v63  }
0x194: {  	s21 =	sadd.s32 $0x8530, s12;
	s22 =	sadd.s32 $0x60, s20;
	s12 =	sadd.s32 $0x85B8, s12  }
0x195: {  	[hbm4b:s22+s5] =	stream.linear.scatter [tilespmem:s21], [sflag:$0x5], $0x80, $0x38;
	[tilespmem:$0x14A00] =	vst v63  }
0x196: {  	s22 =	sadd.s32 $0x70, s20;
	s20 =	sadd.s32 $0x1000, s20;
	s21 =	smov.u32 s16  }
0x197: {  	[hbm4b:s22+s5] =	stream.linear.scatter [tilespmem:s12], [sflag:$0x5], $0x80, $0x38;
	[tilespmem:$0x14A00] =	vst v63  }
0x198: {  	s16 =	sadd.s32 $0x8200, s8  }
0x199: {  	[hbm4b:s20+s5] =	stream.linear.scatter [tilespmem:s16], [sflag:$0x5], $0x80, $0x38;
	[tilespmem:$0x14A00] =	vst v63  }
0x19a: {  	s21 =	sadd.s32 $0x8288, s8;
	s16 =	sadd.s32 $0x10, s20  }
0x19b: {  	[hbm4b:s16+s5] =	stream.linear.scatter [tilespmem:s21], [sflag:$0x5], $0x80, $0x38;
	[tilespmem:$0x14A00] =	vst v63  }
0x19c: {  	s22 =	sadd.s32 $0x8310, s8;
	s26 =	sadd.s32 $0x20, s20  }
0x19d: {  	[hbm4b:s26+s5] =	stream.linear.scatter [tilespmem:s22], [sflag:$0x5], $0x80, $0x38;
	[tilespmem:$0x14A00] =	vst v63  }
0x19e: {  	s16 =	sadd.s32 $0x8398, s8;
	s21 =	sadd.s32 $0x30, s20  }
0x19f: {  	[hbm4b:s21+s5] =	stream.linear.scatter [tilespmem:s16], [sflag:$0x5], $0x80, $0x38;
	[tilespmem:$0x14A00] =	vst v63  }
0x1a0: {  	s22 =	sadd.s32 $0x8420, s8;
	s26 =	sadd.s32 $0x40, s20  }
0x1a1: {  	[hbm4b:s26+s5] =	stream.linear.scatter [tilespmem:s22], [sflag:$0x5], $0x80, $0x38;
	[tilespmem:$0x14A00] =	vst v63  }
0x1a2: {  	s16 =	sadd.s32 $0x84A8, s8;
	s21 =	sadd.s32 $0x50, s20  }
0x1a3: {  	[hbm4b:s21+s5] =	stream.linear.scatter [tilespmem:s16], [sflag:$0x5], $0x80, $0x38;
	[tilespmem:$0x14A00] =	vst v63  }
0x1a4: {  	s22 =	sadd.s32 $0x8530, s8;
	s26 =	sadd.s32 $0x60, s20  }
0x1a5: {  	[hbm4b:s26+s5] =	stream.linear.scatter [tilespmem:s22], [sflag:$0x5], $0x80, $0x38;
	[tilespmem:$0x14A00] =	vst v63  }
0x1a6: {  	s3 =	sadd.s32 s3, s4;
	s21 =	sadd.s32 $0x85B8, s8;
	s22 =	sadd.s32 $0x70, s20  }
0x1a7: {  	[hbm4b:s22+s5] =	stream.linear.scatter [tilespmem:s21], [sflag:$0x5], $0x80, $0x38;
	[tilespmem:$0x14A00] =	vst v63  }
0x1a8: {  	s8 =	sadd.s32 $0x80, s3;
	s26 =	simm.s32 $0x8640  }
0x1a9: {  	[hbm4b:s8+s5] =	stream.linear.scatter [tilespmem:s26], [sflag:$0x5], $0x80, $0x38;
	[tilespmem:$0x14A00] =	vst v63  }
0x1aa: {  	s12 =	simm.s32 $0x86C8;
	s16 =	sadd.s32 $0x10, s8  }
0x1ab: {  	[hbm4b:s16+s5] =	stream.linear.scatter [tilespmem:s12], [sflag:$0x5], $0x80, $0x38;
	[tilespmem:$0x14A00] =	vst v63  }
0x1ac: {  	s3 =	simm.s32 $0x880;
	s20 =	simm.s32 $0x8750;
	s21 =	sadd.s32 $0x20, s8  }
0x1ad: {  	[hbm4b:s21+s5] =	stream.linear.scatter [tilespmem:s20], [sflag:$0x5], $0x80, $0x38;
	[tilespmem:$0x14A00] =	vst v63  }
0x1ae: {  	s22 =	simm.s32 $0x87D8;
	s26 =	sadd.s32 $0x30, s8;
	s12 =	simm.s32 $0x8860  }
0x1af: {  	[hbm4b:s26+s5] =	stream.linear.scatter [tilespmem:s22], [sflag:$0x5], $0x80, $0x38;
	[tilespmem:$0x14A00] =	vst v63  }
0x1b0: {  	s16 =	sadd.s32 $0x40, s8;
	s20 =	simm.s32 $0x88E8;
	s21 =	sadd.s32 $0x50, s8  }
0x1b1: {  	[hbm4b:s16+s5] =	stream.linear.scatter [tilespmem:s12], [sflag:$0x5], $0x80, $0x38;
	[tilespmem:$0x14A00] =	vst v63  }
0x1b2: {  	s22 =	simm.s32 $0x8970;
	s26 =	sadd.s32 $0x60, s8;
	s12 =	simm.s32 $0x89F8  }
0x1b3: {  	[hbm4b:s21+s5] =	stream.linear.scatter [tilespmem:s20], [sflag:$0x5], $0x80, $0x38;
	[tilespmem:$0x14A00] =	vst v63  }
0x1b4: {  	s20 =	simm.s32 $0x4400;
	s21 =	sadd.s32 $0x70, s8;
	s8 =	sadd.s32 $0x1000, s8  }
0x1b5: {  	[hbm4b:s26+s5] =	stream.linear.scatter [tilespmem:s22], [sflag:$0x5], $0x80, $0x38;
	[tilespmem:$0x14A00] =	vst v63  }
.LBB2_7:
0x1b6: {  	[hbm4b:s21+s5] =	stream.linear.scatter [tilespmem:s12], [sflag:$0x5], $0x80, $0x38;
	[tilespmem:$0x14A00] =	vst v63  }
0x1b7: {  	s12 =	smov.u32 s3;
	s3 =	smov.u32 s20  }
0x1b8: {  	s16 =	sadd.s32 $0x2200, s20;
	s3 =	sshra.s32 s3, $0x2;
	s21 =	sadd.s32 $0x8640, s12  }
0x1b9: {  	[hbm4b:s8+s5] =	stream.linear.scatter [tilespmem:s21], [sflag:$0x5], $0x80, $0x38;
	[tilespmem:$0x14A00] =	vst v63  }
0x1ba: {  	p1 =	sne.s32 s20, $0xEE00;
	s20 =	sadd.s32 $0x86C8, s12;
	s21 =	sadd.s32 $0x10, s8  }
0x1bb: {  	[hbm4b:s21+s5] =	stream.linear.scatter [tilespmem:s20], [sflag:$0x5], $0x80, $0x38;
	[tilespmem:$0x14A00] =	vst v63  }
0x1bc: {  	s20 =	sadd.s32 $0x8750, s12;
	s21 =	sadd.s32 $0x20, s8  }
0x1bd: {  	[hbm4b:s21+s5] =	stream.linear.scatter [tilespmem:s20], [sflag:$0x5], $0x80, $0x38;
	[tilespmem:$0x14A00] =	vst v63  }
0x1be: {  	s20 =	sadd.s32 $0x87D8, s12;
	s21 =	sadd.s32 $0x30, s8  }
0x1bf: {  	[hbm4b:s21+s5] =	stream.linear.scatter [tilespmem:s20], [sflag:$0x5], $0x80, $0x38;
	[tilespmem:$0x14A00] =	vst v63  }
0x1c0: {  	s20 =	sadd.s32 $0x8860, s12;
	s21 =	sadd.s32 $0x40, s8  }
0x1c1: {  	[hbm4b:s21+s5] =	stream.linear.scatter [tilespmem:s20], [sflag:$0x5], $0x80, $0x38;
	[tilespmem:$0x14A00] =	vst v63  }
.Ltmp2:
0x1c2: {  	s20 =	sadd.s32 $0x88E8, s12;
	s21 =	sadd.s32 $0x50, s8;
	(pc) =	sbr.rel @p1 .LBB2_7-.Ltmp2, $4  }
0x1c3: {  	[hbm4b:s21+s5] =	stream.linear.scatter [tilespmem:s20], [sflag:$0x5], $0x80, $0x38;
	[tilespmem:$0x14A00] =	vst v63  }
0x1c4: {  	s20 =	sadd.s32 $0x8970, s12;
	s21 =	sadd.s32 $0x60, s8;
	s12 =	sadd.s32 $0x89F8, s12  }
0x1c5: {  	[hbm4b:s21+s5] =	stream.linear.scatter [tilespmem:s20], [sflag:$0x5], $0x80, $0x38;
	[tilespmem:$0x14A00] =	vst v63  }
0x1c6: {  	s21 =	sadd.s32 $0x70, s8;
	s8 =	sadd.s32 $0x1000, s8;
	s20 =	smov.u32 s16  }
0x1c7: {  	[hbm4b:s21+s5] =	stream.linear.scatter [tilespmem:s12], [sflag:$0x5], $0x80, $0x38;
	[tilespmem:$0x14A00] =	vst v63  }
0x1c8: {  	s22 =	sadd.s32 $0x8640, s3  }
0x1c9: {  	[hbm4b:s8+s5] =	stream.linear.scatter [tilespmem:s22], [sflag:$0x5], $0x80, $0x38;
	[tilespmem:$0x14A00] =	vst v63  }
0x1ca: {  	s26 =	sadd.s32 $0x86C8, s3;
	s16 =	sadd.s32 $0x10, s8  }
0x1cb: {  	[hbm4b:s16+s5] =	stream.linear.scatter [tilespmem:s26], [sflag:$0x5], $0x80, $0x38;
	[tilespmem:$0x14A00] =	vst v63  }
0x1cc: {  	s20 =	sadd.s32 $0x8750, s3;
	s21 =	sadd.s32 $0x20, s8  }
0x1cd: {  	[hbm4b:s21+s5] =	stream.linear.scatter [tilespmem:s20], [sflag:$0x5], $0x80, $0x38;
	[tilespmem:$0x14A00] =	vst v63  }
0x1ce: {  	s22 =	sadd.s32 $0x87D8, s3;
	s26 =	sadd.s32 $0x30, s8  }
0x1cf: {  	[hbm4b:s26+s5] =	stream.linear.scatter [tilespmem:s22], [sflag:$0x5], $0x80, $0x38;
	[tilespmem:$0x14A00] =	vst v63  }
0x1d0: {  	s20 =	sadd.s32 $0x8860, s3;
	s21 =	sadd.s32 $0x40, s8  }
0x1d1: {  	[hbm4b:s21+s5] =	stream.linear.scatter [tilespmem:s20], [sflag:$0x5], $0x80, $0x38;
	[tilespmem:$0x14A00] =	vst v63  }
0x1d2: {  	s16 =	sadd.s32 $0x8970, s3;
	s22 =	sadd.s32 $0x88E8, s3;
	s26 =	sadd.s32 $0x50, s8  }
0x1d3: {  	[hbm4b:s26+s5] =	stream.linear.scatter [tilespmem:s22], [sflag:$0x5], $0x80, $0x38;
	[tilespmem:$0x14A00] =	vst v63  }
0x1d4: {  	s20 =	sadd.s32 $0x60, s8;
	s21 =	sadd.s32 $0x89F8, s3;
	s3 =	sadd.s32 @!p0 s18, s14  }
0x1d5: {  	[hbm4b:s20+s5] =	stream.linear.scatter [tilespmem:s16], [sflag:$0x5], $0x80, $0x38;
	[tilespmem:$0x14A00] =	vst v63  }
0x1d6: {  	s12 =	sshll.u32 @!p0 s3, $0xB;
	s22 =	sadd.s32 $0x70, s8  }
0x1d7: {  	[hbm4b:s22+s5] =	stream.linear.scatter [tilespmem:s21], [sflag:$0x5], $0x80, $0x38;
	[tilespmem:$0x14A00] =	vst v63  }
0x1d8: {  	s8 =	sshll.u32 @!p0 s3, $0x8;
	s12 =	sand.u32 @!p0 $0x7800, s12;
	_ =	swait.ge [sflag:s10], $0x2000  }
0x1d9: {  	s3 =	sshll.u32 @!p0 s3, $0x3;
	s8 =	sand.u32 @!p0 $0x7FFF8000, s8;
	[sflag:s10] =	ssyncset.done $0x0  }
0x1da: {  	s3 =	sand.u32 @!p0 $0x380, s3;
	s8 =	sor.u32 @!p0 s12, s8;
	[sflag:s10] =	ssyncadd.s32 $0xFFFFE000  }
0x1db: {  	s3 =	sor.u32 @!p0 s3, s8;
	_ =	swait.ge [sflag:s10], $0x2000  }
0x1dc: {  	s12 =	simm.s32 @!p0 $0x100;
	s3 =	sshrl.u32 @!p0 s3, $0x3;
	[sflag:s10] =	ssyncset.done $0x0  }
0x1dd: {  	s8 =	simm.s32 @!p0 $0x0;
	s3 =	sadd.s32 @!p0 s0, s3;
	[sflag:s10] =	ssyncadd.s32 $0xFFFFE000  }
0x1de: {  	[tilespmem:s12], [sflag:$0x2] =	stream.linear.gather @!p0 [hbm4b:s3+s8], $0x80, $0x38;
	[tilespmem:$0x14A00] =	vst v63  }
0x1df: {  	s3 =	sadd.s32 @!p0 $0x80, s3;
	s12 =	simm.s32 @!p0 $0x180  }
0x1e0: {  	[tilespmem:s12], [sflag:$0x2] =	stream.linear.gather @!p0 [hbm4b:s3+s8], $0x80, $0x38;
	[tilespmem:$0x14A00] =	vst v63  }
0x1e1: {  	s3 =	simm.s32 @!p0 $0x1  }
0x1e2: {  	_ =	swait.ge @!p0 [sflag:s3], $0x80  }
0x1e3: {  	[sflag:s3] =	ssyncset.done @!p0 $0x0  }
0x1e4: {  	[sflag:s3] =	ssyncadd.s32 @!p0 $0xFFFFFF80  }
0x1e5: {  	_ =	swait.ge @!p0 [sflag:s3], $0x80  }
0x1e6: {  	p1 =	seq.s32 @!p0 s17, $0x0;
	s19 =	sadd.s32 s7, s19;
	[sflag:s3] =	ssyncset.done @!p0 $0x0  }
0x1e7: {  	s12 =	simm.s32 @!p0 $0x200;
	[sflag:s3] =	ssyncadd.s32 @!p0 $0xFFFFFF80;
	s3 =	simm.s32 @!p0 $0x80  }
0x1e8: {  	[tilespmem:s12], [sflag:$0x3] =	stream.indirect.gather @!p0 [hbm4b:s6+s3], $0x40, s8, s3, $0xb8;
	[tilespmem:$0x14A00] =	vst v63  }
0x1e9: {  	s18 =	sshrl.u32 s19, $0x4;
	s26 =	sshrl.u32 s19, $0x1;
	s8 =	simm.s32 @!p0 $0x2200  }
0x1ea: {  	v8 =	vmov s18;
	[tilespmem:s8], [sflag:$0x3] =	stream.indirect.gather @!p0 [hbm4b:s6+s3], $0x40, s3, s3, $0xb8;
	[tilespmem:$0x14A00] =	vst v63  }
0x1eb: {  	v9 =	vand.u32 $0x78, v8;
	p0 =	por p0, !p1;
	s3 =	sand.u32 $0x3FFFFC00, s26  }
0x1ec: {  	v8 =	vand.u32 $0x7, v8;
	_ =	swait.ge @p0 [sflag:s15], $0x2000;
	v9 =	vor.u32 s3, v9  }
0x1ed: {  	s8 =	simm.s32 $0x0;
	[sflag:s15] =	ssyncset.done @p0 $0x0;
	v8 =	vor.u32 v8, v9  }
0x1ee: {  	v10 =	vmov s8;
	[sflag:s15] =	ssyncadd.s32 @p0 $0xFFFFE000;
	v9 =	vadd.s32 v0, v8  }
0x1ef: {  	v10 =	vmul.u32 $0x440, v10;
	_ =	swait.ge @p0 [sflag:s15], $0x2000  }
0x1f0: {  	[sflag:s15] =	ssyncset.done @p0 $0x0  }
0x1f1: {  	s20 =	simm.s32 $0x4280;
	s12 =	simm.s32 $0x0;
	v12 =	vbroadcast v10, $0x0;
	[sflag:s15] =	ssyncadd.s32 @p0 $0xFFFFE000  }
0x1f2: {  	v11 =	vmov s12;
	v10 =	vadd.s32 v1, v8;
	v15 =	vld [tilespmem:s20+$0xFFFFFF80]  }
0x1f3: {  	v16 =	vand.u32 $0x78, v11;
	v13 =	vadd.s32 v2, v8;
	v14 =	vadd.s32 v4, v12;
	v9 =	vld.idx.msk [tilespmem:v9+s23+$0x0], $0xffff  }
0x1f4: {  	v17 =	vand.u32 $0x4, v11;
	v11 =	vadd.s32 v16, v14  }
0x1f5: {  	v8 =	vadd.s32 v3, v8;
	v18 =	vor.u32 v17, v11;
	_ =	sdelay $0x1  }
0x1f6: {  	v11 =	vld.idx.msk [tilespmem:v10+s23+$0x0], $0xffff  }
0x1f7: {  	v10 =	vld.idx.msk [tilespmem:v13+s23+$0x0], $0xffff;
	v13 =	vadd.f32 v15, v9;
	_ =	sdelay $0x1  }
0x1f8: {  	v8 =	vld.idx.msk [tilespmem:v8+s23+$0x0], $0xffff;
	[tilespmem:v18+s11+$0x0] =	vst.idx.msk $0xffff, v13  }
0x1f9: {  	v13 =	vadd.s32 v5, v12;
	v15 =	vld [tilespmem:s20+$0xFFFFFF90]  }
0x1fa: {  	v50 =	vadd.s32 v16, v13  }
0x1fb: {  	v18 =	vor.u32 v17, v50;
	_ =	sdelay $0x2  }
0x1fc: {  	v15 =	vadd.f32 v15, v11;
	_ =	sdelay $0x1  }
0x1fd: {  	[tilespmem:v18+s11+$0x0] =	vst.idx.msk $0xffff, v15  }
0x1fe: {  	v15 =	vadd.s32 v6, v12;
	v18 =	vld [tilespmem:s20+$0xFFFFFFA0]  }
0x1ff: {  	v19 =	vadd.s32 v16, v15  }
0x200: {  	v19 =	vor.u32 v17, v19;
	_ =	sdelay $0x2  }
0x201: {  	v18 =	vadd.f32 v18, v10;
	_ =	sdelay $0x1  }
0x202: {  	[tilespmem:v19+s11+$0x0] =	vst.idx.msk $0xffff, v18  }
0x203: {  	v12 =	vadd.s32 v7, v12;
	v18 =	vld [tilespmem:s20+$0xFFFFFFB0]  }
0x204: {  	v16 =	vadd.s32 v16, v12  }
0x205: {  	v16 =	vor.u32 v17, v16;
	_ =	sdelay $0x2  }
0x206: {  	v51 =	vadd.f32 v18, v8  }
0x207: {  	s16 =	simm.s32 $0x1  }
0x208: {  	v52 =	vmov s16;
	[tilespmem:v16+s11+$0x0] =	vst.idx.msk $0xffff, v51  }
0x209: {  	v53 =	vand.u32 $0x78, v52;
	v17 =	vld [tilespmem:s20+$0xFFFFFFC0]  }
0x20a: {  	v54 =	vadd.s32 v14, v53;
	v18 =	vand.u32 $0x5, v52  }
0x20b: {  	v19 =	vor.u32 v18, v54;
	_ =	sdelay $0x2  }
0x20c: {  	v17 =	vadd.f32 v17, v9;
	_ =	sdelay $0x1  }
0x20d: {  	[tilespmem:v19+s11+$0x0] =	vst.idx.msk $0xffff, v17  }
0x20e: {  	v17 =	vld [tilespmem:s20+$0xFFFFFFD0]  }
0x20f: {  	v55 =	vadd.s32 v13, v53  }
0x210: {  	v19 =	vor.u32 v18, v55;
	_ =	sdelay $0x2  }
0x211: {  	v17 =	vadd.f32 v17, v11;
	_ =	sdelay $0x1  }
0x212: {  	[tilespmem:v19+s11+$0x0] =	vst.idx.msk $0xffff, v17  }
0x213: {  	v17 =	vld [tilespmem:s20+$0xFFFFFFE0]  }
0x214: {  	v56 =	vadd.s32 v15, v53  }
0x215: {  	v19 =	vor.u32 v18, v56;
	_ =	sdelay $0x2  }
0x216: {  	v17 =	vadd.f32 v17, v10;
	_ =	sdelay $0x1  }
0x217: {  	[tilespmem:v19+s11+$0x0] =	vst.idx.msk $0xffff, v17  }
0x218: {  	v17 =	vld [tilespmem:s20+$0xFFFFFFF0]  }
0x219: {  	v16 =	vadd.s32 v12, v53  }
0x21a: {  	v16 =	vor.u32 v18, v16;
	_ =	sdelay $0x2  }
0x21b: {  	v17 =	vadd.f32 v17, v8  }
0x21c: {  	s21 =	simm.s32 $0x2  }
0x21d: {  	v57 =	vmov s21;
	[tilespmem:v16+s11+$0x0] =	vst.idx.msk $0xffff, v17  }
0x21e: {  	v58 =	vand.u32 $0x78, v57;
	v17 =	vld [tilespmem:s20+$0x0]  }
0x21f: {  	v59 =	vadd.s32 v14, v58;
	v18 =	vand.u32 $0x6, v57  }
0x220: {  	v19 =	vor.u32 v18, v59;
	_ =	sdelay $0x2  }
0x221: {  	v17 =	vadd.f32 v17, v9;
	_ =	sdelay $0x1  }
0x222: {  	[tilespmem:v19+s11+$0x0] =	vst.idx.msk $0xffff, v17  }
0x223: {  	v17 =	vld [tilespmem:s20+$0x10]  }
0x224: {  	v60 =	vadd.s32 v13, v58  }
0x225: {  	v19 =	vor.u32 v18, v60;
	_ =	sdelay $0x2  }
0x226: {  	v17 =	vadd.f32 v17, v11;
	_ =	sdelay $0x1  }
0x227: {  	[tilespmem:v19+s11+$0x0] =	vst.idx.msk $0xffff, v17  }
0x228: {  	v17 =	vld [tilespmem:s20+$0x20]  }
0x229: {  	v61 =	vadd.s32 v15, v58  }
0x22a: {  	v19 =	vor.u32 v18, v61;
	_ =	sdelay $0x2  }
0x22b: {  	v17 =	vadd.f32 v17, v10;
	_ =	sdelay $0x1  }
0x22c: {  	[tilespmem:v19+s11+$0x0] =	vst.idx.msk $0xffff, v17  }
0x22d: {  	v17 =	vld [tilespmem:s20+$0x30]  }
0x22e: {  	v16 =	vadd.s32 v12, v58  }
0x22f: {  	v16 =	vor.u32 v18, v16;
	_ =	sdelay $0x2  }
0x230: {  	v17 =	vadd.f32 v17, v8  }
0x231: {  	s22 =	simm.s32 $0x3  }
0x232: {  	v62 =	vmov s22;
	[tilespmem:v16+s11+$0x0] =	vst.idx.msk $0xffff, v17  }
0x233: {  	v63 =	vand.u32 $0x78, v62;
	v17 =	vld [tilespmem:s20+$0x40]  }
0x234: {  	v14 =	vadd.s32 v14, v63;
	v18 =	vand.u32 $0x7, v62  }
0x235: {  	v14 =	vor.u32 v18, v14;
	_ =	sdelay $0x2  }
0x236: {  	v17 =	vadd.f32 v17, v9;
	_ =	sdelay $0x1  }
0x237: {  	[tilespmem:v14+s11+$0x0] =	vst.idx.msk $0xffff, v17  }
0x238: {  	v14 =	vld [tilespmem:s20+$0x50]  }
0x239: {  	v13 =	vadd.s32 v13, v63  }
0x23a: {  	v13 =	vor.u32 v18, v13;
	_ =	sdelay $0x2  }
0x23b: {  	v14 =	vadd.f32 v14, v11;
	_ =	sdelay $0x1  }
0x23c: {  	[tilespmem:v13+s11+$0x0] =	vst.idx.msk $0xffff, v14  }
0x23d: {  	v13 =	vld [tilespmem:s20+$0x60]  }
0x23e: {  	v14 =	vadd.s32 v15, v63  }
0x23f: {  	v14 =	vor.u32 v18, v14;
	_ =	sdelay $0x2  }
0x240: {  	v13 =	vadd.f32 v13, v10;
	_ =	sdelay $0x1  }
0x241: {  	[tilespmem:v14+s11+$0x0] =	vst.idx.msk $0xffff, v13  }
0x242: {  	v14 =	vld [tilespmem:s20+$0x70]  }
0x243: {  	s26 =	simm.s32 $0x0  }
0x244: {  	v12 =	vadd.s32 v12, v63;
	v13 =	vmov s26  }
0x245: {  	v15 =	vmul.u32 $0x440, v13;
	v13 =	vor.u32 v18, v12;
	_ =	sdelay $0x1  }
0x246: {  	s12 =	simm.s32 $0x2;
	s8 =	simm.s32 $0x4;
	v12 =	vbroadcast v15, $0x0;
	v14 =	vadd.f32 v14, v8  }
.LBB2_9:
0x247: {  	s16 =	sadd.s32 $0x1, s8  }
0x248: {  	v15 =	vmov s8;
	s20 =	sadd.s32 $0x100, s20;
	s21 =	smov.u32 s12;
	s3 =	sadd.s32 $0x1, s12  }
0x249: {  	p0 =	sne.s32 s12, $0x3F;
	v16 =	vadd.s32 v4, v12;
	v17 =	vadd.s32 v5, v12;
	v18 =	vmov s16;
	[tilespmem:v13+s11+$0x0] =	vst.idx.msk $0xffff, v14  }
0x24a: {  	s12 =	sadd.s32 $0x2, s8;
	v19 =	vand.u32 $0x78, v15;
	v20 =	vand.u32 $0x4, v15;
	v21 =	vadd.s32 v6, v12;
	v13 =	vld [tilespmem:s20+$0xFFFFFF80]  }
0x24b: {  	v12 =	vadd.s32 v7, v12;
	v14 =	vadd.s32 v19, v16;
	v22 =	vand.u32 $0x78, v18  }
0x24c: {  	v25 =	vmov s12;
	s12 =	sadd.s32 $0x3, s8;
	v23 =	vor.u32 v20, v14;
	v24 =	vadd.s32 v16, v22  }
0x24d: {  	v28 =	vand.u32 $0x78, v25;
	v26 =	vadd.s32 v17, v22;
	v27 =	vadd.s32 v21, v22  }
0x24e: {  	v15 =	vadd.s32 v19, v17;
	v29 =	vadd.s32 v16, v28;
	v14 =	vmov s12  }
0x24f: {  	v30 =	vadd.s32 v17, v28;
	v31 =	vand.u32 $0x78, v14;
	v13 =	vadd.f32 v13, v9  }
0x250: {  	v33 =	vadd.s32 v19, v21;
	v32 =	vor.u32 v20, v15;
	v15 =	vadd.s32 v16, v31  }
0x251: {  	[tilespmem:v23+s11+$0x0] =	vst.idx.msk $0xffff, v13;
	v23 =	vor.u32 v20, v33;
	v13 =	vadd.s32 v19, v12  }
0x252: {  	v22 =	vadd.s32 v12, v22;
	v33 =	vadd.s32 v21, v28;
	v19 =	vld [tilespmem:s20+$0xFFFFFF90];
	v20 =	vor.u32 v20, v13  }
0x253: {  	v16 =	vadd.s32 v17, v31;
	v28 =	vadd.s32 v12, v28;
	v13 =	vadd.s32 v21, v31  }
0x254: {  	v12 =	vadd.s32 v12, v31;
	_ =	sdelay $0x2  }
0x255: {  	v17 =	vadd.f32 v19, v11;
	_ =	sdelay $0x1  }
0x256: {  	[tilespmem:v32+s11+$0x0] =	vst.idx.msk $0xffff, v17  }
0x257: {  	v17 =	vld [tilespmem:s20+$0xFFFFFFA0];
	_ =	sdelay $0x4  }
0x258: {  	v17 =	vadd.f32 v17, v10;
	_ =	sdelay $0x1  }
0x259: {  	[tilespmem:v23+s11+$0x0] =	vst.idx.msk $0xffff, v17  }
0x25a: {  	v17 =	vld [tilespmem:s20+$0xFFFFFFB0];
	_ =	sdelay $0x4  }
0x25b: {  	v17 =	vadd.f32 v17, v8;
	_ =	sdelay $0x1  }
0x25c: {  	[tilespmem:v20+s11+$0x0] =	vst.idx.msk $0xffff, v17  }
0x25d: {  	v17 =	vld [tilespmem:s20+$0xFFFFFFC0]  }
0x25e: {  	v18 =	vand.u32 $0x5, v18  }
0x25f: {  	v19 =	vor.u32 v18, v24;
	_ =	sdelay $0x2  }
0x260: {  	v17 =	vadd.f32 v17, v9;
	_ =	sdelay $0x1  }
0x261: {  	[tilespmem:v19+s11+$0x0] =	vst.idx.msk $0xffff, v17  }
0x262: {  	v17 =	vld [tilespmem:s20+$0xFFFFFFD0];
	_ =	sdelay $0x1  }
0x263: {  	v19 =	vor.u32 v18, v26;
	_ =	sdelay $0x2  }
0x264: {  	v17 =	vadd.f32 v17, v11;
	_ =	sdelay $0x1  }
0x265: {  	[tilespmem:v19+s11+$0x0] =	vst.idx.msk $0xffff, v17  }
0x266: {  	v17 =	vld [tilespmem:s20+$0xFFFFFFE0];
	_ =	sdelay $0x1  }
0x267: {  	v19 =	vor.u32 v18, v27;
	_ =	sdelay $0x2  }
0x268: {  	v17 =	vadd.f32 v17, v10;
	_ =	sdelay $0x1  }
0x269: {  	[tilespmem:v19+s11+$0x0] =	vst.idx.msk $0xffff, v17  }
0x26a: {  	v17 =	vld [tilespmem:s20+$0xFFFFFFF0];
	_ =	sdelay $0x1  }
0x26b: {  	v18 =	vor.u32 v18, v22;
	_ =	sdelay $0x2  }
0x26c: {  	v17 =	vadd.f32 v17, v8;
	_ =	sdelay $0x1  }
0x26d: {  	[tilespmem:v18+s11+$0x0] =	vst.idx.msk $0xffff, v17  }
0x26e: {  	v17 =	vld [tilespmem:s20+$0x0]  }
0x26f: {  	v18 =	vand.u32 $0x6, v25  }
0x270: {  	v19 =	vor.u32 v18, v29;
	_ =	sdelay $0x2  }
0x271: {  	v17 =	vadd.f32 v17, v9;
	_ =	sdelay $0x1  }
0x272: {  	[tilespmem:v19+s11+$0x0] =	vst.idx.msk $0xffff, v17  }
0x273: {  	v17 =	vld [tilespmem:s20+$0x10];
	_ =	sdelay $0x1  }
0x274: {  	v19 =	vor.u32 v18, v30;
	_ =	sdelay $0x2  }
0x275: {  	v17 =	vadd.f32 v17, v11;
	_ =	sdelay $0x1  }
0x276: {  	[tilespmem:v19+s11+$0x0] =	vst.idx.msk $0xffff, v17  }
0x277: {  	v17 =	vld [tilespmem:s20+$0x20];
	_ =	sdelay $0x1  }
0x278: {  	v19 =	vor.u32 v18, v33;
	_ =	sdelay $0x2  }
0x279: {  	v17 =	vadd.f32 v17, v10;
	_ =	sdelay $0x1  }
0x27a: {  	[tilespmem:v19+s11+$0x0] =	vst.idx.msk $0xffff, v17  }
0x27b: {  	v17 =	vld [tilespmem:s20+$0x30];
	_ =	sdelay $0x1  }
0x27c: {  	v18 =	vor.u32 v18, v28;
	_ =	sdelay $0x2  }
0x27d: {  	v17 =	vadd.f32 v17, v8;
	_ =	sdelay $0x1  }
0x27e: {  	[tilespmem:v18+s11+$0x0] =	vst.idx.msk $0xffff, v17  }
0x27f: {  	v17 =	vld [tilespmem:s20+$0x40]  }
0x280: {  	v14 =	vand.u32 $0x7, v14  }
0x281: {  	v15 =	vor.u32 v14, v15;
	_ =	sdelay $0x2  }
0x282: {  	v17 =	vadd.f32 v17, v9;
	_ =	sdelay $0x1  }
0x283: {  	[tilespmem:v15+s11+$0x0] =	vst.idx.msk $0xffff, v17  }
0x284: {  	v15 =	vld [tilespmem:s20+$0x50];
	_ =	sdelay $0x1  }
0x285: {  	v16 =	vor.u32 v14, v16;
	_ =	sdelay $0x2  }
0x286: {  	v15 =	vadd.f32 v15, v11;
	_ =	sdelay $0x1  }
0x287: {  	[tilespmem:v16+s11+$0x0] =	vst.idx.msk $0xffff, v15  }
0x288: {  	v15 =	vld [tilespmem:s20+$0x60];
	_ =	sdelay $0x1  }
0x289: {  	v13 =	vor.u32 v14, v13;
	_ =	sdelay $0x2  }
0x28a: {  	v15 =	vadd.f32 v15, v10;
	_ =	sdelay $0x1  }
0x28b: {  	[tilespmem:v13+s11+$0x0] =	vst.idx.msk $0xffff, v15  }
0x28c: {  	v15 =	vld [tilespmem:s20+$0x70]  }
.Ltmp3:
0x28d: {  	s12 =	sshrl.u32 s21, $0x5;
	(pc) =	sbr.rel @p0 .LBB2_9-.Ltmp3, $3  }
0x28e: {  	v16 =	vmov s12;
	v13 =	vor.u32 v14, v12  }
0x28f: {  	v12 =	vmul.u32 $0x440, v16;
	_ =	sdelay $0x1  }
0x290: {  	s8 =	sadd.s32 $0x4, s8;
	s12 =	smov.u32 s3;
	v12 =	vbroadcast v12, $0x0;
	v14 =	vadd.f32 v15, v8  }
0x291: {  	_ =	sdelay $0x3  }
0x292: {  	v15 =	vmov s8;
	s3 =	sadd.s32 $0x100, s20;
	[tilespmem:v13+s11+$0x0] =	vst.idx.msk $0xffff, v14  }
0x293: {  	v43 =	vadd.s32 v4, v12;
	v16 =	vand.u32 $0x78, v15;
	v14 =	vld [tilespmem:s3+$0xFFFFFF80]  }
0x294: {  	v15 =	vand.u32 $0x4, v15;
	v17 =	vadd.s32 v16, v43  }
0x295: {  	v17 =	vor.u32 v15, v17;
	_ =	sdelay $0x2  }
0x296: {  	v14 =	vadd.f32 v14, v9;
	_ =	sdelay $0x1  }
0x297: {  	[tilespmem:v17+s11+$0x0] =	vst.idx.msk $0xffff, v14  }
0x298: {  	v44 =	vadd.s32 v5, v12;
	v17 =	vld [tilespmem:s3+$0xFFFFFF90]  }
0x299: {  	v18 =	vadd.s32 v16, v44  }
0x29a: {  	v18 =	vor.u32 v15, v18;
	_ =	sdelay $0x2  }
0x29b: {  	v17 =	vadd.f32 v17, v11;
	_ =	sdelay $0x1  }
0x29c: {  	[tilespmem:v18+s11+$0x0] =	vst.idx.msk $0xffff, v17  }
0x29d: {  	v45 =	vadd.s32 v6, v12;
	v18 =	vld [tilespmem:s3+$0xFFFFFFA0]  }
0x29e: {  	v19 =	vadd.s32 v16, v45  }
0x29f: {  	v19 =	vor.u32 v15, v19;
	_ =	sdelay $0x2  }
0x2a0: {  	v18 =	vadd.f32 v18, v10;
	_ =	sdelay $0x1  }
0x2a1: {  	[tilespmem:v19+s11+$0x0] =	vst.idx.msk $0xffff, v18  }
0x2a2: {  	v46 =	vadd.s32 v7, v12;
	v18 =	vld [tilespmem:s3+$0xFFFFFFB0]  }
0x2a3: {  	v16 =	vadd.s32 v16, v46  }
0x2a4: {  	v15 =	vor.u32 v15, v16;
	_ =	sdelay $0x2  }
0x2a5: {  	v47 =	vadd.f32 v18, v8  }
0x2a6: {  	s12 =	sadd.s32 $0x1, s8  }
0x2a7: {  	v48 =	vmov s12;
	[tilespmem:v15+s11+$0x0] =	vst.idx.msk $0xffff, v47  }
0x2a8: {  	v49 =	vand.u32 $0x78, v48;
	v16 =	vld [tilespmem:s3+$0xFFFFFFC0]  }
0x2a9: {  	v50 =	vadd.s32 v43, v49;
	v18 =	vand.u32 $0x5, v48  }
0x2aa: {  	v19 =	vor.u32 v18, v50;
	_ =	sdelay $0x2  }
0x2ab: {  	v16 =	vadd.f32 v16, v9;
	_ =	sdelay $0x1  }
0x2ac: {  	[tilespmem:v19+s11+$0x0] =	vst.idx.msk $0xffff, v16  }
0x2ad: {  	v16 =	vld [tilespmem:s3+$0xFFFFFFD0]  }
0x2ae: {  	v51 =	vadd.s32 v44, v49  }
0x2af: {  	v19 =	vor.u32 v18, v51;
	_ =	sdelay $0x2  }
0x2b0: {  	v16 =	vadd.f32 v16, v11;
	_ =	sdelay $0x1  }
0x2b1: {  	[tilespmem:v19+s11+$0x0] =	vst.idx.msk $0xffff, v16  }
0x2b2: {  	v16 =	vld [tilespmem:s3+$0xFFFFFFE0]  }
0x2b3: {  	v52 =	vadd.s32 v45, v49  }
0x2b4: {  	v19 =	vor.u32 v18, v52;
	_ =	sdelay $0x2  }
0x2b5: {  	v16 =	vadd.f32 v16, v10;
	_ =	sdelay $0x1  }
0x2b6: {  	[tilespmem:v19+s11+$0x0] =	vst.idx.msk $0xffff, v16  }
0x2b7: {  	v16 =	vld [tilespmem:s3+$0xFFFFFFF0]  }
0x2b8: {  	v15 =	vadd.s32 v46, v49  }
0x2b9: {  	v15 =	vor.u32 v18, v15;
	_ =	sdelay $0x2  }
0x2ba: {  	v16 =	vadd.f32 v16, v8  }
0x2bb: {  	s20 =	sadd.s32 $0x2, s8  }
0x2bc: {  	v53 =	vmov s20;
	[tilespmem:v15+s11+$0x0] =	vst.idx.msk $0xffff, v16  }
0x2bd: {  	v54 =	vand.u32 $0x78, v53;
	v16 =	vld [tilespmem:s3+$0x0]  }
0x2be: {  	v55 =	vadd.s32 v43, v54;
	v18 =	vand.u32 $0x6, v53  }
0x2bf: {  	v19 =	vor.u32 v18, v55;
	_ =	sdelay $0x2  }
0x2c0: {  	v16 =	vadd.f32 v16, v9;
	_ =	sdelay $0x1  }
0x2c1: {  	[tilespmem:v19+s11+$0x0] =	vst.idx.msk $0xffff, v16  }
0x2c2: {  	v16 =	vld [tilespmem:s3+$0x10]  }
0x2c3: {  	v56 =	vadd.s32 v44, v54  }
0x2c4: {  	v19 =	vor.u32 v18, v56;
	_ =	sdelay $0x2  }
0x2c5: {  	v16 =	vadd.f32 v16, v11;
	_ =	sdelay $0x1  }
0x2c6: {  	[tilespmem:v19+s11+$0x0] =	vst.idx.msk $0xffff, v16  }
0x2c7: {  	v16 =	vld [tilespmem:s3+$0x20]  }
0x2c8: {  	v57 =	vadd.s32 v45, v54  }
0x2c9: {  	v19 =	vor.u32 v18, v57;
	_ =	sdelay $0x2  }
0x2ca: {  	v16 =	vadd.f32 v16, v10;
	_ =	sdelay $0x1  }
0x2cb: {  	[tilespmem:v19+s11+$0x0] =	vst.idx.msk $0xffff, v16  }
0x2cc: {  	v16 =	vld [tilespmem:s3+$0x30]  }
0x2cd: {  	v15 =	vadd.s32 v46, v54  }
0x2ce: {  	v15 =	vor.u32 v18, v15;
	_ =	sdelay $0x2  }
0x2cf: {  	v16 =	vadd.f32 v16, v8  }
0x2d0: {  	s21 =	sadd.s32 $0x3, s8  }
0x2d1: {  	v58 =	vmov s21;
	[tilespmem:v15+s11+$0x0] =	vst.idx.msk $0xffff, v16  }
0x2d2: {  	v59 =	vand.u32 $0x78, v58;
	v16 =	vld [tilespmem:s3+$0x40]  }
0x2d3: {  	v13 =	vadd.s32 v43, v59;
	v18 =	vand.u32 $0x7, v58  }
0x2d4: {  	v13 =	vor.u32 v18, v13;
	_ =	sdelay $0x2  }
0x2d5: {  	v60 =	vadd.f32 v16, v9;
	_ =	sdelay $0x1  }
0x2d6: {  	[tilespmem:v13+s11+$0x0] =	vst.idx.msk $0xffff, v60  }
0x2d7: {  	v9 =	vld [tilespmem:s3+$0x50]  }
0x2d8: {  	v61 =	vadd.s32 v44, v59  }
0x2d9: {  	v13 =	vor.u32 v18, v61;
	_ =	sdelay $0x2  }
0x2da: {  	v9 =	vadd.f32 v9, v11;
	_ =	sdelay $0x1  }
0x2db: {  	[tilespmem:v13+s11+$0x0] =	vst.idx.msk $0xffff, v9  }
0x2dc: {  	v9 =	vld [tilespmem:s3+$0x60]  }
0x2dd: {  	v62 =	vadd.s32 v45, v59  }
0x2de: {  	v11 =	vor.u32 v18, v62;
	_ =	sdelay $0x2  }
0x2df: {  	v9 =	vadd.f32 v9, v10;
	_ =	sdelay $0x1  }
0x2e0: {  	[tilespmem:v11+s11+$0x0] =	vst.idx.msk $0xffff, v9  }
0x2e1: {  	v9 =	vld [tilespmem:s3+$0x70]  }
0x2e2: {  	v63 =	vadd.s32 v46, v59  }
0x2e3: {  	v10 =	vor.u32 v18, v63  }
0x2e4: {  	s22 =	sshll.u32 s19, $0xB  }
0x2e5: {  	s26 =	sshll.u32 s18, $0x12;
	s3 =	sand.u32 $0x7800, s22  }
0x2e6: {  	s3 =	sor.u32 s3, s26;
	v8 =	vadd.f32 v9, v8  }
0x2e7: {  	s3 =	sshrl.u32 s3, $0x3  }
0x2e8: {  	s12 =	simm.s32 $0xC600;
	s16 =	sadd.s32 s4, s3;
	[tilespmem:v10+s11+$0x0] =	vst.idx.msk $0xffff, v8  }
0x2e9: {  	[hbm4b:s16+s5] =	stream.linear.scatter [tilespmem:s12], [sflag:$0x6], $0x80, $0x38;
	[tilespmem:$0x14A00] =	vst v63  }
0x2ea: {  	s18 =	simm.s32 $0xC688;
	s19 =	sadd.s32 $0x10, s16  }
0x2eb: {  	[hbm4b:s19+s5] =	stream.linear.scatter [tilespmem:s18], [sflag:$0x6], $0x80, $0x38;
	[tilespmem:$0x14A00] =	vst v63  }
0x2ec: {  	s8 =	simm.s32 $0x880;
	s20 =	simm.s32 $0xC710;
	s21 =	sadd.s32 $0x20, s16  }
0x2ed: {  	[hbm4b:s21+s5] =	stream.linear.scatter [tilespmem:s20], [sflag:$0x6], $0x80, $0x38;
	[tilespmem:$0x14A00] =	vst v63  }
0x2ee: {  	s22 =	simm.s32 $0xC798;
	s26 =	sadd.s32 $0x30, s16;
	s12 =	simm.s32 $0xC9B8  }
0x2ef: {  	[hbm4b:s26+s5] =	stream.linear.scatter [tilespmem:s22], [sflag:$0x6], $0x80, $0x38;
	[tilespmem:$0x14A00] =	vst v63  }
0x2f0: {  	s18 =	simm.s32 $0xC820;
	s19 =	sadd.s32 $0x40, s16;
	s20 =	simm.s32 $0xC8A8  }
0x2f1: {  	[hbm4b:s19+s5] =	stream.linear.scatter [tilespmem:s18], [sflag:$0x6], $0x80, $0x38;
	[tilespmem:$0x14A00] =	vst v63  }
0x2f2: {  	s21 =	sadd.s32 $0x50, s16;
	s22 =	simm.s32 $0xC930;
	s26 =	sadd.s32 $0x60, s16  }
0x2f3: {  	[hbm4b:s21+s5] =	stream.linear.scatter [tilespmem:s20], [sflag:$0x6], $0x80, $0x38;
	[tilespmem:$0x14A00] =	vst v63  }
0x2f4: {  	s19 =	simm.s32 $0x4400;
	s18 =	sadd.s32 $0x1000, s16;
	s20 =	sadd.s32 $0x70, s16  }
0x2f5: {  	[hbm4b:s26+s5] =	stream.linear.scatter [tilespmem:s22], [sflag:$0x6], $0x80, $0x38;
	[tilespmem:$0x14A00] =	vst v63  }
.LBB2_11:
0x2f6: {  	[hbm4b:s20+s5] =	stream.linear.scatter [tilespmem:s12], [sflag:$0x6], $0x80, $0x38;
	[tilespmem:$0x14A00] =	vst v63  }
0x2f7: {  	s12 =	smov.u32 s8;
	s8 =	smov.u32 s19  }
0x2f8: {  	s16 =	sadd.s32 $0x2200, s19;
	s8 =	sshra.s32 s8, $0x2;
	s20 =	sadd.s32 $0xC600, s12  }
0x2f9: {  	[hbm4b:s18+s5] =	stream.linear.scatter [tilespmem:s20], [sflag:$0x6], $0x80, $0x38;
	[tilespmem:$0x14A00] =	vst v63  }
0x2fa: {  	p0 =	sne.s32 s19, $0xEE00;
	s19 =	sadd.s32 $0xC688, s12;
	s20 =	sadd.s32 $0x10, s18  }
0x2fb: {  	[hbm4b:s20+s5] =	stream.linear.scatter [tilespmem:s19], [sflag:$0x6], $0x80, $0x38;
	[tilespmem:$0x14A00] =	vst v63  }
0x2fc: {  	s19 =	sadd.s32 $0xC710, s12;
	s20 =	sadd.s32 $0x20, s18  }
0x2fd: {  	[hbm4b:s20+s5] =	stream.linear.scatter [tilespmem:s19], [sflag:$0x6], $0x80, $0x38;
	[tilespmem:$0x14A00] =	vst v63  }
0x2fe: {  	s19 =	sadd.s32 $0xC798, s12;
	s20 =	sadd.s32 $0x30, s18  }
0x2ff: {  	[hbm4b:s20+s5] =	stream.linear.scatter [tilespmem:s19], [sflag:$0x6], $0x80, $0x38;
	[tilespmem:$0x14A00] =	vst v63  }
0x300: {  	s19 =	sadd.s32 $0xC820, s12;
	s20 =	sadd.s32 $0x40, s18  }
0x301: {  	[hbm4b:s20+s5] =	stream.linear.scatter [tilespmem:s19], [sflag:$0x6], $0x80, $0x38;
	[tilespmem:$0x14A00] =	vst v63  }
.Ltmp4:
0x302: {  	s19 =	sadd.s32 $0xC8A8, s12;
	s20 =	sadd.s32 $0x50, s18;
	(pc) =	sbr.rel @p0 .LBB2_11-.Ltmp4, $4  }
0x303: {  	[hbm4b:s20+s5] =	stream.linear.scatter [tilespmem:s19], [sflag:$0x6], $0x80, $0x38;
	[tilespmem:$0x14A00] =	vst v63  }
0x304: {  	s19 =	sadd.s32 $0xC930, s12;
	s20 =	sadd.s32 $0x60, s18;
	s12 =	sadd.s32 $0xC9B8, s12  }
0x305: {  	[hbm4b:s20+s5] =	stream.linear.scatter [tilespmem:s19], [sflag:$0x6], $0x80, $0x38;
	[tilespmem:$0x14A00] =	vst v63  }
0x306: {  	s20 =	sadd.s32 $0x70, s18;
	s18 =	sadd.s32 $0x1000, s18;
	s19 =	smov.u32 s16  }
0x307: {  	[hbm4b:s20+s5] =	stream.linear.scatter [tilespmem:s12], [sflag:$0x6], $0x80, $0x38;
	[tilespmem:$0x14A00] =	vst v63  }
0x308: {  	s16 =	sadd.s32 $0xC600, s8  }
0x309: {  	[hbm4b:s18+s5] =	stream.linear.scatter [tilespmem:s16], [sflag:$0x6], $0x80, $0x38;
	[tilespmem:$0x14A00] =	vst v63  }
0x30a: {  	s19 =	sadd.s32 $0xC688, s8;
	s16 =	sadd.s32 $0x10, s18  }
0x30b: {  	[hbm4b:s16+s5] =	stream.linear.scatter [tilespmem:s19], [sflag:$0x6], $0x80, $0x38;
	[tilespmem:$0x14A00] =	vst v63  }
0x30c: {  	s20 =	sadd.s32 $0xC710, s8;
	s21 =	sadd.s32 $0x20, s18  }
0x30d: {  	[hbm4b:s21+s5] =	stream.linear.scatter [tilespmem:s20], [sflag:$0x6], $0x80, $0x38;
	[tilespmem:$0x14A00] =	vst v63  }
0x30e: {  	s22 =	sadd.s32 $0xC798, s8;
	s26 =	sadd.s32 $0x30, s18  }
0x30f: {  	[hbm4b:s26+s5] =	stream.linear.scatter [tilespmem:s22], [sflag:$0x6], $0x80, $0x38;
	[tilespmem:$0x14A00] =	vst v63  }
0x310: {  	s16 =	sadd.s32 $0xC820, s8;
	s19 =	sadd.s32 $0x40, s18  }
0x311: {  	[hbm4b:s19+s5] =	stream.linear.scatter [tilespmem:s16], [sflag:$0x6], $0x80, $0x38;
	[tilespmem:$0x14A00] =	vst v63  }
0x312: {  	s20 =	sadd.s32 $0xC8A8, s8;
	s21 =	sadd.s32 $0x50, s18  }
0x313: {  	[hbm4b:s21+s5] =	stream.linear.scatter [tilespmem:s20], [sflag:$0x6], $0x80, $0x38;
	[tilespmem:$0x14A00] =	vst v63  }
0x314: {  	s22 =	sadd.s32 $0xC930, s8;
	s26 =	sadd.s32 $0x60, s18  }
0x315: {  	[hbm4b:s26+s5] =	stream.linear.scatter [tilespmem:s22], [sflag:$0x6], $0x80, $0x38;
	[tilespmem:$0x14A00] =	vst v63  }
0x316: {  	s3 =	sadd.s32 s3, s4;
	s18 =	sadd.s32 $0x70, s18;
	s16 =	sadd.s32 $0xC9B8, s8  }
0x317: {  	[hbm4b:s18+s5] =	stream.linear.scatter [tilespmem:s16], [sflag:$0x6], $0x80, $0x38;
	[tilespmem:$0x14A00] =	vst v63  }
0x318: {  	s8 =	sadd.s32 $0x80, s3;
	s19 =	simm.s32 $0xCA40  }
0x319: {  	[hbm4b:s8+s5] =	stream.linear.scatter [tilespmem:s19], [sflag:$0x6], $0x80, $0x38;
	[tilespmem:$0x14A00] =	vst v63  }
0x31a: {  	s20 =	simm.s32 $0xCAC8;
	s21 =	sadd.s32 $0x10, s8  }
0x31b: {  	[hbm4b:s21+s5] =	stream.linear.scatter [tilespmem:s20], [sflag:$0x6], $0x80, $0x38;
	[tilespmem:$0x14A00] =	vst v63  }
0x31c: {  	s12 =	simm.s32 $0xCBD8;
	s22 =	simm.s32 $0xCB50;
	s26 =	sadd.s32 $0x20, s8  }
0x31d: {  	[hbm4b:s26+s5] =	stream.linear.scatter [tilespmem:s22], [sflag:$0x6], $0x80, $0x38;
	[tilespmem:$0x14A00] =	vst v63  }
0x31e: {  	s3 =	simm.s32 $0x880;
	s16 =	sadd.s32 $0x30, s8;
	s18 =	simm.s32 $0xCC60  }
0x31f: {  	[hbm4b:s16+s5] =	stream.linear.scatter [tilespmem:s12], [sflag:$0x6], $0x80, $0x38;
	[tilespmem:$0x14A00] =	vst v63  }
0x320: {  	s19 =	sadd.s32 $0x40, s8;
	s20 =	simm.s32 $0xCCE8;
	s21 =	sadd.s32 $0x50, s8  }
0x321: {  	[hbm4b:s19+s5] =	stream.linear.scatter [tilespmem:s18], [sflag:$0x6], $0x80, $0x38;
	[tilespmem:$0x14A00] =	vst v63  }
0x322: {  	s22 =	simm.s32 $0xCD70;
	s26 =	sadd.s32 $0x60, s8;
	s12 =	simm.s32 $0xCDF8  }
0x323: {  	[hbm4b:s21+s5] =	stream.linear.scatter [tilespmem:s20], [sflag:$0x6], $0x80, $0x38;
	[tilespmem:$0x14A00] =	vst v63  }
0x324: {  	s18 =	simm.s32 $0x4400;
	s19 =	sadd.s32 $0x70, s8;
	s8 =	sadd.s32 $0x1000, s8  }
0x325: {  	[hbm4b:s26+s5] =	stream.linear.scatter [tilespmem:s22], [sflag:$0x6], $0x80, $0x38;
	[tilespmem:$0x14A00] =	vst v63  }
.LBB2_13:
0x326: {  	[hbm4b:s19+s5] =	stream.linear.scatter [tilespmem:s12], [sflag:$0x6], $0x80, $0x38;
	[tilespmem:$0x14A00] =	vst v63  }
0x327: {  	s12 =	smov.u32 s3;
	s3 =	smov.u32 s18  }
0x328: {  	s16 =	sadd.s32 $0x2200, s18;
	s3 =	sshra.s32 s3, $0x2;
	s19 =	sadd.s32 $0xCA40, s12  }
0x329: {  	[hbm4b:s8+s5] =	stream.linear.scatter [tilespmem:s19], [sflag:$0x6], $0x80, $0x38;
	[tilespmem:$0x14A00] =	vst v63  }
0x32a: {  	p0 =	sne.s32 s18, $0xEE00;
	s18 =	sadd.s32 $0xCAC8, s12;
	s19 =	sadd.s32 $0x10, s8  }
0x32b: {  	[hbm4b:s19+s5] =	stream.linear.scatter [tilespmem:s18], [sflag:$0x6], $0x80, $0x38;
	[tilespmem:$0x14A00] =	vst v63  }
0x32c: {  	s18 =	sadd.s32 $0xCB50, s12;
	s19 =	sadd.s32 $0x20, s8  }
0x32d: {  	[hbm4b:s19+s5] =	stream.linear.scatter [tilespmem:s18], [sflag:$0x6], $0x80, $0x38;
	[tilespmem:$0x14A00] =	vst v63  }
0x32e: {  	s18 =	sadd.s32 $0xCBD8, s12;
	s19 =	sadd.s32 $0x30, s8  }
0x32f: {  	[hbm4b:s19+s5] =	stream.linear.scatter [tilespmem:s18], [sflag:$0x6], $0x80, $0x38;
	[tilespmem:$0x14A00] =	vst v63  }
0x330: {  	s18 =	sadd.s32 $0xCC60, s12;
	s19 =	sadd.s32 $0x40, s8  }
0x331: {  	[hbm4b:s19+s5] =	stream.linear.scatter [tilespmem:s18], [sflag:$0x6], $0x80, $0x38;
	[tilespmem:$0x14A00] =	vst v63  }
.Ltmp5:
0x332: {  	s18 =	sadd.s32 $0xCCE8, s12;
	s19 =	sadd.s32 $0x50, s8;
	(pc) =	sbr.rel @p0 .LBB2_13-.Ltmp5, $4  }
0x333: {  	[hbm4b:s19+s5] =	stream.linear.scatter [tilespmem:s18], [sflag:$0x6], $0x80, $0x38;
	[tilespmem:$0x14A00] =	vst v63  }
0x334: {  	s18 =	sadd.s32 $0xCD70, s12;
	s19 =	sadd.s32 $0x60, s8;
	s12 =	sadd.s32 $0xCDF8, s12  }
0x335: {  	[hbm4b:s19+s5] =	stream.linear.scatter [tilespmem:s18], [sflag:$0x6], $0x80, $0x38;
	[tilespmem:$0x14A00] =	vst v63  }
0x336: {  	s19 =	sadd.s32 $0x70, s8;
	s8 =	sadd.s32 $0x1000, s8;
	s18 =	smov.u32 s16  }
0x337: {  	[hbm4b:s19+s5] =	stream.linear.scatter [tilespmem:s12], [sflag:$0x6], $0x80, $0x38;
	[tilespmem:$0x14A00] =	vst v63  }
0x338: {  	s22 =	sadd.s32 $0xCA40, s3  }
0x339: {  	[hbm4b:s8+s5] =	stream.linear.scatter [tilespmem:s22], [sflag:$0x6], $0x80, $0x38;
	[tilespmem:$0x14A00] =	vst v63  }
0x33a: {  	s26 =	sadd.s32 $0xCAC8, s3;
	s16 =	sadd.s32 $0x10, s8  }
0x33b: {  	[hbm4b:s16+s5] =	stream.linear.scatter [tilespmem:s26], [sflag:$0x6], $0x80, $0x38;
	[tilespmem:$0x14A00] =	vst v63  }
0x33c: {  	s18 =	sadd.s32 $0xCB50, s3;
	s19 =	sadd.s32 $0x20, s8  }
0x33d: {  	[hbm4b:s19+s5] =	stream.linear.scatter [tilespmem:s18], [sflag:$0x6], $0x80, $0x38;
	[tilespmem:$0x14A00] =	vst v63  }
0x33e: {  	s20 =	sadd.s32 $0xCBD8, s3;
	s21 =	sadd.s32 $0x30, s8  }
0x33f: {  	[hbm4b:s21+s5] =	stream.linear.scatter [tilespmem:s20], [sflag:$0x6], $0x80, $0x38;
	[tilespmem:$0x14A00] =	vst v63  }
0x340: {  	s17 =	sadd.s32 $0x1, s17;
	s22 =	sadd.s32 $0xCC60, s3;
	s26 =	sadd.s32 $0x40, s8  }
0x341: {  	[hbm4b:s26+s5] =	stream.linear.scatter [tilespmem:s22], [sflag:$0x6], $0x80, $0x38;
	[tilespmem:$0x14A00] =	vst v63  }
0x342: {  	p0 =	sne.s32 s17, $0x32;
	s18 =	sadd.s32 $0xCCE8, s3;
	s19 =	sadd.s32 $0x50, s8  }
0x343: {  	[hbm4b:s19+s5] =	stream.linear.scatter [tilespmem:s18], [sflag:$0x6], $0x80, $0x38;
	[tilespmem:$0x14A00] =	vst v63  }
.Ltmp6:
0x344: {  	_ = 	snop;
	(pc) =	sbr.rel @p0 .LBB2_2-.Ltmp6, $4  }
0x345: {  	s20 =	sadd.s32 $0xCD70, s3;
	s21 =	sadd.s32 $0x60, s8  }
0x346: {  	[hbm4b:s21+s5] =	stream.linear.scatter [tilespmem:s20], [sflag:$0x6], $0x80, $0x38;
	[tilespmem:$0x14A00] =	vst v63  }
0x347: {  	s22 =	sadd.s32 $0xCDF8, s3;
	s26 =	sadd.s32 $0x70, s8  }
0x348: {  	[hbm4b:s26+s5] =	stream.linear.scatter [tilespmem:s22], [sflag:$0x6], $0x80, $0x38;
	[tilespmem:$0x14A00] =	vst v63  }
0x349: {  	s3 =	simm.s32 $0x5  }
0x34a: {  	_ =	swait.ge [sflag:s3], $0x2000  }
0x34b: {  	[sflag:s3] =	ssyncset.done $0x0  }
0x34c: {  	[sflag:s3] =	ssyncadd.s32 $0xFFFFE000  }
0x34d: {  	_ =	swait.ge [sflag:s3], $0x2000  }
0x34e: {  	[sflag:s3] =	ssyncset.done $0x0  }
0x34f: {  	[sflag:s3] =	ssyncadd.s32 $0xFFFFE000  }
0x350: {  	_ =	swait.ge [sflag:s15], $0x2000  }
0x351: {  	[sflag:s15] =	ssyncset.done $0x0  }
0x352: {  	[sflag:s15] =	ssyncadd.s32 $0xFFFFE000  }
0x353: {  	_ =	swait.ge [sflag:s15], $0x2000  }
0x354: {  	s8 =	rddreg [dreg:$0x11]  }
0x355: {  	s26 =	rddreg [dreg:$0x9];
	s8 =	sadd.s32 $0x1, s8  }
0x356: {  	p0 =	sne.s32 s8, s26  }
.Ltmp7:
0x357: {  	_ = 	snop;
	(pc) =	sbr.rel @p0 .LBB2_1-.Ltmp7, $3  }
0x358: {  	_ =	sdelay $0x1  }
0x359: {  	[sflag:s15] =	ssyncset.done $0x0  }
0x35a: {  	[sflag:s15] =	ssyncadd.s32 $0xFFFFE000  }
0x35b: {  	_ =	sfence.sel $0x180000  }
0x35c: {  	[bflag:$0x0] =	sbarrier.arrive $0xFFFF  }
0x35d: {  	_ =	strace $0x90000047  }
0x35e: {  	s0 =	stileid.u32;
	[bflag:$0x2] =	sbarrier.arrive $0xFFFF  }
0x35f: {  	p0 =	sne.s32 s0, $0x0;
	s0 =	rddreg [dreg:$0x4]  }
0x360: {  	s0 =	sadd.s32 @!p0 $0x100000, s0  }
0x361: {  	[sflag:s0] =	ssyncadd.tile.s32 @!p0 $0x1;
	_ =	shalt  }
.Lfunc_end2:
_tile_overlayer_lowered:
.L_overlay_start_2:
0x362: {  	(tag) =	ssettag $0x2  }
0x363: {  	s0 =	rddreg [dreg:$0x0];
	s2 =	stileid.u32  }
0x364: {  	s1 =	rddreg [dreg:$0x1];
	p0 =	sne.s32 s2, $0x0  }
0x365: {  	s3 =	rddreg [dreg:$0x2];
	[bflag:$0x3] =	sbarrier.arrive $0xFFFF;
	s2 =	simm.s32 @!p0 $0x1C07  }
0x366: {  	[timem:s3], [sflag:s2] =	dma.local @!p0 [hbm:s0], s1  }
0x367: {  	s0 =	simm.s32 @!p0 $0x7  }
0x368: {  	_ =	swait.ge @!p0 [sflag:s0], s1  }
0x369: {  	s1 =	ssub.s32 @!p0 $0x0, s1;
	[sflag:s0] =	ssyncset.done @!p0 $0x0  }
0x36a: {  	[sflag:s0] =	ssyncadd.s32 @!p0 s1  }
0x36b: {  	[bflag:$0x3] =	sbarrier.arrive $0xFFFF  }
0x36c: {  	_ =	shalt  }

</sc_bundles>
